<compile_context>
chip_gen: v7x
topology: tpu7x:2x2x1
jax: 0.10.2.dev20260603
libtpu: 0.0.44.dev20260713+nightly
codegen_flags: <defaults>
</compile_context>

<pallas_src>
import functools

import jax
import jax.numpy as jnp
from jax import lax
from jax.experimental import pallas as pl
from jax.experimental.pallas import tpu as pltpu
from jax.experimental.pallas import tpu_sc as plsc

N = 10000
E = 320000
F = 128
G = 128
NPAD = 10240
EPS = 1e-5
NW = 32
EPW = E // NW
CH = 125
CHW = 128
NCH = EPW // CH
SUP = 8
TRASH = NPAD - 1
CHP = 80
R = 1000
NB = N // R
f32 = jnp.float32

_mesh = plsc.VectorSubcoreMesh(core_axis_name="c", subcore_axis_name="s")



@functools.partial(
    pl.kernel, mesh=_mesh,
    out_type=jax.ShapeDtypeStruct((2, NPAD, F), f32),
    scratch_types=[
        pltpu.VMEM((NCH, CH), jnp.int32),
        pltpu.VMEM((CH, F), f32),
        pltpu.VMEM_SHARED((NPAD, F), f32),
    ])
def _sc_degree(dst_hbm, ones_hbm, zeros_hbm, out_hbm, dst_v, ones_v, acc_sh):
    c = lax.axis_index("c")
    s = lax.axis_index("s")
    wid = c * 16 + s
    rpt = NPAD // 16
    pltpu.sync_copy(zeros_hbm.at[pl.ds(s * rpt, rpt)],
                    acc_sh.at[pl.ds(s * rpt, rpt)])
    pltpu.sync_copy(dst_hbm.at[wid], dst_v)
    pltpu.sync_copy(ones_hbm, ones_v)
    plsc.subcore_barrier()

    def body(j, _):
        pltpu.sync_copy(ones_v, acc_sh.at[dst_v.at[j]], add=True)
        return 0
    lax.fori_loop(0, NCH, body, 0)

    plsc.subcore_barrier()
    pltpu.sync_copy(acc_sh.at[pl.ds(s * rpt, rpt)],
                    out_hbm.at[c].at[pl.ds(s * rpt, rpt)])


@functools.partial(
    pl.kernel, mesh=_mesh,
    out_type=jax.ShapeDtypeStruct((2, NPAD, F), f32),
    scratch_types=[
        pltpu.VMEM((NCH, CH), jnp.int32),
        pltpu.VMEM((NCH, CH), jnp.int32),
        pltpu.VMEM((CH, F), f32),
        pltpu.VMEM_SHARED((NPAD, F), f32),
        pltpu.SemaphoreType.DMA,
    ])
def _sc_prop(u_hbm, src_hbm, dst_hbm, zeros_hbm, out_hbm,
             src_v, dst_v, rows_v, acc_sh, sem):
    c = lax.axis_index("c")
    s = lax.axis_index("s")
    wid = c * 16 + s
    rpt = NPAD // 16
    pltpu.sync_copy(zeros_hbm.at[pl.ds(s * rpt, rpt)],
                    acc_sh.at[pl.ds(s * rpt, rpt)])
    pltpu.sync_copy(src_hbm.at[wid], src_v)
    pltpu.sync_copy(dst_hbm.at[wid], dst_v)
    plsc.subcore_barrier()

    def body(j, _):
        pltpu.async_copy(u_hbm.at[src_v.at[j]], rows_v, sem).wait()
        pltpu.sync_copy(rows_v, acc_sh.at[dst_v.at[j]], add=True)
        return 0
    lax.fori_loop(0, NCH, body, 0)

    plsc.subcore_barrier()
    pltpu.sync_copy(acc_sh.at[pl.ds(s * rpt, rpt)],
                    out_hbm.at[c].at[pl.ds(s * rpt, rpt)])


@functools.partial(
    pl.kernel, mesh=_mesh,
    out_type=jax.ShapeDtypeStruct((2, G, F), f32),
    scratch_types=[
        pltpu.VMEM((1, CHP), jnp.int32),
        pltpu.VMEM((CHP, F), f32),
        pltpu.VMEM_SHARED((G, F), f32),
        pltpu.SemaphoreType.DMA,
    ])
def _sc_pool(h_hbm, batch_hbm, zg_hbm, out_hbm, bidx_v, rows_v, acc_sh, sem):
    c = lax.axis_index("c")
    s = lax.axis_index("s")
    wid = c * 16 + s
    rpt = G // 16
    pltpu.sync_copy(zg_hbm.at[pl.ds(s * rpt, rpt)],
                    acc_sh.at[pl.ds(s * rpt, rpt)])
    plsc.subcore_barrier()
    for k in range(4):
        j = wid + 32 * k

        @pl.when(j < N // CHP)
        def _():
            pltpu.sync_copy(h_hbm.at[pl.ds(j * CHP, CHP)], rows_v)
            pltpu.sync_copy(batch_hbm.at[j], bidx_v.at[0])
            pltpu.sync_copy(rows_v, acc_sh.at[bidx_v.at[0]], add=True)
    plsc.subcore_barrier()
    pltpu.sync_copy(acc_sh.at[pl.ds(s * rpt, rpt)],
                    out_hbm.at[c].at[pl.ds(s * rpt, rpt)])



def _stats_body(h_ref, out_ref):
    i = pl.program_id(0)

    @pl.when(i == 0)
    def _():
        out_ref[...] = jnp.zeros_like(out_ref)
    h = h_ref[...]
    out_ref[0:1, :] += jnp.sum(h, axis=0, keepdims=True)
    out_ref[1:2, :] += jnp.sum(h * h, axis=0, keepdims=True)


def _stats_call(h):
    return pl.pallas_call(
        _stats_body,
        grid=(NB,),
        in_specs=[pl.BlockSpec((R, F), lambda i: (i, 0))],
        out_specs=pl.BlockSpec((2, F), lambda i: (0, 0)),
        out_shape=jax.ShapeDtypeStruct((2, F), f32),
    )(h)


def _dinv_body(hist_ref, out_ref):
    sall = hist_ref[0] + hist_ref[1]
    deg = sall[:, 0:1] + 1.0
    out_ref[...] = lax.rsqrt(deg)


def _dinv_call(hist):
    return pl.pallas_call(
        _dinv_body,
        out_shape=jax.ShapeDtypeStruct((NPAD, 1), f32),
    )(hist)


def _mm_body(h_ref, W_ref, st_ref, b_ref, d_ref, out_ref, st_out_ref,
             *, relu, use_dinv):
    m = st_ref[0:1, :] / N
    v = st_ref[1:2, :] / N - m * m
    sc = lax.rsqrt(v + EPS)
    hn = (h_ref[...] - m) * sc + 1e-4
    z = jnp.dot(hn, W_ref[...], preferred_element_type=f32) + b_ref[...]
    if relu:
        z = jnp.maximum(z, 0.0)
    if use_dinv:
        z = z * d_ref[...]
    out_ref[...] = z
    i = pl.program_id(0)

    @pl.when(i == 0)
    def _():
        st_out_ref[...] = jnp.zeros_like(st_out_ref)
    st_out_ref[0:1, :] += jnp.sum(z, axis=0, keepdims=True)
    st_out_ref[1:2, :] += jnp.sum(z * z, axis=0, keepdims=True)


def _mm_call(h, W, st, b, dcol, *, relu, use_dinv):
    body = functools.partial(_mm_body, relu=relu, use_dinv=use_dinv)
    return pl.pallas_call(
        body,
        grid=(NB,),
        in_specs=[
            pl.BlockSpec((R, F), lambda i: (i, 0)),
            pl.BlockSpec((F, F), lambda i: (0, 0)),
            pl.BlockSpec((2, F), lambda i: (0, 0)),
            pl.BlockSpec((1, F), lambda i: (0, 0)),
            pl.BlockSpec((R, 1), lambda i: (i, 0)),
        ],
        out_specs=[pl.BlockSpec((R, F), lambda i: (i, 0)),
                   pl.BlockSpec((2, F), lambda i: (0, 0))],
        out_shape=[jax.ShapeDtypeStruct((N, F), f32),
                   jax.ShapeDtypeStruct((2, F), f32)],
    )(h, W, st, b, dcol)


def _post_body(agg_ref, u_ref, d_ref, b_ref, h_ref, st_out_ref):
    a = agg_ref[0] + agg_ref[1]
    h = jnp.maximum(d_ref[...] * (a + u_ref[...]) + b_ref[...], 0.0)
    h_ref[...] = h
    i = pl.program_id(0)

    @pl.when(i == 0)
    def _():
        st_out_ref[...] = jnp.zeros_like(st_out_ref)
    st_out_ref[0:1, :] += jnp.sum(h, axis=0, keepdims=True)
    st_out_ref[1:2, :] += jnp.sum(h * h, axis=0, keepdims=True)


def _post_call(agg, u, dcol, b):
    return pl.pallas_call(
        _post_body,
        grid=(NB,),
        in_specs=[
            pl.BlockSpec((2, R, F), lambda i: (0, i, 0)),
            pl.BlockSpec((R, F), lambda i: (i, 0)),
            pl.BlockSpec((R, 1), lambda i: (i, 0)),
            pl.BlockSpec((1, F), lambda i: (0, 0)),
        ],
        out_specs=[pl.BlockSpec((R, F), lambda i: (i, 0)),
                   pl.BlockSpec((2, F), lambda i: (0, 0))],
        out_shape=[jax.ShapeDtypeStruct((N, F), f32),
                   jax.ShapeDtypeStruct((2, F), f32)],
    )(agg, u, dcol, b)


def _log_softmax(lg):
    mx = jnp.max(lg, axis=1, keepdims=True)
    e = jnp.exp(lg - mx)
    return lg - mx - jnp.log(jnp.sum(e, axis=1, keepdims=True))


def _nodehead_body(h_ref, W1_ref, b1_ref, W2_ref, b2_ref, out_ref):
    t = jnp.maximum(
        jnp.dot(h_ref[...], W1_ref[...], preferred_element_type=f32)
        + b1_ref[...], 0.0)
    lg = jnp.dot(t, W2_ref[...], preferred_element_type=f32) + b2_ref[...]
    out_ref[...] = _log_softmax(lg)


def _nodehead_call(h, W1, b1, W2, b2):
    nc = W2.shape[1]
    return pl.pallas_call(
        _nodehead_body,
        grid=(NB,),
        in_specs=[
            pl.BlockSpec((R, F), lambda i: (i, 0)),
            pl.BlockSpec((F, F), lambda i: (0, 0)),
            pl.BlockSpec((1, F), lambda i: (0, 0)),
            pl.BlockSpec((F, nc), lambda i: (0, 0)),
            pl.BlockSpec((1, nc), lambda i: (0, 0)),
        ],
        out_specs=pl.BlockSpec((R, nc), lambda i: (i, 0)),
        out_shape=jax.ShapeDtypeStruct((N, nc), f32),
    )(h, W1, b1, W2, b2)


def _bn_full(g):
    m = jnp.mean(g, axis=0, keepdims=True)
    v = jnp.mean((g - m) ** 2, axis=0, keepdims=True)
    return (g - m) * lax.rsqrt(v + EPS) + 1e-4


def _graphhead_body(gp_ref, Wl_ref, bl_ref, Wc_ref, bc_ref, out_ref):
    g = gp_ref[0] + gp_ref[1]
    g_ = jnp.maximum(
        jnp.dot(_bn_full(g), Wl_ref[...], preferred_element_type=f32)
        + bl_ref[...], 0.0)
    lg = (jnp.dot(_bn_full(g_), Wc_ref[...], preferred_element_type=f32)
          + bc_ref[...])
    out_ref[...] = _log_softmax(lg)


def _graphhead_call(gp, Wl, bl, Wc, bc):
    nc = Wc.shape[1]
    return pl.pallas_call(
        _graphhead_body,
        out_shape=jax.ShapeDtypeStruct((G, nc), f32),
    )(gp, Wl, bl, Wc, bc)



def kernel(x, edge_index, batch, Wf, bf, W1, b1, W2, b2, W3, b3,
           Wlin, blin, Wcls, bcls, Wn1, bn1, Wn2, bn2):
    src3 = edge_index[0].astype(jnp.int32).reshape(NW, NCH, CH)
    dst3 = edge_index[1].astype(jnp.int32).reshape(NW, NCH, CH)
    dstp = jnp.pad(dst3, ((0, 0), (0, 0), (0, CHW - CH)),
                   constant_values=TRASH)
    batch2 = batch.astype(jnp.int32).reshape(N // CHP, CHP)
    h0 = x[:, 7:]
    zeros_big = jnp.zeros((NPAD, F), f32)
    zeros_g = jnp.zeros((G, F), f32)

    hist = _sc_degree(dst3, jnp.ones((CH, F), f32), zeros_big)
    dinv_col = _dinv_call(hist)

    st = _stats_call(h0)
    h, st = _mm_call(h0, Wf, st, bf.reshape(1, F), dinv_col,
                     relu=True, use_dinv=False)
    for W, b in ((W1, b1), (W2, b2), (W3, b3)):
        u, _ = _mm_call(h, W, st, jnp.zeros((1, F), f32), dinv_col,
                        relu=False, use_dinv=True)
        agg = _sc_prop(u, src3, dst3, zeros_big)
        h, st = _post_call(agg, u, dinv_col, b.reshape(1, F))

    gp = _sc_pool(h, batch2, zeros_g)
    out_graph = _graphhead_call(gp, Wlin, blin.reshape(1, F),
                                Wcls, bcls.reshape(1, -1))
    out_nodes = _nodehead_call(h, Wn1, bn1.reshape(1, F),
                               Wn2, bn2.reshape(1, -1))
    return out_graph, out_nodes

# --- scband reference (transcript-rebuilt; emitter-appended) ---
"""Pipeline reference for scband-res-gcn-86723979641519 (READ-ONLY COPY).

The authoritative reference and input builder live on the scoring server;
editing this copy changes nothing except your own understanding.
"""

import jax, jax.numpy as jnp
import numpy as np

N = 10000
E = 320000
IN_FEAT = 135
NUM_NODE_LABELS = 7
HIDDEN = 128
NUM_CLASSES = 10
NUM_GRAPHS = 128
EPS = 1e-5


def _bn(x):
    # BatchNorm1d in training mode, weight=1, bias=1e-4 (per init in ResGCN)
    m = jnp.mean(x, axis=0, keepdims=True)
    v = jnp.var(x, axis=0, keepdims=True)
    return (x - m) / jnp.sqrt(v + EPS) * 1.0 + 1e-4


def _gcn_conv(x, src, dst, W, b):
    # GCNConv with edge_norm=True: add self-loops, symmetric D^-1/2 (A+I) D^-1/2 x W + b
    n = x.shape[0]
    loops = jnp.arange(n, dtype=src.dtype)
    s = jnp.concatenate([src, loops])
    d = jnp.concatenate([dst, loops])
    deg = jax.ops.segment_sum(jnp.ones(s.shape[0], dtype=x.dtype), d, num_segments=n)
    dinv = jnp.where(deg > 0, 1.0 / jnp.sqrt(deg), 0.0)
    norm = dinv[s] * dinv[d]
    h = x @ W
    msg = h[s] * norm[:, None]
    out = jax.ops.segment_sum(msg, d, num_segments=n)
    return out + b


def setup_inputs(seed: int = 0) -> dict:
    key = jax.random.key(seed)
    ks = jax.random.split(key, 24)
    sc = 1.0 / np.sqrt(HIDDEN)
    inp = {
        "x": jax.random.normal(ks[0], (N, IN_FEAT), dtype=jnp.float32),
        "edge_index": jax.random.randint(ks[1], (2, E), 0, N),
        "batch": jnp.sort(jax.random.randint(ks[2], (N,), 0, NUM_GRAPHS)),
        "Wf": jax.random.normal(ks[3], (HIDDEN, HIDDEN), dtype=jnp.float32) * sc,
        "bf": jnp.zeros((HIDDEN,), jnp.float32),
        "W1": jax.random.normal(ks[4], (HIDDEN, HIDDEN), dtype=jnp.float32) * sc,
        "b1": jnp.zeros((HIDDEN,), jnp.float32),
        "W2": jax.random.normal(ks[5], (HIDDEN, HIDDEN), dtype=jnp.float32) * sc,
        "b2": jnp.zeros((HIDDEN,), jnp.float32),
        "W3": jax.random.normal(ks[6], (HIDDEN, HIDDEN), dtype=jnp.float32) * sc,
        "b3": jnp.zeros((HIDDEN,), jnp.float32),
        "Wlin": jax.random.normal(ks[7], (HIDDEN, HIDDEN), dtype=jnp.float32) * sc,
        "blin": jnp.zeros((HIDDEN,), jnp.float32),
        "Wcls": jax.random.normal(ks[8], (HIDDEN, NUM_CLASSES), dtype=jnp.float32) * sc,
        "bcls": jnp.zeros((NUM_CLASSES,), jnp.float32),
        "Wn1": jax.random.normal(ks[9], (HIDDEN, HIDDEN), dtype=jnp.float32) * sc,
        "bn1": jnp.zeros((HIDDEN,), jnp.float32),
        "Wn2": jax.random.normal(ks[10], (HIDDEN, NUM_NODE_LABELS - 1), dtype=jnp.float32) * sc,
        "bn2": jnp.zeros((NUM_NODE_LABELS - 1,), jnp.float32),
    }
    return inp


def reference(x, edge_index, batch, Wf, bf, W1, b1, W2, b2, W3, b3, Wlin, blin, Wcls, bcls, Wn1, bn1, Wn2, bn2):
    src = edge_index[0]
    dst = edge_index[1]
    h = x[:, NUM_NODE_LABELS:]
    h = _bn(h)
    # conv_feat: gfn=True -> linear only (no propagation)
    h = jax.nn.relu(h @ Wf + bf)
    for W, b in ((W1, b1), (W2, b2), (W3, b3)):
        h_ = _bn(h)
        h_ = jax.nn.relu(_gcn_conv(h_, src, dst, W, b))
        h = h_  # residual=False
    node_features = h
    # global_add_pool
    g = jax.ops.segment_sum(h, batch, num_segments=NUM_GRAPHS)
    g_ = _bn(g)
    g_ = jax.nn.relu(g_ @ Wlin + blin)
    g = g_  # fc_residual=False
    g = _bn(g)
    g = g @ Wcls + bcls
    out_graph = jax.nn.log_softmax(g, axis=-1)
    xn = jax.nn.relu(node_features @ Wn1 + bn1) @ Wn2 + bn2
    out_nodes = jax.nn.log_softmax(xn, axis=-1)
    return (out_graph, out_nodes)

if __name__ == "__main__":
    import jax
    _d = setup_inputs()
    print(jax.jit(kernel)(*tuple(_d.values())))

</pallas_src>

<mosaic_0001>
#map = affine_map<(d0, d1) -> (0, 0)>
#map1 = affine_map<(d0, d1) -> (0, 0, 0)>
module attributes {stable_mosaic.version = 14 : i64} {
  func.func @_sc_prop(%arg0: i32, %arg1: i32, %arg2: memref<10000x128xf32, #tpu.memory_space<hbm>>, %arg3: memref<32x80x125xi32, #tpu.memory_space<hbm>>, %arg4: memref<32x80x125xi32, #tpu.memory_space<hbm>>, %arg5: memref<10240x128xf32, #tpu.memory_space<hbm>>, %arg6: memref<2x10240x128xf32, #tpu.memory_space<hbm>>, %arg7: memref<80x125xi32, #tpu.memory_space<vmem>>, %arg8: memref<80x125xi32, #tpu.memory_space<vmem>>, %arg9: memref<125x128xf32, #tpu.memory_space<vmem>>, %arg10: memref<10240x128xf32, #tpu.memory_space<vmem_shared>>, %arg11: memref<!tpu.dma_semaphore, #tpu.memory_space<semaphore_mem>>) attributes {dimension_semantics = [#tpu.dimension_semantics<core_parallel>, #tpu.dimension_semantics<subcore_parallel>], iteration_bounds = array<i64: 2, 16>, scalar_prefetch = 0 : i64, scratch_operands = 5 : i64, tpu.core_type = #tpu.core_type<sc_vector_subcore>, window_params = [{transform_indices = #map}, {transform_indices = #map1}, {transform_indices = #map1}, {transform_indices = #map}, {transform_indices = #map1}]} {
    %mul3A = arith.constant 16 : i32
    %mul3A_0 = arith.muli %arg0, %mul3A : i32
    %add3A = arith.addi %mul3A_0, %arg1 : i32
    %mul3A_1 = arith.constant 640 : i32
    %mul3A_2 = arith.muli %arg1, %mul3A_1 : i32
    %mul3A_3 = arith.constant 640 : i32
    %mul3A_4 = arith.muli %arg1, %mul3A_3 : i32
    "tpu.region"() ({
      %run_scoped3A = tpu.sem_alloc : memref<!tpu.dma_semaphore, #tpu.memory_space<semaphore_mem>>
      %dma_start3A = arith.constant 0 : i32
      %dma_start3A_16 = tpu.memref_slice %arg10[%mul3A_4, %dma_start3A] : memref<10240x128xf32, #tpu.memory_space<vmem_shared>> -> memref<640x128xf32, #tpu.memory_space<vmem_shared>>
      %dma_start3A_17 = arith.constant 0 : i32
      %dma_start3A_18 = tpu.memref_slice %arg5[%mul3A_2, %dma_start3A_17] : memref<10240x128xf32, #tpu.memory_space<hbm>> -> memref<640x128xf32, #tpu.memory_space<hbm>>
      tpu.enqueue_dma source(%dma_start3A_18 : memref<640x128xf32, #tpu.memory_space<hbm>>) target(%dma_start3A_16 : memref<640x128xf32, #tpu.memory_space<vmem_shared>>) target_semaphore(%run_scoped3A : memref<!tpu.dma_semaphore, #tpu.memory_space<semaphore_mem>>)
      %dma_wait3A = arith.constant 0 : i32
      %dma_wait3A_19 = tpu.memref_slice %arg10[%mul3A_4, %dma_wait3A] : memref<10240x128xf32, #tpu.memory_space<vmem_shared>> -> memref<640x128xf32, #tpu.memory_space<vmem_shared>>
      %dma_wait3A_20 = arith.constant 0 : i32
      %dma_wait3A_21 = tpu.memref_slice %arg5[%mul3A_2, %dma_wait3A_20] : memref<10240x128xf32, #tpu.memory_space<hbm>> -> memref<640x128xf32, #tpu.memory_space<hbm>>
      tpu.wait_dma2 semaphore(%run_scoped3A : memref<!tpu.dma_semaphore, #tpu.memory_space<semaphore_mem>>) src(%dma_wait3A_21 : memref<640x128xf32, #tpu.memory_space<hbm>>) dst(%dma_wait3A_19 : memref<640x128xf32, #tpu.memory_space<vmem_shared>>)
      tpu.yield
    }) : () -> ()
    "tpu.region"() ({
      %run_scoped3A = tpu.sem_alloc : memref<!tpu.dma_semaphore, #tpu.memory_space<semaphore_mem>>
      %dma_start3A = arith.constant 0 : i32
      %dma_start3A_16 = arith.constant 0 : i32
      %dma_start3A_17 = tpu.memref_slice %arg3[%add3A, %dma_start3A, %dma_start3A_16] : memref<32x80x125xi32, #tpu.memory_space<hbm>> -> memref<1x80x125xi32, #tpu.memory_space<hbm>>
      %dma_start3A_18 = tpu.memref_squeeze %dma_start3A_17 : memref<1x80x125xi32, #tpu.memory_space<hbm>> -> memref<80x125xi32, #tpu.memory_space<hbm>>
      %dma_start3A_19 = arith.constant 0 : i32
      %dma_start3A_20 = arith.constant 0 : i32
      %dma_start3A_21 = tpu.memref_slice %arg3[%add3A, %dma_start3A_19, %dma_start3A_20] : memref<32x80x125xi32, #tpu.memory_space<hbm>> -> memref<1x80x125xi32, #tpu.memory_space<hbm>>
      %dma_start3A_22 = tpu.memref_squeeze %dma_start3A_21 : memref<1x80x125xi32, #tpu.memory_space<hbm>> -> memref<80x125xi32, #tpu.memory_space<hbm>>
      tpu.enqueue_dma source(%dma_start3A_22 : memref<80x125xi32, #tpu.memory_space<hbm>>) target(%arg7 : memref<80x125xi32, #tpu.memory_space<vmem>>) target_semaphore(%run_scoped3A : memref<!tpu.dma_semaphore, #tpu.memory_space<semaphore_mem>>)
      %dma_wait3A = arith.constant 0 : i32
      %dma_wait3A_23 = arith.constant 0 : i32
      %dma_wait3A_24 = tpu.memref_slice %arg3[%add3A, %dma_wait3A, %dma_wait3A_23] : memref<32x80x125xi32, #tpu.memory_space<hbm>> -> memref<1x80x125xi32, #tpu.memory_space<hbm>>
      %dma_wait3A_25 = tpu.memref_squeeze %dma_wait3A_24 : memref<1x80x125xi32, #tpu.memory_space<hbm>> -> memref<80x125xi32, #tpu.memory_space<hbm>>
      %dma_wait3A_26 = arith.constant 0 : i32
      %dma_wait3A_27 = arith.constant 0 : i32
      %dma_wait3A_28 = tpu.memref_slice %arg3[%add3A, %dma_wait3A_26, %dma_wait3A_27] : memref<32x80x125xi32, #tpu.memory_space<hbm>> -> memref<1x80x125xi32, #tpu.memory_space<hbm>>
      %dma_wait3A_29 = tpu.memref_squeeze %dma_wait3A_28 : memref<1x80x125xi32, #tpu.memory_space<hbm>> -> memref<80x125xi32, #tpu.memory_space<hbm>>
      tpu.wait_dma2 semaphore(%run_scoped3A : memref<!tpu.dma_semaphore, #tpu.memory_space<semaphore_mem>>) src(%dma_wait3A_29 : memref<80x125xi32, #tpu.memory_space<hbm>>) dst(%arg7 : memref<80x125xi32, #tpu.memory_space<vmem>>)
      tpu.yield
    }) : () -> ()
    "tpu.region"() ({
      %run_scoped3A = tpu.sem_alloc : memref<!tpu.dma_semaphore, #tpu.memory_space<semaphore_mem>>
      %dma_start3A = arith.constant 0 : i32
      %dma_start3A_16 = arith.constant 0 : i32
      %dma_start3A_17 = tpu.memref_slice %arg4[%add3A, %dma_start3A, %dma_start3A_16] : memref<32x80x125xi32, #tpu.memory_space<hbm>> -> memref<1x80x125xi32, #tpu.memory_space<hbm>>
      %dma_start3A_18 = tpu.memref_squeeze %dma_start3A_17 : memref<1x80x125xi32, #tpu.memory_space<hbm>> -> memref<80x125xi32, #tpu.memory_space<hbm>>
      %dma_start3A_19 = arith.constant 0 : i32
      %dma_start3A_20 = arith.constant 0 : i32
      %dma_start3A_21 = tpu.memref_slice %arg4[%add3A, %dma_start3A_19, %dma_start3A_20] : memref<32x80x125xi32, #tpu.memory_space<hbm>> -> memref<1x80x125xi32, #tpu.memory_space<hbm>>
      %dma_start3A_22 = tpu.memref_squeeze %dma_start3A_21 : memref<1x80x125xi32, #tpu.memory_space<hbm>> -> memref<80x125xi32, #tpu.memory_space<hbm>>
      tpu.enqueue_dma source(%dma_start3A_22 : memref<80x125xi32, #tpu.memory_space<hbm>>) target(%arg8 : memref<80x125xi32, #tpu.memory_space<vmem>>) target_semaphore(%run_scoped3A : memref<!tpu.dma_semaphore, #tpu.memory_space<semaphore_mem>>)
      %dma_wait3A = arith.constant 0 : i32
      %dma_wait3A_23 = arith.constant 0 : i32
      %dma_wait3A_24 = tpu.memref_slice %arg4[%add3A, %dma_wait3A, %dma_wait3A_23] : memref<32x80x125xi32, #tpu.memory_space<hbm>> -> memref<1x80x125xi32, #tpu.memory_space<hbm>>
      %dma_wait3A_25 = tpu.memref_squeeze %dma_wait3A_24 : memref<1x80x125xi32, #tpu.memory_space<hbm>> -> memref<80x125xi32, #tpu.memory_space<hbm>>
      %dma_wait3A_26 = arith.constant 0 : i32
      %dma_wait3A_27 = arith.constant 0 : i32
      %dma_wait3A_28 = tpu.memref_slice %arg4[%add3A, %dma_wait3A_26, %dma_wait3A_27] : memref<32x80x125xi32, #tpu.memory_space<hbm>> -> memref<1x80x125xi32, #tpu.memory_space<hbm>>
      %dma_wait3A_29 = tpu.memref_squeeze %dma_wait3A_28 : memref<1x80x125xi32, #tpu.memory_space<hbm>> -> memref<80x125xi32, #tpu.memory_space<hbm>>
      tpu.wait_dma2 semaphore(%run_scoped3A : memref<!tpu.dma_semaphore, #tpu.memory_space<semaphore_mem>>) src(%dma_wait3A_29 : memref<80x125xi32, #tpu.memory_space<hbm>>) dst(%arg8 : memref<80x125xi32, #tpu.memory_space<vmem>>)
      tpu.yield
    }) : () -> ()
    %barrier3A = arith.constant 0 : index
    tpu.barrier barrier_id(%barrier3A)
    %scan3A = arith.constant 0 : i32
    %scan3A_5 = arith.constant 0 : i32
    %scan3A_6 = arith.constant 80 : i32
    %scan3A_7 = arith.addi %scan3A_5, %scan3A_6 : i32
    %scan3A_8 = arith.constant 1 : i32
    %scan3A_9 = scf.for %scan3A_16 = %scan3A_5 to %scan3A_7 step %scan3A_8 iter_args(%scan3A_17 = %scan3A) -> (i32)  : i32 {
      %dma_start3A = arith.constant 0 : i32
      %dma_start3A_18 = tpu.memref_slice %arg7[%scan3A_16, %dma_start3A] : memref<80x125xi32, #tpu.memory_space<vmem>> -> memref<1x125xi32, #tpu.memory_space<vmem>>
      %dma_start3A_19 = tpu.memref_squeeze %dma_start3A_18 : memref<1x125xi32, #tpu.memory_space<vmem>> -> memref<125xi32, #tpu.memory_space<vmem>>
      %dma_start3A_20 = arith.constant 0 : i32
      %dma_start3A_21 = arith.constant 0 : i32
      %dma_start3A_22 = tpu.memref_slice %arg2[%dma_start3A_20, %dma_start3A_21] : memref<10000x128xf32, #tpu.memory_space<hbm>> -> memref<10000x128xf32, #tpu.memory_space<hbm>>
      tpu.enqueue_indirect_dma source(%dma_start3A_22 : memref<10000x128xf32, #tpu.memory_space<hbm>>) target(%arg9 : memref<125x128xf32, #tpu.memory_space<vmem>>) offsets(%dma_start3A_19 : memref<125xi32, #tpu.memory_space<vmem>>) semaphore(%arg11 : memref<!tpu.dma_semaphore, #tpu.memory_space<semaphore_mem>>)
      %dma_wait3A = arith.constant 0 : i32
      %dma_wait3A_23 = tpu.memref_slice %arg7[%scan3A_16, %dma_wait3A] : memref<80x125xi32, #tpu.memory_space<vmem>> -> memref<1x125xi32, #tpu.memory_space<vmem>>
      %dma_wait3A_24 = tpu.memref_squeeze %dma_wait3A_23 : memref<1x125xi32, #tpu.memory_space<vmem>> -> memref<125xi32, #tpu.memory_space<vmem>>
      %dma_wait3A_25 = arith.constant 0 : i32
      %dma_wait3A_26 = arith.constant 0 : i32
      %dma_wait3A_27 = tpu.memref_slice %arg2[%dma_wait3A_25, %dma_wait3A_26] : memref<10000x128xf32, #tpu.memory_space<hbm>> -> memref<10000x128xf32, #tpu.memory_space<hbm>>
      tpu.wait_indirect_dma semaphore(%arg11 : memref<!tpu.dma_semaphore, #tpu.memory_space<semaphore_mem>>) src(%dma_wait3A_27 : memref<10000x128xf32, #tpu.memory_space<hbm>>) dst(%arg9 : memref<125x128xf32, #tpu.memory_space<vmem>>)
      "tpu.region"() ({
        %run_scoped3A = tpu.sem_alloc : memref<!tpu.dma_semaphore, #tpu.memory_space<semaphore_mem>>
        %dma_start3A_29 = arith.constant 0 : i32
        %dma_start3A_30 = tpu.memref_slice %arg8[%scan3A_16, %dma_start3A_29] : memref<80x125xi32, #tpu.memory_space<vmem>> -> memref<1x125xi32, #tpu.memory_space<vmem>>
        %dma_start3A_31 = tpu.memref_squeeze %dma_start3A_30 : memref<1x125xi32, #tpu.memory_space<vmem>> -> memref<125xi32, #tpu.memory_space<vmem>>
        %dma_start3A_32 = arith.constant 0 : i32
        %dma_start3A_33 = arith.constant 0 : i32
        %dma_start3A_34 = tpu.memref_slice %arg10[%dma_start3A_32, %dma_start3A_33] : memref<10240x128xf32, #tpu.memory_space<vmem_shared>> -> memref<10240x128xf32, #tpu.memory_space<vmem_shared>>
        tpu.enqueue_indirect_dma source(%arg9 : memref<125x128xf32, #tpu.memory_space<vmem>>) target(%dma_start3A_34 : memref<10240x128xf32, #tpu.memory_space<vmem_shared>>) offsets(%dma_start3A_31 : memref<125xi32, #tpu.memory_space<vmem>>) semaphore(%run_scoped3A : memref<!tpu.dma_semaphore, #tpu.memory_space<semaphore_mem>>) {add = true}
        %dma_wait3A_35 = arith.constant 0 : i32
        %dma_wait3A_36 = tpu.memref_slice %arg8[%scan3A_16, %dma_wait3A_35] : memref<80x125xi32, #tpu.memory_space<vmem>> -> memref<1x125xi32, #tpu.memory_space<vmem>>
        %dma_wait3A_37 = tpu.memref_squeeze %dma_wait3A_36 : memref<1x125xi32, #tpu.memory_space<vmem>> -> memref<125xi32, #tpu.memory_space<vmem>>
        %dma_wait3A_38 = arith.constant 0 : i32
        %dma_wait3A_39 = arith.constant 0 : i32
        %dma_wait3A_40 = tpu.memref_slice %arg10[%dma_wait3A_38, %dma_wait3A_39] : memref<10240x128xf32, #tpu.memory_space<vmem_shared>> -> memref<10240x128xf32, #tpu.memory_space<vmem_shared>>
        tpu.wait_indirect_dma semaphore(%run_scoped3A : memref<!tpu.dma_semaphore, #tpu.memory_space<semaphore_mem>>) src(%arg9 : memref<125x128xf32, #tpu.memory_space<vmem>>) dst(%dma_wait3A_40 : memref<10240x128xf32, #tpu.memory_space<vmem_shared>>)
        tpu.yield
      }) : () -> ()
      %scan3A_28 = arith.constant 0 : i32
      scf.yield %scan3A_28 : i32
    }
    %scan3A_10 = arith.constant 80 : i32
    %barrier3A_11 = arith.constant 0 : index
    tpu.barrier barrier_id(%barrier3A_11)
    %mul3A_12 = arith.constant 640 : i32
    %mul3A_13 = arith.muli %arg1, %mul3A_12 : i32
    %mul3A_14 = arith.constant 640 : i32
    %mul3A_15 = arith.muli %arg1, %mul3A_14 : i32
    "tpu.region"() ({
      %run_scoped3A = tpu.sem_alloc : memref<!tpu.dma_semaphore, #tpu.memory_space<semaphore_mem>>
      %dma_start3A = arith.constant 0 : i32
      %dma_start3A_16 = arith.constant 0 : i32
      %dma_start3A_17 = tpu.memref_slice %arg6[%arg0, %dma_start3A, %dma_start3A_16] : memref<2x10240x128xf32, #tpu.memory_space<hbm>> -> memref<1x10240x128xf32, #tpu.memory_space<hbm>>
      %dma_start3A_18 = tpu.memref_squeeze %dma_start3A_17 : memref<1x10240x128xf32, #tpu.memory_space<hbm>> -> memref<10240x128xf32, #tpu.memory_space<hbm>>
      %dma_start3A_19 = arith.constant 0 : i32
      %dma_start3A_20 = tpu.memref_slice %dma_start3A_18[%mul3A_15, %dma_start3A_19] : memref<10240x128xf32, #tpu.memory_space<hbm>> -> memref<640x128xf32, #tpu.memory_space<hbm>>
      %dma_start3A_21 = arith.constant 0 : i32
      %dma_start3A_22 = tpu.memref_slice %arg10[%mul3A_13, %dma_start3A_21] : memref<10240x128xf32, #tpu.memory_space<vmem_shared>> -> memref<640x128xf32, #tpu.memory_space<vmem_shared>>
      tpu.enqueue_dma source(%dma_start3A_22 : memref<640x128xf32, #tpu.memory_space<vmem_shared>>) target(%dma_start3A_20 : memref<640x128xf32, #tpu.memory_space<hbm>>) target_semaphore(%run_scoped3A : memref<!tpu.dma_semaphore, #tpu.memory_space<semaphore_mem>>)
      %dma_wait3A = arith.constant 0 : i32
      %dma_wait3A_23 = arith.constant 0 : i32
      %dma_wait3A_24 = tpu.memref_slice %arg6[%arg0, %dma_wait3A, %dma_wait3A_23] : memref<2x10240x128xf32, #tpu.memory_space<hbm>> -> memref<1x10240x128xf32, #tpu.memory_space<hbm>>
      %dma_wait3A_25 = tpu.memref_squeeze %dma_wait3A_24 : memref<1x10240x128xf32, #tpu.memory_space<hbm>> -> memref<10240x128xf32, #tpu.memory_space<hbm>>
      %dma_wait3A_26 = arith.constant 0 : i32
      %dma_wait3A_27 = tpu.memref_slice %dma_wait3A_25[%mul3A_15, %dma_wait3A_26] : memref<10240x128xf32, #tpu.memory_space<hbm>> -> memref<640x128xf32, #tpu.memory_space<hbm>>
      %dma_wait3A_28 = arith.constant 0 : i32
      %dma_wait3A_29 = tpu.memref_slice %arg10[%mul3A_13, %dma_wait3A_28] : memref<10240x128xf32, #tpu.memory_space<vmem_shared>> -> memref<640x128xf32, #tpu.memory_space<vmem_shared>>
      tpu.wait_dma2 semaphore(%run_scoped3A : memref<!tpu.dma_semaphore, #tpu.memory_space<semaphore_mem>>) src(%dma_wait3A_29 : memref<640x128xf32, #tpu.memory_space<vmem_shared>>) dst(%dma_wait3A_27 : memref<640x128xf32, #tpu.memory_space<hbm>>)
      tpu.yield
    }) : () -> ()
    return
  }
}

#map = affine_map<(d0, d1) -> (0, 0)>
#map1 = affine_map<(d0, d1) -> (0, 0, 0)>
module attributes {stable_mosaic.version = 14 : i64} {
  func.func @_sc_prop(%arg0: i32, %arg1: i32, %arg2: memref<10000x128xf32, #tpu.memory_space<hbm>>, %arg3: memref<32x80x125xi32, #tpu.memory_space<hbm>>, %arg4: memref<32x80x125xi32, #tpu.memory_space<hbm>>, %arg5: memref<10240x128xf32, #tpu.memory_space<hbm>>, %arg6: memref<2x10240x128xf32, #tpu.memory_space<hbm>>, %arg7: memref<80x125xi32, #tpu.memory_space<vmem>>, %arg8: memref<80x125xi32, #tpu.memory_space<vmem>>, %arg9: memref<125x128xf32, #tpu.memory_space<vmem>>, %arg10: memref<10240x128xf32, #tpu.memory_space<vmem_shared>>, %arg11: memref<!tpu.dma_semaphore, #tpu.memory_space<semaphore_mem>>) attributes {dimension_semantics = [#tpu.dimension_semantics<core_parallel>, #tpu.dimension_semantics<subcore_parallel>], iteration_bounds = array<i64: 2, 16>, scalar_prefetch = 0 : i64, scratch_operands = 5 : i64, tpu.core_type = #tpu.core_type<sc_vector_subcore>, window_params = [{transform_indices = #map}, {transform_indices = #map1}, {transform_indices = #map1}, {transform_indices = #map}, {transform_indices = #map1}]} {
    %mul3A = arith.constant 16 : i32
    %mul3A_0 = arith.muli %arg0, %mul3A : i32
    %add3A = arith.addi %mul3A_0, %arg1 : i32
    %mul3A_1 = arith.constant 640 : i32
    %mul3A_2 = arith.muli %arg1, %mul3A_1 : i32
    %mul3A_3 = arith.constant 640 : i32
    %mul3A_4 = arith.muli %arg1, %mul3A_3 : i32
    "tpu.region"() ({
      %run_scoped3A = tpu.sem_alloc : memref<!tpu.dma_semaphore, #tpu.memory_space<semaphore_mem>>
      %dma_start3A = arith.constant 0 : i32
      %dma_start3A_16 = tpu.memref_slice %arg10[%mul3A_4, %dma_start3A] : memref<10240x128xf32, #tpu.memory_space<vmem_shared>> -> memref<640x128xf32, #tpu.memory_space<vmem_shared>>
      %dma_start3A_17 = arith.constant 0 : i32
      %dma_start3A_18 = tpu.memref_slice %arg5[%mul3A_2, %dma_start3A_17] : memref<10240x128xf32, #tpu.memory_space<hbm>> -> memref<640x128xf32, #tpu.memory_space<hbm>>
      tpu.enqueue_dma source(%dma_start3A_18 : memref<640x128xf32, #tpu.memory_space<hbm>>) target(%dma_start3A_16 : memref<640x128xf32, #tpu.memory_space<vmem_shared>>) target_semaphore(%run_scoped3A : memref<!tpu.dma_semaphore, #tpu.memory_space<semaphore_mem>>)
      %dma_wait3A = arith.constant 0 : i32
      %dma_wait3A_19 = tpu.memref_slice %arg10[%mul3A_4, %dma_wait3A] : memref<10240x128xf32, #tpu.memory_space<vmem_shared>> -> memref<640x128xf32, #tpu.memory_space<vmem_shared>>
      %dma_wait3A_20 = arith.constant 0 : i32
      %dma_wait3A_21 = tpu.memref_slice %arg5[%mul3A_2, %dma_wait3A_20] : memref<10240x128xf32, #tpu.memory_space<hbm>> -> memref<640x128xf32, #tpu.memory_space<hbm>>
      tpu.wait_dma2 semaphore(%run_scoped3A : memref<!tpu.dma_semaphore, #tpu.memory_space<semaphore_mem>>) src(%dma_wait3A_21 : memref<640x128xf32, #tpu.memory_space<hbm>>) dst(%dma_wait3A_19 : memref<640x128xf32, #tpu.memory_space<vmem_shared>>)
      tpu.yield
    }) : () -> ()
    "tpu.region"() ({
      %run_scoped3A = tpu.sem_alloc : memref<!tpu.dma_semaphore, #tpu.memory_space<semaphore_mem>>
      %dma_start3A = arith.constant 0 : i32
      %dma_start3A_16 = arith.constant 0 : i32
      %dma_start3A_17 = tpu.memref_slice %arg3[%add3A, %dma_start3A, %dma_start3A_16] : memref<32x80x125xi32, #tpu.memory_space<hbm>> -> memref<1x80x125xi32, #tpu.memory_space<hbm>>
      %dma_start3A_18 = tpu.memref_squeeze %dma_start3A_17 : memref<1x80x125xi32, #tpu.memory_space<hbm>> -> memref<80x125xi32, #tpu.memory_space<hbm>>
      %dma_start3A_19 = arith.constant 0 : i32
      %dma_start3A_20 = arith.constant 0 : i32
      %dma_start3A_21 = tpu.memref_slice %arg3[%add3A, %dma_start3A_19, %dma_start3A_20] : memref<32x80x125xi32, #tpu.memory_space<hbm>> -> memref<1x80x125xi32, #tpu.memory_space<hbm>>
      %dma_start3A_22 = tpu.memref_squeeze %dma_start3A_21 : memref<1x80x125xi32, #tpu.memory_space<hbm>> -> memref<80x125xi32, #tpu.memory_space<hbm>>
      tpu.enqueue_dma source(%dma_start3A_22 : memref<80x125xi32, #tpu.memory_space<hbm>>) target(%arg7 : memref<80x125xi32, #tpu.memory_space<vmem>>) target_semaphore(%run_scoped3A : memref<!tpu.dma_semaphore, #tpu.memory_space<semaphore_mem>>)
      %dma_wait3A = arith.constant 0 : i32
      %dma_wait3A_23 = arith.constant 0 : i32
      %dma_wait3A_24 = tpu.memref_slice %arg3[%add3A, %dma_wait3A, %dma_wait3A_23] : memref<32x80x125xi32, #tpu.memory_space<hbm>> -> memref<1x80x125xi32, #tpu.memory_space<hbm>>
      %dma_wait3A_25 = tpu.memref_squeeze %dma_wait3A_24 : memref<1x80x125xi32, #tpu.memory_space<hbm>> -> memref<80x125xi32, #tpu.memory_space<hbm>>
      %dma_wait3A_26 = arith.constant 0 : i32
      %dma_wait3A_27 = arith.constant 0 : i32
      %dma_wait3A_28 = tpu.memref_slice %arg3[%add3A, %dma_wait3A_26, %dma_wait3A_27] : memref<32x80x125xi32, #tpu.memory_space<hbm>> -> memref<1x80x125xi32, #tpu.memory_space<hbm>>
      %dma_wait3A_29 = tpu.memref_squeeze %dma_wait3A_28 : memref<1x80x125xi32, #tpu.memory_space<hbm>> -> memref<80x125xi32, #tpu.memory_space<hbm>>
      tpu.wait_dma2 semaphore(%run_scoped3A : memref<!tpu.dma_semaphore, #tpu.memory_space<semaphore_mem>>) src(%dma_wait3A_29 : memref<80x125xi32, #tpu.memory_space<hbm>>) dst(%arg7 : memref<80x125xi32, #tpu.memory_space<vmem>>)
      tpu.yield
    }) : () -> ()
    "tpu.region"() ({
      %run_scoped3A = tpu.sem_alloc : memref<!tpu.dma_semaphore, #tpu.memory_space<semaphore_mem>>
      %dma_start3A = arith.constant 0 : i32
      %dma_start3A_16 = arith.constant 0 : i32
      %dma_start3A_17 = tpu.memref_slice %arg4[%add3A, %dma_start3A, %dma_start3A_16] : memref<32x80x125xi32, #tpu.memory_space<hbm>> -> memref<1x80x125xi32, #tpu.memory_space<hbm>>
      %dma_start3A_18 = tpu.memref_squeeze %dma_start3A_17 : memref<1x80x125xi32, #tpu.memory_space<hbm>> -> memref<80x125xi32, #tpu.memory_space<hbm>>
      %dma_start3A_19 = arith.constant 0 : i32
      %dma_start3A_20 = arith.constant 0 : i32
      %dma_start3A_21 = tpu.memref_slice %arg4[%add3A, %dma_start3A_19, %dma_start3A_20] : memref<32x80x125xi32, #tpu.memory_space<hbm>> -> memref<1x80x125xi32, #tpu.memory_space<hbm>>
      %dma_start3A_22 = tpu.memref_squeeze %dma_start3A_21 : memref<1x80x125xi32, #tpu.memory_space<hbm>> -> memref<80x125xi32, #tpu.memory_space<hbm>>
      tpu.enqueue_dma source(%dma_start3A_22 : memref<80x125xi32, #tpu.memory_space<hbm>>) target(%arg8 : memref<80x125xi32, #tpu.memory_space<vmem>>) target_semaphore(%run_scoped3A : memref<!tpu.dma_semaphore, #tpu.memory_space<semaphore_mem>>)
      %dma_wait3A = arith.constant 0 : i32
      %dma_wait3A_23 = arith.constant 0 : i32
      %dma_wait3A_24 = tpu.memref_slice %arg4[%add3A, %dma_wait3A, %dma_wait3A_23] : memref<32x80x125xi32, #tpu.memory_space<hbm>> -> memref<1x80x125xi32, #tpu.memory_space<hbm>>
      %dma_wait3A_25 = tpu.memref_squeeze %dma_wait3A_24 : memref<1x80x125xi32, #tpu.memory_space<hbm>> -> memref<80x125xi32, #tpu.memory_space<hbm>>
      %dma_wait3A_26 = arith.constant 0 : i32
      %dma_wait3A_27 = arith.constant 0 : i32
      %dma_wait3A_28 = tpu.memref_slice %arg4[%add3A, %dma_wait3A_26, %dma_wait3A_27] : memref<32x80x125xi32, #tpu.memory_space<hbm>> -> memref<1x80x125xi32, #tpu.memory_space<hbm>>
      %dma_wait3A_29 = tpu.memref_squeeze %dma_wait3A_28 : memref<1x80x125xi32, #tpu.memory_space<hbm>> -> memref<80x125xi32, #tpu.memory_space<hbm>>
      tpu.wait_dma2 semaphore(%run_scoped3A : memref<!tpu.dma_semaphore, #tpu.memory_space<semaphore_mem>>) src(%dma_wait3A_29 : memref<80x125xi32, #tpu.memory_space<hbm>>) dst(%arg8 : memref<80x125xi32, #tpu.memory_space<vmem>>)
      tpu.yield
    }) : () -> ()
    %barrier3A = arith.constant 0 : index
    tpu.barrier barrier_id(%barrier3A)
    %scan3A = arith.constant 0 : i32
    %scan3A_5 = arith.constant 0 : i32
    %scan3A_6 = arith.constant 80 : i32
    %scan3A_7 = arith.addi %scan3A_5, %scan3A_6 : i32
    %scan3A_8 = arith.constant 1 : i32
    %scan3A_9 = scf.for %scan3A_16 = %scan3A_5 to %scan3A_7 step %scan3A_8 iter_args(%scan3A_17 = %scan3A) -> (i32)  : i32 {
      %dma_start3A = arith.constant 0 : i32
      %dma_start3A_18 = tpu.memref_slice %arg7[%scan3A_16, %dma_start3A] : memref<80x125xi32, #tpu.memory_space<vmem>> -> memref<1x125xi32, #tpu.memory_space<vmem>>
      %dma_start3A_19 = tpu.memref_squeeze %dma_start3A_18 : memref<1x125xi32, #tpu.memory_space<vmem>> -> memref<125xi32, #tpu.memory_space<vmem>>
      %dma_start3A_20 = arith.constant 0 : i32
      %dma_start3A_21 = arith.constant 0 : i32
      %dma_start3A_22 = tpu.memref_slice %arg2[%dma_start3A_20, %dma_start3A_21] : memref<10000x128xf32, #tpu.memory_space<hbm>> -> memref<10000x128xf32, #tpu.memory_space<hbm>>
      tpu.enqueue_indirect_dma source(%dma_start3A_22 : memref<10000x128xf32, #tpu.memory_space<hbm>>) target(%arg9 : memref<125x128xf32, #tpu.memory_space<vmem>>) offsets(%dma_start3A_19 : memref<125xi32, #tpu.memory_space<vmem>>) semaphore(%arg11 : memref<!tpu.dma_semaphore, #tpu.memory_space<semaphore_mem>>)
      %dma_wait3A = arith.constant 0 : i32
      %dma_wait3A_23 = tpu.memref_slice %arg7[%scan3A_16, %dma_wait3A] : memref<80x125xi32, #tpu.memory_space<vmem>> -> memref<1x125xi32, #tpu.memory_space<vmem>>
      %dma_wait3A_24 = tpu.memref_squeeze %dma_wait3A_23 : memref<1x125xi32, #tpu.memory_space<vmem>> -> memref<125xi32, #tpu.memory_space<vmem>>
      %dma_wait3A_25 = arith.constant 0 : i32
      %dma_wait3A_26 = arith.constant 0 : i32
      %dma_wait3A_27 = tpu.memref_slice %arg2[%dma_wait3A_25, %dma_wait3A_26] : memref<10000x128xf32, #tpu.memory_space<hbm>> -> memref<10000x128xf32, #tpu.memory_space<hbm>>
      tpu.wait_indirect_dma semaphore(%arg11 : memref<!tpu.dma_semaphore, #tpu.memory_space<semaphore_mem>>) src(%dma_wait3A_27 : memref<10000x128xf32, #tpu.memory_space<hbm>>) dst(%arg9 : memref<125x128xf32, #tpu.memory_space<vmem>>)
      "tpu.region"() ({
        %run_scoped3A = tpu.sem_alloc : memref<!tpu.dma_semaphore, #tpu.memory_space<semaphore_mem>>
        %dma_start3A_29 = arith.constant 0 : i32
        %dma_start3A_30 = tpu.memref_slice %arg8[%scan3A_16, %dma_start3A_29] : memref<80x125xi32, #tpu.memory_space<vmem>> -> memref<1x125xi32, #tpu.memory_space<vmem>>
        %dma_start3A_31 = tpu.memref_squeeze %dma_start3A_30 : memref<1x125xi32, #tpu.memory_space<vmem>> -> memref<125xi32, #tpu.memory_space<vmem>>
        %dma_start3A_32 = arith.constant 0 : i32
        %dma_start3A_33 = arith.constant 0 : i32
        %dma_start3A_34 = tpu.memref_slice %arg10[%dma_start3A_32, %dma_start3A_33] : memref<10240x128xf32, #tpu.memory_space<vmem_shared>> -> memref<10240x128xf32, #tpu.memory_space<vmem_shared>>
        tpu.enqueue_indirect_dma source(%arg9 : memref<125x128xf32, #tpu.memory_space<vmem>>) target(%dma_start3A_34 : memref<10240x128xf32, #tpu.memory_space<vmem_shared>>) offsets(%dma_start3A_31 : memref<125xi32, #tpu.memory_space<vmem>>) semaphore(%run_scoped3A : memref<!tpu.dma_semaphore, #tpu.memory_space<semaphore_mem>>) {add = true}
        %dma_wait3A_35 = arith.constant 0 : i32
        %dma_wait3A_36 = tpu.memref_slice %arg8[%scan3A_16, %dma_wait3A_35] : memref<80x125xi32, #tpu.memory_space<vmem>> -> memref<1x125xi32, #tpu.memory_space<vmem>>
        %dma_wait3A_37 = tpu.memref_squeeze %dma_wait3A_36 : memref<1x125xi32, #tpu.memory_space<vmem>> -> memref<125xi32, #tpu.memory_space<vmem>>
        %dma_wait3A_38 = arith.constant 0 : i32
        %dma_wait3A_39 = arith.constant 0 : i32
        %dma_wait3A_40 = tpu.memref_slice %arg10[%dma_wait3A_38, %dma_wait3A_39] : memref<10240x128xf32, #tpu.memory_space<vmem_shared>> -> memref<10240x128xf32, #tpu.memory_space<vmem_shared>>
        tpu.wait_indirect_dma semaphore(%run_scoped3A : memref<!tpu.dma_semaphore, #tpu.memory_space<semaphore_mem>>) src(%arg9 : memref<125x128xf32, #tpu.memory_space<vmem>>) dst(%dma_wait3A_40 : memref<10240x128xf32, #tpu.memory_space<vmem_shared>>)
        tpu.yield
      }) : () -> ()
      %scan3A_28 = arith.constant 0 : i32
      scf.yield %scan3A_28 : i32
    }
    %scan3A_10 = arith.constant 80 : i32
    %barrier3A_11 = arith.constant 0 : index
    tpu.barrier barrier_id(%barrier3A_11)
    %mul3A_12 = arith.constant 640 : i32
    %mul3A_13 = arith.muli %arg1, %mul3A_12 : i32
    %mul3A_14 = arith.constant 640 : i32
    %mul3A_15 = arith.muli %arg1, %mul3A_14 : i32
    "tpu.region"() ({
      %run_scoped3A = tpu.sem_alloc : memref<!tpu.dma_semaphore, #tpu.memory_space<semaphore_mem>>
      %dma_start3A = arith.constant 0 : i32
      %dma_start3A_16 = arith.constant 0 : i32
      %dma_start3A_17 = tpu.memref_slice %arg6[%arg0, %dma_start3A, %dma_start3A_16] : memref<2x10240x128xf32, #tpu.memory_space<hbm>> -> memref<1x10240x128xf32, #tpu.memory_space<hbm>>
      %dma_start3A_18 = tpu.memref_squeeze %dma_start3A_17 : memref<1x10240x128xf32, #tpu.memory_space<hbm>> -> memref<10240x128xf32, #tpu.memory_space<hbm>>
      %dma_start3A_19 = arith.constant 0 : i32
      %dma_start3A_20 = tpu.memref_slice %dma_start3A_18[%mul3A_15, %dma_start3A_19] : memref<10240x128xf32, #tpu.memory_space<hbm>> -> memref<640x128xf32, #tpu.memory_space<hbm>>
      %dma_start3A_21 = arith.constant 0 : i32
      %dma_start3A_22 = tpu.memref_slice %arg10[%mul3A_13, %dma_start3A_21] : memref<10240x128xf32, #tpu.memory_space<vmem_shared>> -> memref<640x128xf32, #tpu.memory_space<vmem_shared>>
      tpu.enqueue_dma source(%dma_start3A_22 : memref<640x128xf32, #tpu.memory_space<vmem_shared>>) target(%dma_start3A_20 : memref<640x128xf32, #tpu.memory_space<hbm>>) target_semaphore(%run_scoped3A : memref<!tpu.dma_semaphore, #tpu.memory_space<semaphore_mem>>)
      %dma_wait3A = arith.constant 0 : i32
      %dma_wait3A_23 = arith.constant 0 : i32
      %dma_wait3A_24 = tpu.memref_slice %arg6[%arg0, %dma_wait3A, %dma_wait3A_23] : memref<2x10240x128xf32, #tpu.memory_space<hbm>> -> memref<1x10240x128xf32, #tpu.memory_space<hbm>>
      %dma_wait3A_25 = tpu.memref_squeeze %dma_wait3A_24 : memref<1x10240x128xf32, #tpu.memory_space<hbm>> -> memref<10240x128xf32, #tpu.memory_space<hbm>>
      %dma_wait3A_26 = arith.constant 0 : i32
      %dma_wait3A_27 = tpu.memref_slice %dma_wait3A_25[%mul3A_15, %dma_wait3A_26] : memref<10240x128xf32, #tpu.memory_space<hbm>> -> memref<640x128xf32, #tpu.memory_space<hbm>>
      %dma_wait3A_28 = arith.constant 0 : i32
      %dma_wait3A_29 = tpu.memref_slice %arg10[%mul3A_13, %dma_wait3A_28] : memref<10240x128xf32, #tpu.memory_space<vmem_shared>> -> memref<640x128xf32, #tpu.memory_space<vmem_shared>>
      tpu.wait_dma2 semaphore(%run_scoped3A : memref<!tpu.dma_semaphore, #tpu.memory_space<semaphore_mem>>) src(%dma_wait3A_29 : memref<640x128xf32, #tpu.memory_space<vmem_shared>>) dst(%dma_wait3A_27 : memref<640x128xf32, #tpu.memory_space<hbm>>)
      tpu.yield
    }) : () -> ()
    return
  }
}

#map = affine_map<(d0, d1) -> (0, 0)>
#map1 = affine_map<(d0, d1) -> (0, 0, 0)>
module attributes {stable_mosaic.version = 14 : i64} {
  func.func @_sc_prop(%arg0: i32, %arg1: i32, %arg2: memref<10000x128xf32, #tpu.memory_space<hbm>>, %arg3: memref<32x80x125xi32, #tpu.memory_space<hbm>>, %arg4: memref<32x80x125xi32, #tpu.memory_space<hbm>>, %arg5: memref<10240x128xf32, #tpu.memory_space<hbm>>, %arg6: memref<2x10240x128xf32, #tpu.memory_space<hbm>>, %arg7: memref<80x125xi32, #tpu.memory_space<vmem>>, %arg8: memref<80x125xi32, #tpu.memory_space<vmem>>, %arg9: memref<125x128xf32, #tpu.memory_space<vmem>>, %arg10: memref<10240x128xf32, #tpu.memory_space<vmem_shared>>, %arg11: memref<!tpu.dma_semaphore, #tpu.memory_space<semaphore_mem>>) attributes {dimension_semantics = [#tpu.dimension_semantics<core_parallel>, #tpu.dimension_semantics<subcore_parallel>], iteration_bounds = array<i64: 2, 16>, scalar_prefetch = 0 : i64, scratch_operands = 5 : i64, tpu.core_type = #tpu.core_type<sc_vector_subcore>, window_params = [{transform_indices = #map}, {transform_indices = #map1}, {transform_indices = #map1}, {transform_indices = #map}, {transform_indices = #map1}]} {
    %mul3A = arith.constant 16 : i32
    %mul3A_0 = arith.muli %arg0, %mul3A : i32
    %add3A = arith.addi %mul3A_0, %arg1 : i32
    %mul3A_1 = arith.constant 640 : i32
    %mul3A_2 = arith.muli %arg1, %mul3A_1 : i32
    %mul3A_3 = arith.constant 640 : i32
    %mul3A_4 = arith.muli %arg1, %mul3A_3 : i32
    "tpu.region"() ({
      %run_scoped3A = tpu.sem_alloc : memref<!tpu.dma_semaphore, #tpu.memory_space<semaphore_mem>>
      %dma_start3A = arith.constant 0 : i32
      %dma_start3A_16 = tpu.memref_slice %arg10[%mul3A_4, %dma_start3A] : memref<10240x128xf32, #tpu.memory_space<vmem_shared>> -> memref<640x128xf32, #tpu.memory_space<vmem_shared>>
      %dma_start3A_17 = arith.constant 0 : i32
      %dma_start3A_18 = tpu.memref_slice %arg5[%mul3A_2, %dma_start3A_17] : memref<10240x128xf32, #tpu.memory_space<hbm>> -> memref<640x128xf32, #tpu.memory_space<hbm>>
      tpu.enqueue_dma source(%dma_start3A_18 : memref<640x128xf32, #tpu.memory_space<hbm>>) target(%dma_start3A_16 : memref<640x128xf32, #tpu.memory_space<vmem_shared>>) target_semaphore(%run_scoped3A : memref<!tpu.dma_semaphore, #tpu.memory_space<semaphore_mem>>)
      %dma_wait3A = arith.constant 0 : i32
      %dma_wait3A_19 = tpu.memref_slice %arg10[%mul3A_4, %dma_wait3A] : memref<10240x128xf32, #tpu.memory_space<vmem_shared>> -> memref<640x128xf32, #tpu.memory_space<vmem_shared>>
      %dma_wait3A_20 = arith.constant 0 : i32
      %dma_wait3A_21 = tpu.memref_slice %arg5[%mul3A_2, %dma_wait3A_20] : memref<10240x128xf32, #tpu.memory_space<hbm>> -> memref<640x128xf32, #tpu.memory_space<hbm>>
      tpu.wait_dma2 semaphore(%run_scoped3A : memref<!tpu.dma_semaphore, #tpu.memory_space<semaphore_mem>>) src(%dma_wait3A_21 : memref<640x128xf32, #tpu.memory_space<hbm>>) dst(%dma_wait3A_19 : memref<640x128xf32, #tpu.memory_space<vmem_shared>>)
      tpu.yield
    }) : () -> ()
    "tpu.region"() ({
      %run_scoped3A = tpu.sem_alloc : memref<!tpu.dma_semaphore, #tpu.memory_space<semaphore_mem>>
      %dma_start3A = arith.constant 0 : i32
      %dma_start3A_16 = arith.constant 0 : i32
      %dma_start3A_17 = tpu.memref_slice %arg3[%add3A, %dma_start3A, %dma_start3A_16] : memref<32x80x125xi32, #tpu.memory_space<hbm>> -> memref<1x80x125xi32, #tpu.memory_space<hbm>>
      %dma_start3A_18 = tpu.memref_squeeze %dma_start3A_17 : memref<1x80x125xi32, #tpu.memory_space<hbm>> -> memref<80x125xi32, #tpu.memory_space<hbm>>
      %dma_start3A_19 = arith.constant 0 : i32
      %dma_start3A_20 = arith.constant 0 : i32
      %dma_start3A_21 = tpu.memref_slice %arg3[%add3A, %dma_start3A_19, %dma_start3A_20] : memref<32x80x125xi32, #tpu.memory_space<hbm>> -> memref<1x80x125xi32, #tpu.memory_space<hbm>>
      %dma_start3A_22 = tpu.memref_squeeze %dma_start3A_21 : memref<1x80x125xi32, #tpu.memory_space<hbm>> -> memref<80x125xi32, #tpu.memory_space<hbm>>
      tpu.enqueue_dma source(%dma_start3A_22 : memref<80x125xi32, #tpu.memory_space<hbm>>) target(%arg7 : memref<80x125xi32, #tpu.memory_space<vmem>>) target_semaphore(%run_scoped3A : memref<!tpu.dma_semaphore, #tpu.memory_space<semaphore_mem>>)
      %dma_wait3A = arith.constant 0 : i32
      %dma_wait3A_23 = arith.constant 0 : i32
      %dma_wait3A_24 = tpu.memref_slice %arg3[%add3A, %dma_wait3A, %dma_wait3A_23] : memref<32x80x125xi32, #tpu.memory_space<hbm>> -> memref<1x80x125xi32, #tpu.memory_space<hbm>>
      %dma_wait3A_25 = tpu.memref_squeeze %dma_wait3A_24 : memref<1x80x125xi32, #tpu.memory_space<hbm>> -> memref<80x125xi32, #tpu.memory_space<hbm>>
      %dma_wait3A_26 = arith.constant 0 : i32
      %dma_wait3A_27 = arith.constant 0 : i32
      %dma_wait3A_28 = tpu.memref_slice %arg3[%add3A, %dma_wait3A_26, %dma_wait3A_27] : memref<32x80x125xi32, #tpu.memory_space<hbm>> -> memref<1x80x125xi32, #tpu.memory_space<hbm>>
      %dma_wait3A_29 = tpu.memref_squeeze %dma_wait3A_28 : memref<1x80x125xi32, #tpu.memory_space<hbm>> -> memref<80x125xi32, #tpu.memory_space<hbm>>
      tpu.wait_dma2 semaphore(%run_scoped3A : memref<!tpu.dma_semaphore, #tpu.memory_space<semaphore_mem>>) src(%dma_wait3A_29 : memref<80x125xi32, #tpu.memory_space<hbm>>) dst(%arg7 : memref<80x125xi32, #tpu.memory_space<vmem>>)
      tpu.yield
    }) : () -> ()
    "tpu.region"() ({
      %run_scoped3A = tpu.sem_alloc : memref<!tpu.dma_semaphore, #tpu.memory_space<semaphore_mem>>
      %dma_start3A = arith.constant 0 : i32
      %dma_start3A_16 = arith.constant 0 : i32
      %dma_start3A_17 = tpu.memref_slice %arg4[%add3A, %dma_start3A, %dma_start3A_16] : memref<32x80x125xi32, #tpu.memory_space<hbm>> -> memref<1x80x125xi32, #tpu.memory_space<hbm>>
      %dma_start3A_18 = tpu.memref_squeeze %dma_start3A_17 : memref<1x80x125xi32, #tpu.memory_space<hbm>> -> memref<80x125xi32, #tpu.memory_space<hbm>>
      %dma_start3A_19 = arith.constant 0 : i32
      %dma_start3A_20 = arith.constant 0 : i32
      %dma_start3A_21 = tpu.memref_slice %arg4[%add3A, %dma_start3A_19, %dma_start3A_20] : memref<32x80x125xi32, #tpu.memory_space<hbm>> -> memref<1x80x125xi32, #tpu.memory_space<hbm>>
      %dma_start3A_22 = tpu.memref_squeeze %dma_start3A_21 : memref<1x80x125xi32, #tpu.memory_space<hbm>> -> memref<80x125xi32, #tpu.memory_space<hbm>>
      tpu.enqueue_dma source(%dma_start3A_22 : memref<80x125xi32, #tpu.memory_space<hbm>>) target(%arg8 : memref<80x125xi32, #tpu.memory_space<vmem>>) target_semaphore(%run_scoped3A : memref<!tpu.dma_semaphore, #tpu.memory_space<semaphore_mem>>)
      %dma_wait3A = arith.constant 0 : i32
      %dma_wait3A_23 = arith.constant 0 : i32
      %dma_wait3A_24 = tpu.memref_slice %arg4[%add3A, %dma_wait3A, %dma_wait3A_23] : memref<32x80x125xi32, #tpu.memory_space<hbm>> -> memref<1x80x125xi32, #tpu.memory_space<hbm>>
      %dma_wait3A_25 = tpu.memref_squeeze %dma_wait3A_24 : memref<1x80x125xi32, #tpu.memory_space<hbm>> -> memref<80x125xi32, #tpu.memory_space<hbm>>
      %dma_wait3A_26 = arith.constant 0 : i32
      %dma_wait3A_27 = arith.constant 0 : i32
      %dma_wait3A_28 = tpu.memref_slice %arg4[%add3A, %dma_wait3A_26, %dma_wait3A_27] : memref<32x80x125xi32, #tpu.memory_space<hbm>> -> memref<1x80x125xi32, #tpu.memory_space<hbm>>
      %dma_wait3A_29 = tpu.memref_squeeze %dma_wait3A_28 : memref<1x80x125xi32, #tpu.memory_space<hbm>> -> memref<80x125xi32, #tpu.memory_space<hbm>>
      tpu.wait_dma2 semaphore(%run_scoped3A : memref<!tpu.dma_semaphore, #tpu.memory_space<semaphore_mem>>) src(%dma_wait3A_29 : memref<80x125xi32, #tpu.memory_space<hbm>>) dst(%arg8 : memref<80x125xi32, #tpu.memory_space<vmem>>)
      tpu.yield
    }) : () -> ()
    %barrier3A = arith.constant 0 : index
    tpu.barrier barrier_id(%barrier3A)
    %scan3A = arith.constant 0 : i32
    %scan3A_5 = arith.constant 0 : i32
    %scan3A_6 = arith.constant 80 : i32
    %scan3A_7 = arith.addi %scan3A_5, %scan3A_6 : i32
    %scan3A_8 = arith.constant 1 : i32
    %scan3A_9 = scf.for %scan3A_16 = %scan3A_5 to %scan3A_7 step %scan3A_8 iter_args(%scan3A_17 = %scan3A) -> (i32)  : i32 {
      %dma_start3A = arith.constant 0 : i32
      %dma_start3A_18 = tpu.memref_slice %arg7[%scan3A_16, %dma_start3A] : memref<80x125xi32, #tpu.memory_space<vmem>> -> memref<1x125xi32, #tpu.memory_space<vmem>>
      %dma_start3A_19 = tpu.memref_squeeze %dma_start3A_18 : memref<1x125xi32, #tpu.memory_space<vmem>> -> memref<125xi32, #tpu.memory_space<vmem>>
      %dma_start3A_20 = arith.constant 0 : i32
      %dma_start3A_21 = arith.constant 0 : i32
      %dma_start3A_22 = tpu.memref_slice %arg2[%dma_start3A_20, %dma_start3A_21] : memref<10000x128xf32, #tpu.memory_space<hbm>> -> memref<10000x128xf32, #tpu.memory_space<hbm>>
      tpu.enqueue_indirect_dma source(%dma_start3A_22 : memref<10000x128xf32, #tpu.memory_space<hbm>>) target(%arg9 : memref<125x128xf32, #tpu.memory_space<vmem>>) offsets(%dma_start3A_19 : memref<125xi32, #tpu.memory_space<vmem>>) semaphore(%arg11 : memref<!tpu.dma_semaphore, #tpu.memory_space<semaphore_mem>>)
      %dma_wait3A = arith.constant 0 : i32
      %dma_wait3A_23 = tpu.memref_slice %arg7[%scan3A_16, %dma_wait3A] : memref<80x125xi32, #tpu.memory_space<vmem>> -> memref<1x125xi32, #tpu.memory_space<vmem>>
      %dma_wait3A_24 = tpu.memref_squeeze %dma_wait3A_23 : memref<1x125xi32, #tpu.memory_space<vmem>> -> memref<125xi32, #tpu.memory_space<vmem>>
      %dma_wait3A_25 = arith.constant 0 : i32
      %dma_wait3A_26 = arith.constant 0 : i32
      %dma_wait3A_27 = tpu.memref_slice %arg2[%dma_wait3A_25, %dma_wait3A_26] : memref<10000x128xf32, #tpu.memory_space<hbm>> -> memref<10000x128xf32, #tpu.memory_space<hbm>>
      tpu.wait_indirect_dma semaphore(%arg11 : memref<!tpu.dma_semaphore, #tpu.memory_space<semaphore_mem>>) src(%dma_wait3A_27 : memref<10000x128xf32, #tpu.memory_space<hbm>>) dst(%arg9 : memref<125x128xf32, #tpu.memory_space<vmem>>)
      "tpu.region"() ({
        %run_scoped3A = tpu.sem_alloc : memref<!tpu.dma_semaphore, #tpu.memory_space<semaphore_mem>>
        %dma_start3A_29 = arith.constant 0 : i32
        %dma_start3A_30 = tpu.memref_slice %arg8[%scan3A_16, %dma_start3A_29] : memref<80x125xi32, #tpu.memory_space<vmem>> -> memref<1x125xi32, #tpu.memory_space<vmem>>
        %dma_start3A_31 = tpu.memref_squeeze %dma_start3A_30 : memref<1x125xi32, #tpu.memory_space<vmem>> -> memref<125xi32, #tpu.memory_space<vmem>>
        %dma_start3A_32 = arith.constant 0 : i32
        %dma_start3A_33 = arith.constant 0 : i32
        %dma_start3A_34 = tpu.memref_slice %arg10[%dma_start3A_32, %dma_start3A_33] : memref<10240x128xf32, #tpu.memory_space<vmem_shared>> -> memref<10240x128xf32, #tpu.memory_space<vmem_shared>>
        tpu.enqueue_indirect_dma source(%arg9 : memref<125x128xf32, #tpu.memory_space<vmem>>) target(%dma_start3A_34 : memref<10240x128xf32, #tpu.memory_space<vmem_shared>>) offsets(%dma_start3A_31 : memref<125xi32, #tpu.memory_space<vmem>>) semaphore(%run_scoped3A : memref<!tpu.dma_semaphore, #tpu.memory_space<semaphore_mem>>) {add = true}
        %dma_wait3A_35 = arith.constant 0 : i32
        %dma_wait3A_36 = tpu.memref_slice %arg8[%scan3A_16, %dma_wait3A_35] : memref<80x125xi32, #tpu.memory_space<vmem>> -> memref<1x125xi32, #tpu.memory_space<vmem>>
        %dma_wait3A_37 = tpu.memref_squeeze %dma_wait3A_36 : memref<1x125xi32, #tpu.memory_space<vmem>> -> memref<125xi32, #tpu.memory_space<vmem>>
        %dma_wait3A_38 = arith.constant 0 : i32
        %dma_wait3A_39 = arith.constant 0 : i32
        %dma_wait3A_40 = tpu.memref_slice %arg10[%dma_wait3A_38, %dma_wait3A_39] : memref<10240x128xf32, #tpu.memory_space<vmem_shared>> -> memref<10240x128xf32, #tpu.memory_space<vmem_shared>>
        tpu.wait_indirect_dma semaphore(%run_scoped3A : memref<!tpu.dma_semaphore, #tpu.memory_space<semaphore_mem>>) src(%arg9 : memref<125x128xf32, #tpu.memory_space<vmem>>) dst(%dma_wait3A_40 : memref<10240x128xf32, #tpu.memory_space<vmem_shared>>)
        tpu.yield
      }) : () -> ()
      %scan3A_28 = arith.constant 0 : i32
      scf.yield %scan3A_28 : i32
    }
    %scan3A_10 = arith.constant 80 : i32
    %barrier3A_11 = arith.constant 0 : index
    tpu.barrier barrier_id(%barrier3A_11)
    %mul3A_12 = arith.constant 640 : i32
    %mul3A_13 = arith.muli %arg1, %mul3A_12 : i32
    %mul3A_14 = arith.constant 640 : i32
    %mul3A_15 = arith.muli %arg1, %mul3A_14 : i32
    "tpu.region"() ({
      %run_scoped3A = tpu.sem_alloc : memref<!tpu.dma_semaphore, #tpu.memory_space<semaphore_mem>>
      %dma_start3A = arith.constant 0 : i32
      %dma_start3A_16 = arith.constant 0 : i32
      %dma_start3A_17 = tpu.memref_slice %arg6[%arg0, %dma_start3A, %dma_start3A_16] : memref<2x10240x128xf32, #tpu.memory_space<hbm>> -> memref<1x10240x128xf32, #tpu.memory_space<hbm>>
      %dma_start3A_18 = tpu.memref_squeeze %dma_start3A_17 : memref<1x10240x128xf32, #tpu.memory_space<hbm>> -> memref<10240x128xf32, #tpu.memory_space<hbm>>
      %dma_start3A_19 = arith.constant 0 : i32
      %dma_start3A_20 = tpu.memref_slice %dma_start3A_18[%mul3A_15, %dma_start3A_19] : memref<10240x128xf32, #tpu.memory_space<hbm>> -> memref<640x128xf32, #tpu.memory_space<hbm>>
      %dma_start3A_21 = arith.constant 0 : i32
      %dma_start3A_22 = tpu.memref_slice %arg10[%mul3A_13, %dma_start3A_21] : memref<10240x128xf32, #tpu.memory_space<vmem_shared>> -> memref<640x128xf32, #tpu.memory_space<vmem_shared>>
      tpu.enqueue_dma source(%dma_start3A_22 : memref<640x128xf32, #tpu.memory_space<vmem_shared>>) target(%dma_start3A_20 : memref<640x128xf32, #tpu.memory_space<hbm>>) target_semaphore(%run_scoped3A : memref<!tpu.dma_semaphore, #tpu.memory_space<semaphore_mem>>)
      %dma_wait3A = arith.constant 0 : i32
      %dma_wait3A_23 = arith.constant 0 : i32
      %dma_wait3A_24 = tpu.memref_slice %arg6[%arg0, %dma_wait3A, %dma_wait3A_23] : memref<2x10240x128xf32, #tpu.memory_space<hbm>> -> memref<1x10240x128xf32, #tpu.memory_space<hbm>>
      %dma_wait3A_25 = tpu.memref_squeeze %dma_wait3A_24 : memref<1x10240x128xf32, #tpu.memory_space<hbm>> -> memref<10240x128xf32, #tpu.memory_space<hbm>>
      %dma_wait3A_26 = arith.constant 0 : i32
      %dma_wait3A_27 = tpu.memref_slice %dma_wait3A_25[%mul3A_15, %dma_wait3A_26] : memref<10240x128xf32, #tpu.memory_space<hbm>> -> memref<640x128xf32, #tpu.memory_space<hbm>>
      %dma_wait3A_28 = arith.constant 0 : i32
      %dma_wait3A_29 = tpu.memref_slice %arg10[%mul3A_13, %dma_wait3A_28] : memref<10240x128xf32, #tpu.memory_space<vmem_shared>> -> memref<640x128xf32, #tpu.memory_space<vmem_shared>>
      tpu.wait_dma2 semaphore(%run_scoped3A : memref<!tpu.dma_semaphore, #tpu.memory_space<semaphore_mem>>) src(%dma_wait3A_29 : memref<640x128xf32, #tpu.memory_space<vmem_shared>>) dst(%dma_wait3A_27 : memref<640x128xf32, #tpu.memory_space<hbm>>)
      tpu.yield
    }) : () -> ()
    return
  }
}

#map = affine_map<(d0, d1) -> (0, 0, 0)>
#map1 = affine_map<(d0, d1) -> (0, 0)>
module attributes {stable_mosaic.version = 14 : i64} {
  func.func @_sc_degree(%arg0: i32, %arg1: i32, %arg2: memref<32x80x125xi32, #tpu.memory_space<hbm>>, %arg3: memref<125x128xf32, #tpu.memory_space<hbm>>, %arg4: memref<10240x128xf32, #tpu.memory_space<hbm>>, %arg5: memref<2x10240x128xf32, #tpu.memory_space<hbm>>, %arg6: memref<80x125xi32, #tpu.memory_space<vmem>>, %arg7: memref<125x128xf32, #tpu.memory_space<vmem>>, %arg8: memref<10240x128xf32, #tpu.memory_space<vmem_shared>>) attributes {dimension_semantics = [#tpu.dimension_semantics<core_parallel>, #tpu.dimension_semantics<subcore_parallel>], iteration_bounds = array<i64: 2, 16>, scalar_prefetch = 0 : i64, scratch_operands = 3 : i64, tpu.core_type = #tpu.core_type<sc_vector_subcore>, window_params = [{transform_indices = #map}, {transform_indices = #map1}, {transform_indices = #map1}, {transform_indices = #map}]} {
    %mul3A = arith.constant 16 : i32
    %mul3A_0 = arith.muli %arg0, %mul3A : i32
    %add3A = arith.addi %mul3A_0, %arg1 : i32
    %mul3A_1 = arith.constant 640 : i32
    %mul3A_2 = arith.muli %arg1, %mul3A_1 : i32
    %mul3A_3 = arith.constant 640 : i32
    %mul3A_4 = arith.muli %arg1, %mul3A_3 : i32
    "tpu.region"() ({
      %run_scoped3A = tpu.sem_alloc : memref<!tpu.dma_semaphore, #tpu.memory_space<semaphore_mem>>
      %dma_start3A = arith.constant 0 : i32
      %dma_start3A_16 = tpu.memref_slice %arg8[%mul3A_4, %dma_start3A] : memref<10240x128xf32, #tpu.memory_space<vmem_shared>> -> memref<640x128xf32, #tpu.memory_space<vmem_shared>>
      %dma_start3A_17 = arith.constant 0 : i32
      %dma_start3A_18 = tpu.memref_slice %arg4[%mul3A_2, %dma_start3A_17] : memref<10240x128xf32, #tpu.memory_space<hbm>> -> memref<640x128xf32, #tpu.memory_space<hbm>>
      tpu.enqueue_dma source(%dma_start3A_18 : memref<640x128xf32, #tpu.memory_space<hbm>>) target(%dma_start3A_16 : memref<640x128xf32, #tpu.memory_space<vmem_shared>>) target_semaphore(%run_scoped3A : memref<!tpu.dma_semaphore, #tpu.memory_space<semaphore_mem>>)
      %dma_wait3A = arith.constant 0 : i32
      %dma_wait3A_19 = tpu.memref_slice %arg8[%mul3A_4, %dma_wait3A] : memref<10240x128xf32, #tpu.memory_space<vmem_shared>> -> memref<640x128xf32, #tpu.memory_space<vmem_shared>>
      %dma_wait3A_20 = arith.constant 0 : i32
      %dma_wait3A_21 = tpu.memref_slice %arg4[%mul3A_2, %dma_wait3A_20] : memref<10240x128xf32, #tpu.memory_space<hbm>> -> memref<640x128xf32, #tpu.memory_space<hbm>>
      tpu.wait_dma2 semaphore(%run_scoped3A : memref<!tpu.dma_semaphore, #tpu.memory_space<semaphore_mem>>) src(%dma_wait3A_21 : memref<640x128xf32, #tpu.memory_space<hbm>>) dst(%dma_wait3A_19 : memref<640x128xf32, #tpu.memory_space<vmem_shared>>)
      tpu.yield
    }) : () -> ()
    "tpu.region"() ({
      %run_scoped3A = tpu.sem_alloc : memref<!tpu.dma_semaphore, #tpu.memory_space<semaphore_mem>>
      %dma_start3A = arith.constant 0 : i32
      %dma_start3A_16 = arith.constant 0 : i32
      %dma_start3A_17 = tpu.memref_slice %arg2[%add3A, %dma_start3A, %dma_start3A_16] : memref<32x80x125xi32, #tpu.memory_space<hbm>> -> memref<1x80x125xi32, #tpu.memory_space<hbm>>
      %dma_start3A_18 = tpu.memref_squeeze %dma_start3A_17 : memref<1x80x125xi32, #tpu.memory_space<hbm>> -> memref<80x125xi32, #tpu.memory_space<hbm>>
      %dma_start3A_19 = arith.constant 0 : i32
      %dma_start3A_20 = arith.constant 0 : i32
      %dma_start3A_21 = tpu.memref_slice %arg2[%add3A, %dma_start3A_19, %dma_start3A_20] : memref<32x80x125xi32, #tpu.memory_space<hbm>> -> memref<1x80x125xi32, #tpu.memory_space<hbm>>
      %dma_start3A_22 = tpu.memref_squeeze %dma_start3A_21 : memref<1x80x125xi32, #tpu.memory_space<hbm>> -> memref<80x125xi32, #tpu.memory_space<hbm>>
      tpu.enqueue_dma source(%dma_start3A_22 : memref<80x125xi32, #tpu.memory_space<hbm>>) target(%arg6 : memref<80x125xi32, #tpu.memory_space<vmem>>) target_semaphore(%run_scoped3A : memref<!tpu.dma_semaphore, #tpu.memory_space<semaphore_mem>>)
      %dma_wait3A = arith.constant 0 : i32
      %dma_wait3A_23 = arith.constant 0 : i32
      %dma_wait3A_24 = tpu.memref_slice %arg2[%add3A, %dma_wait3A, %dma_wait3A_23] : memref<32x80x125xi32, #tpu.memory_space<hbm>> -> memref<1x80x125xi32, #tpu.memory_space<hbm>>
      %dma_wait3A_25 = tpu.memref_squeeze %dma_wait3A_24 : memref<1x80x125xi32, #tpu.memory_space<hbm>> -> memref<80x125xi32, #tpu.memory_space<hbm>>
      %dma_wait3A_26 = arith.constant 0 : i32
      %dma_wait3A_27 = arith.constant 0 : i32
      %dma_wait3A_28 = tpu.memref_slice %arg2[%add3A, %dma_wait3A_26, %dma_wait3A_27] : memref<32x80x125xi32, #tpu.memory_space<hbm>> -> memref<1x80x125xi32, #tpu.memory_space<hbm>>
      %dma_wait3A_29 = tpu.memref_squeeze %dma_wait3A_28 : memref<1x80x125xi32, #tpu.memory_space<hbm>> -> memref<80x125xi32, #tpu.memory_space<hbm>>
      tpu.wait_dma2 semaphore(%run_scoped3A : memref<!tpu.dma_semaphore, #tpu.memory_space<semaphore_mem>>) src(%dma_wait3A_29 : memref<80x125xi32, #tpu.memory_space<hbm>>) dst(%arg6 : memref<80x125xi32, #tpu.memory_space<vmem>>)
      tpu.yield
    }) : () -> ()
    "tpu.region"() ({
      %run_scoped3A = tpu.sem_alloc : memref<!tpu.dma_semaphore, #tpu.memory_space<semaphore_mem>>
      tpu.enqueue_dma source(%arg3 : memref<125x128xf32, #tpu.memory_space<hbm>>) target(%arg7 : memref<125x128xf32, #tpu.memory_space<vmem>>) target_semaphore(%run_scoped3A : memref<!tpu.dma_semaphore, #tpu.memory_space<semaphore_mem>>)
      tpu.wait_dma2 semaphore(%run_scoped3A : memref<!tpu.dma_semaphore, #tpu.memory_space<semaphore_mem>>) src(%arg3 : memref<125x128xf32, #tpu.memory_space<hbm>>) dst(%arg7 : memref<125x128xf32, #tpu.memory_space<vmem>>)
      tpu.yield
    }) : () -> ()
    %barrier3A = arith.constant 0 : index
    tpu.barrier barrier_id(%barrier3A)
    %scan3A = arith.constant 0 : i32
    %scan3A_5 = arith.constant 0 : i32
    %scan3A_6 = arith.constant 80 : i32
    %scan3A_7 = arith.addi %scan3A_5, %scan3A_6 : i32
    %scan3A_8 = arith.constant 1 : i32
    %scan3A_9 = scf.for %scan3A_16 = %scan3A_5 to %scan3A_7 step %scan3A_8 iter_args(%scan3A_17 = %scan3A) -> (i32)  : i32 {
      "tpu.region"() ({
        %run_scoped3A = tpu.sem_alloc : memref<!tpu.dma_semaphore, #tpu.memory_space<semaphore_mem>>
        %dma_start3A = arith.constant 0 : i32
        %dma_start3A_19 = tpu.memref_slice %arg6[%scan3A_16, %dma_start3A] : memref<80x125xi32, #tpu.memory_space<vmem>> -> memref<1x125xi32, #tpu.memory_space<vmem>>
        %dma_start3A_20 = tpu.memref_squeeze %dma_start3A_19 : memref<1x125xi32, #tpu.memory_space<vmem>> -> memref<125xi32, #tpu.memory_space<vmem>>
        %dma_start3A_21 = arith.constant 0 : i32
        %dma_start3A_22 = arith.constant 0 : i32
        %dma_start3A_23 = tpu.memref_slice %arg8[%dma_start3A_21, %dma_start3A_22] : memref<10240x128xf32, #tpu.memory_space<vmem_shared>> -> memref<10240x128xf32, #tpu.memory_space<vmem_shared>>
        tpu.enqueue_indirect_dma source(%arg7 : memref<125x128xf32, #tpu.memory_space<vmem>>) target(%dma_start3A_23 : memref<10240x128xf32, #tpu.memory_space<vmem_shared>>) offsets(%dma_start3A_20 : memref<125xi32, #tpu.memory_space<vmem>>) semaphore(%run_scoped3A : memref<!tpu.dma_semaphore, #tpu.memory_space<semaphore_mem>>) {add = true}
        %dma_wait3A = arith.constant 0 : i32
        %dma_wait3A_24 = tpu.memref_slice %arg6[%scan3A_16, %dma_wait3A] : memref<80x125xi32, #tpu.memory_space<vmem>> -> memref<1x125xi32, #tpu.memory_space<vmem>>
        %dma_wait3A_25 = tpu.memref_squeeze %dma_wait3A_24 : memref<1x125xi32, #tpu.memory_space<vmem>> -> memref<125xi32, #tpu.memory_space<vmem>>
        %dma_wait3A_26 = arith.constant 0 : i32
        %dma_wait3A_27 = arith.constant 0 : i32
        %dma_wait3A_28 = tpu.memref_slice %arg8[%dma_wait3A_26, %dma_wait3A_27] : memref<10240x128xf32, #tpu.memory_space<vmem_shared>> -> memref<10240x128xf32, #tpu.memory_space<vmem_shared>>
        tpu.wait_indirect_dma semaphore(%run_scoped3A : memref<!tpu.dma_semaphore, #tpu.memory_space<semaphore_mem>>) src(%arg7 : memref<125x128xf32, #tpu.memory_space<vmem>>) dst(%dma_wait3A_28 : memref<10240x128xf32, #tpu.memory_space<vmem_shared>>)
        tpu.yield
      }) : () -> ()
      %scan3A_18 = arith.constant 0 : i32
      scf.yield %scan3A_18 : i32
    }
    %scan3A_10 = arith.constant 80 : i32
    %barrier3A_11 = arith.constant 0 : index
    tpu.barrier barrier_id(%barrier3A_11)
    %mul3A_12 = arith.constant 640 : i32
    %mul3A_13 = arith.muli %arg1, %mul3A_12 : i32
    %mul3A_14 = arith.constant 640 : i32
    %mul3A_15 = arith.muli %arg1, %mul3A_14 : i32
    "tpu.region"() ({
      %run_scoped3A = tpu.sem_alloc : memref<!tpu.dma_semaphore, #tpu.memory_space<semaphore_mem>>
      %dma_start3A = arith.constant 0 : i32
      %dma_start3A_16 = arith.constant 0 : i32
      %dma_start3A_17 = tpu.memref_slice %arg5[%arg0, %dma_start3A, %dma_start3A_16] : memref<2x10240x128xf32, #tpu.memory_space<hbm>> -> memref<1x10240x128xf32, #tpu.memory_space<hbm>>
      %dma_start3A_18 = tpu.memref_squeeze %dma_start3A_17 : memref<1x10240x128xf32, #tpu.memory_space<hbm>> -> memref<10240x128xf32, #tpu.memory_space<hbm>>
      %dma_start3A_19 = arith.constant 0 : i32
      %dma_start3A_20 = tpu.memref_slice %dma_start3A_18[%mul3A_15, %dma_start3A_19] : memref<10240x128xf32, #tpu.memory_space<hbm>> -> memref<640x128xf32, #tpu.memory_space<hbm>>
      %dma_start3A_21 = arith.constant 0 : i32
      %dma_start3A_22 = tpu.memref_slice %arg8[%mul3A_13, %dma_start3A_21] : memref<10240x128xf32, #tpu.memory_space<vmem_shared>> -> memref<640x128xf32, #tpu.memory_space<vmem_shared>>
      tpu.enqueue_dma source(%dma_start3A_22 : memref<640x128xf32, #tpu.memory_space<vmem_shared>>) target(%dma_start3A_20 : memref<640x128xf32, #tpu.memory_space<hbm>>) target_semaphore(%run_scoped3A : memref<!tpu.dma_semaphore, #tpu.memory_space<semaphore_mem>>)
      %dma_wait3A = arith.constant 0 : i32
      %dma_wait3A_23 = arith.constant 0 : i32
      %dma_wait3A_24 = tpu.memref_slice %arg5[%arg0, %dma_wait3A, %dma_wait3A_23] : memref<2x10240x128xf32, #tpu.memory_space<hbm>> -> memref<1x10240x128xf32, #tpu.memory_space<hbm>>
      %dma_wait3A_25 = tpu.memref_squeeze %dma_wait3A_24 : memref<1x10240x128xf32, #tpu.memory_space<hbm>> -> memref<10240x128xf32, #tpu.memory_space<hbm>>
      %dma_wait3A_26 = arith.constant 0 : i32
      %dma_wait3A_27 = tpu.memref_slice %dma_wait3A_25[%mul3A_15, %dma_wait3A_26] : memref<10240x128xf32, #tpu.memory_space<hbm>> -> memref<640x128xf32, #tpu.memory_space<hbm>>
      %dma_wait3A_28 = arith.constant 0 : i32
      %dma_wait3A_29 = tpu.memref_slice %arg8[%mul3A_13, %dma_wait3A_28] : memref<10240x128xf32, #tpu.memory_space<vmem_shared>> -> memref<640x128xf32, #tpu.memory_space<vmem_shared>>
      tpu.wait_dma2 semaphore(%run_scoped3A : memref<!tpu.dma_semaphore, #tpu.memory_space<semaphore_mem>>) src(%dma_wait3A_29 : memref<640x128xf32, #tpu.memory_space<vmem_shared>>) dst(%dma_wait3A_27 : memref<640x128xf32, #tpu.memory_space<hbm>>)
      tpu.yield
    }) : () -> ()
    return
  }
}

#map = affine_map<(d0, d1) -> (0, 0)>
#map1 = affine_map<(d0, d1) -> (0, 0, 0)>
module attributes {stable_mosaic.version = 14 : i64} {
  func.func @_sc_pool(%arg0: i32, %arg1: i32, %arg2: memref<10000x128xf32, #tpu.memory_space<hbm>>, %arg3: memref<125x80xi32, #tpu.memory_space<hbm>>, %arg4: memref<128x128xf32, #tpu.memory_space<hbm>>, %arg5: memref<2x128x128xf32, #tpu.memory_space<hbm>>, %arg6: memref<1x80xi32, #tpu.memory_space<vmem>>, %arg7: memref<80x128xf32, #tpu.memory_space<vmem>>, %arg8: memref<128x128xf32, #tpu.memory_space<vmem_shared>>, %arg9: memref<!tpu.dma_semaphore, #tpu.memory_space<semaphore_mem>>) attributes {dimension_semantics = [#tpu.dimension_semantics<core_parallel>, #tpu.dimension_semantics<subcore_parallel>], iteration_bounds = array<i64: 2, 16>, scalar_prefetch = 0 : i64, scratch_operands = 4 : i64, tpu.core_type = #tpu.core_type<sc_vector_subcore>, window_params = [{transform_indices = #map}, {transform_indices = #map}, {transform_indices = #map}, {transform_indices = #map1}]} {
    %mul3A = arith.constant 16 : i32
    %mul3A_0 = arith.muli %arg0, %mul3A : i32
    %add3A = arith.addi %mul3A_0, %arg1 : i32
    %mul3A_1 = arith.constant 8 : i32
    %mul3A_2 = arith.muli %arg1, %mul3A_1 : i32
    %mul3A_3 = arith.constant 8 : i32
    %mul3A_4 = arith.muli %arg1, %mul3A_3 : i32
    "tpu.region"() ({
      %run_scoped3A = tpu.sem_alloc : memref<!tpu.dma_semaphore, #tpu.memory_space<semaphore_mem>>
      %dma_start3A = arith.constant 0 : i32
      %dma_start3A_35 = tpu.memref_slice %arg8[%mul3A_4, %dma_start3A] : memref<128x128xf32, #tpu.memory_space<vmem_shared>> -> memref<8x128xf32, #tpu.memory_space<vmem_shared>>
      %dma_start3A_36 = arith.constant 0 : i32
      %dma_start3A_37 = tpu.memref_slice %arg4[%mul3A_2, %dma_start3A_36] : memref<128x128xf32, #tpu.memory_space<hbm>> -> memref<8x128xf32, #tpu.memory_space<hbm>>
      tpu.enqueue_dma source(%dma_start3A_37 : memref<8x128xf32, #tpu.memory_space<hbm>>) target(%dma_start3A_35 : memref<8x128xf32, #tpu.memory_space<vmem_shared>>) target_semaphore(%run_scoped3A : memref<!tpu.dma_semaphore, #tpu.memory_space<semaphore_mem>>)
      %dma_wait3A = arith.constant 0 : i32
      %dma_wait3A_38 = tpu.memref_slice %arg8[%mul3A_4, %dma_wait3A] : memref<128x128xf32, #tpu.memory_space<vmem_shared>> -> memref<8x128xf32, #tpu.memory_space<vmem_shared>>
      %dma_wait3A_39 = arith.constant 0 : i32
      %dma_wait3A_40 = tpu.memref_slice %arg4[%mul3A_2, %dma_wait3A_39] : memref<128x128xf32, #tpu.memory_space<hbm>> -> memref<8x128xf32, #tpu.memory_space<hbm>>
      tpu.wait_dma2 semaphore(%run_scoped3A : memref<!tpu.dma_semaphore, #tpu.memory_space<semaphore_mem>>) src(%dma_wait3A_40 : memref<8x128xf32, #tpu.memory_space<hbm>>) dst(%dma_wait3A_38 : memref<8x128xf32, #tpu.memory_space<vmem_shared>>)
      tpu.yield
    }) : () -> ()
    %barrier3A = arith.constant 0 : index
    tpu.barrier barrier_id(%barrier3A)
    %add3A_5 = arith.constant 0 : i32
    %add3A_6 = arith.addi %add3A, %add3A_5 : i32
    %lt3A = arith.constant 125 : i32
    %lt3A_7 = arith.cmpi slt, %add3A_6, %lt3A : i32
    %convert_element_type3A = arith.extui %lt3A_7 : i1 to i32
    %cond3A = arith.constant 0 : i32
    %cond3A_8 = arith.cmpi ne, %convert_element_type3A, %cond3A : i32
    scf.if %cond3A_8 {
      %mul3A_35 = arith.constant 80 : i32
      %mul3A_36 = arith.muli %add3A_6, %mul3A_35 : i32
      "tpu.region"() ({
        %run_scoped3A_38 = tpu.sem_alloc : memref<!tpu.dma_semaphore, #tpu.memory_space<semaphore_mem>>
        %dma_start3A = arith.constant 0 : i32
        %dma_start3A_39 = tpu.memref_slice %arg2[%mul3A_36, %dma_start3A] : memref<10000x128xf32, #tpu.memory_space<hbm>> -> memref<80x128xf32, #tpu.memory_space<hbm>>
        %dma_start3A_40 = arith.constant 0 : i32
        %dma_start3A_41 = tpu.memref_slice %arg2[%mul3A_36, %dma_start3A_40] : memref<10000x128xf32, #tpu.memory_space<hbm>> -> memref<80x128xf32, #tpu.memory_space<hbm>>
        tpu.enqueue_dma source(%dma_start3A_41 : memref<80x128xf32, #tpu.memory_space<hbm>>) target(%arg7 : memref<80x128xf32, #tpu.memory_space<vmem>>) target_semaphore(%run_scoped3A_38 : memref<!tpu.dma_semaphore, #tpu.memory_space<semaphore_mem>>)
        %dma_wait3A = arith.constant 0 : i32
        %dma_wait3A_42 = tpu.memref_slice %arg2[%mul3A_36, %dma_wait3A] : memref<10000x128xf32, #tpu.memory_space<hbm>> -> memref<80x128xf32, #tpu.memory_space<hbm>>
        %dma_wait3A_43 = arith.constant 0 : i32
        %dma_wait3A_44 = tpu.memref_slice %arg2[%mul3A_36, %dma_wait3A_43] : memref<10000x128xf32, #tpu.memory_space<hbm>> -> memref<80x128xf32, #tpu.memory_space<hbm>>
        tpu.wait_dma2 semaphore(%run_scoped3A_38 : memref<!tpu.dma_semaphore, #tpu.memory_space<semaphore_mem>>) src(%dma_wait3A_44 : memref<80x128xf32, #tpu.memory_space<hbm>>) dst(%arg7 : memref<80x128xf32, #tpu.memory_space<vmem>>)
        tpu.yield
      }) : () -> ()
      %run_scoped3A = arith.constant 0 : i32
      "tpu.region"() ({
        %run_scoped3A_38 = tpu.sem_alloc : memref<!tpu.dma_semaphore, #tpu.memory_space<semaphore_mem>>
        %dma_start3A = arith.constant 0 : i32
        %dma_start3A_39 = tpu.memref_slice %arg6[%run_scoped3A, %dma_start3A] : memref<1x80xi32, #tpu.memory_space<vmem>> -> memref<1x80xi32, #tpu.memory_space<vmem>>
        %dma_start3A_40 = tpu.memref_squeeze %dma_start3A_39 : memref<1x80xi32, #tpu.memory_space<vmem>> -> memref<80xi32, #tpu.memory_space<vmem>>
        %dma_start3A_41 = arith.constant 0 : i32
        %dma_start3A_42 = tpu.memref_slice %arg3[%add3A_6, %dma_start3A_41] : memref<125x80xi32, #tpu.memory_space<hbm>> -> memref<1x80xi32, #tpu.memory_space<hbm>>
        %dma_start3A_43 = tpu.memref_squeeze %dma_start3A_42 : memref<1x80xi32, #tpu.memory_space<hbm>> -> memref<80xi32, #tpu.memory_space<hbm>>
        %dma_start3A_44 = arith.constant 0 : i32
        %dma_start3A_45 = tpu.memref_slice %arg6[%run_scoped3A, %dma_start3A_44] : memref<1x80xi32, #tpu.memory_space<vmem>> -> memref<1x80xi32, #tpu.memory_space<vmem>>
        %dma_start3A_46 = tpu.memref_squeeze %dma_start3A_45 : memref<1x80xi32, #tpu.memory_space<vmem>> -> memref<80xi32, #tpu.memory_space<vmem>>
        %dma_start3A_47 = arith.constant 0 : i32
        %dma_start3A_48 = tpu.memref_slice %arg3[%add3A_6, %dma_start3A_47] : memref<125x80xi32, #tpu.memory_space<hbm>> -> memref<1x80xi32, #tpu.memory_space<hbm>>
        %dma_start3A_49 = tpu.memref_squeeze %dma_start3A_48 : memref<1x80xi32, #tpu.memory_space<hbm>> -> memref<80xi32, #tpu.memory_space<hbm>>
        tpu.enqueue_dma source(%dma_start3A_49 : memref<80xi32, #tpu.memory_space<hbm>>) target(%dma_start3A_46 : memref<80xi32, #tpu.memory_space<vmem>>) target_semaphore(%run_scoped3A_38 : memref<!tpu.dma_semaphore, #tpu.memory_space<semaphore_mem>>)
        %dma_wait3A = arith.constant 0 : i32
        %dma_wait3A_50 = tpu.memref_slice %arg6[%run_scoped3A, %dma_wait3A] : memref<1x80xi32, #tpu.memory_space<vmem>> -> memref<1x80xi32, #tpu.memory_space<vmem>>
        %dma_wait3A_51 = tpu.memref_squeeze %dma_wait3A_50 : memref<1x80xi32, #tpu.memory_space<vmem>> -> memref<80xi32, #tpu.memory_space<vmem>>
        %dma_wait3A_52 = arith.constant 0 : i32
        %dma_wait3A_53 = tpu.memref_slice %arg3[%add3A_6, %dma_wait3A_52] : memref<125x80xi32, #tpu.memory_space<hbm>> -> memref<1x80xi32, #tpu.memory_space<hbm>>
        %dma_wait3A_54 = tpu.memref_squeeze %dma_wait3A_53 : memref<1x80xi32, #tpu.memory_space<hbm>> -> memref<80xi32, #tpu.memory_space<hbm>>
        %dma_wait3A_55 = arith.constant 0 : i32
        %dma_wait3A_56 = tpu.memref_slice %arg6[%run_scoped3A, %dma_wait3A_55] : memref<1x80xi32, #tpu.memory_space<vmem>> -> memref<1x80xi32, #tpu.memory_space<vmem>>
        %dma_wait3A_57 = tpu.memref_squeeze %dma_wait3A_56 : memref<1x80xi32, #tpu.memory_space<vmem>> -> memref<80xi32, #tpu.memory_space<vmem>>
        %dma_wait3A_58 = arith.constant 0 : i32
        %dma_wait3A_59 = tpu.memref_slice %arg3[%add3A_6, %dma_wait3A_58] : memref<125x80xi32, #tpu.memory_space<hbm>> -> memref<1x80xi32, #tpu.memory_space<hbm>>
        %dma_wait3A_60 = tpu.memref_squeeze %dma_wait3A_59 : memref<1x80xi32, #tpu.memory_space<hbm>> -> memref<80xi32, #tpu.memory_space<hbm>>
        tpu.wait_dma2 semaphore(%run_scoped3A_38 : memref<!tpu.dma_semaphore, #tpu.memory_space<semaphore_mem>>) src(%dma_wait3A_60 : memref<80xi32, #tpu.memory_space<hbm>>) dst(%dma_wait3A_57 : memref<80xi32, #tpu.memory_space<vmem>>)
        tpu.yield
      }) : () -> ()
      %run_scoped3A_37 = arith.constant 0 : i32
      "tpu.region"() ({
        %run_scoped3A_38 = tpu.sem_alloc : memref<!tpu.dma_semaphore, #tpu.memory_space<semaphore_mem>>
        %dma_start3A = arith.constant 0 : i32
        %dma_start3A_39 = tpu.memref_slice %arg6[%run_scoped3A_37, %dma_start3A] : memref<1x80xi32, #tpu.memory_space<vmem>> -> memref<1x80xi32, #tpu.memory_space<vmem>>
        %dma_start3A_40 = tpu.memref_squeeze %dma_start3A_39 : memref<1x80xi32, #tpu.memory_space<vmem>> -> memref<80xi32, #tpu.memory_space<vmem>>
        %dma_start3A_41 = arith.constant 0 : i32
        %dma_start3A_42 = arith.constant 0 : i32
        %dma_start3A_43 = tpu.memref_slice %arg8[%dma_start3A_41, %dma_start3A_42] : memref<128x128xf32, #tpu.memory_space<vmem_shared>> -> memref<128x128xf32, #tpu.memory_space<vmem_shared>>
        tpu.enqueue_indirect_dma source(%arg7 : memref<80x128xf32, #tpu.memory_space<vmem>>) target(%dma_start3A_43 : memref<128x128xf32, #tpu.memory_space<vmem_shared>>) offsets(%dma_start3A_40 : memref<80xi32, #tpu.memory_space<vmem>>) semaphore(%run_scoped3A_38 : memref<!tpu.dma_semaphore, #tpu.memory_space<semaphore_mem>>) {add = true}
        %dma_wait3A = arith.constant 0 : i32
        %dma_wait3A_44 = tpu.memref_slice %arg6[%run_scoped3A_37, %dma_wait3A] : memref<1x80xi32, #tpu.memory_space<vmem>> -> memref<1x80xi32, #tpu.memory_space<vmem>>
        %dma_wait3A_45 = tpu.memref_squeeze %dma_wait3A_44 : memref<1x80xi32, #tpu.memory_space<vmem>> -> memref<80xi32, #tpu.memory_space<vmem>>
        %dma_wait3A_46 = arith.constant 0 : i32
        %dma_wait3A_47 = arith.constant 0 : i32
        %dma_wait3A_48 = tpu.memref_slice %arg8[%dma_wait3A_46, %dma_wait3A_47] : memref<128x128xf32, #tpu.memory_space<vmem_shared>> -> memref<128x128xf32, #tpu.memory_space<vmem_shared>>
        tpu.wait_indirect_dma semaphore(%run_scoped3A_38 : memref<!tpu.dma_semaphore, #tpu.memory_space<semaphore_mem>>) src(%arg7 : memref<80x128xf32, #tpu.memory_space<vmem>>) dst(%dma_wait3A_48 : memref<128x128xf32, #tpu.memory_space<vmem_shared>>)
        tpu.yield
      }) : () -> ()
    } else {
    }
    %add3A_9 = arith.constant 32 : i32
    %add3A_10 = arith.addi %add3A, %add3A_9 : i32
    %lt3A_11 = arith.constant 125 : i32
    %lt3A_12 = arith.cmpi slt, %add3A_10, %lt3A_11 : i32
    %convert_element_type3A_13 = arith.extui %lt3A_12 : i1 to i32
    %cond3A_14 = arith.constant 0 : i32
    %cond3A_15 = arith.cmpi ne, %convert_element_type3A_13, %cond3A_14 : i32
    scf.if %cond3A_15 {
      %mul3A_35 = arith.constant 80 : i32
      %mul3A_36 = arith.muli %add3A_10, %mul3A_35 : i32
      "tpu.region"() ({
        %run_scoped3A_38 = tpu.sem_alloc : memref<!tpu.dma_semaphore, #tpu.memory_space<semaphore_mem>>
        %dma_start3A = arith.constant 0 : i32
        %dma_start3A_39 = tpu.memref_slice %arg2[%mul3A_36, %dma_start3A] : memref<10000x128xf32, #tpu.memory_space<hbm>> -> memref<80x128xf32, #tpu.memory_space<hbm>>
        %dma_start3A_40 = arith.constant 0 : i32
        %dma_start3A_41 = tpu.memref_slice %arg2[%mul3A_36, %dma_start3A_40] : memref<10000x128xf32, #tpu.memory_space<hbm>> -> memref<80x128xf32, #tpu.memory_space<hbm>>
        tpu.enqueue_dma source(%dma_start3A_41 : memref<80x128xf32, #tpu.memory_space<hbm>>) target(%arg7 : memref<80x128xf32, #tpu.memory_space<vmem>>) target_semaphore(%run_scoped3A_38 : memref<!tpu.dma_semaphore, #tpu.memory_space<semaphore_mem>>)
        %dma_wait3A = arith.constant 0 : i32
        %dma_wait3A_42 = tpu.memref_slice %arg2[%mul3A_36, %dma_wait3A] : memref<10000x128xf32, #tpu.memory_space<hbm>> -> memref<80x128xf32, #tpu.memory_space<hbm>>
        %dma_wait3A_43 = arith.constant 0 : i32
        %dma_wait3A_44 = tpu.memref_slice %arg2[%mul3A_36, %dma_wait3A_43] : memref<10000x128xf32, #tpu.memory_space<hbm>> -> memref<80x128xf32, #tpu.memory_space<hbm>>
        tpu.wait_dma2 semaphore(%run_scoped3A_38 : memref<!tpu.dma_semaphore, #tpu.memory_space<semaphore_mem>>) src(%dma_wait3A_44 : memref<80x128xf32, #tpu.memory_space<hbm>>) dst(%arg7 : memref<80x128xf32, #tpu.memory_space<vmem>>)
        tpu.yield
      }) : () -> ()
      %run_scoped3A = arith.constant 0 : i32
      "tpu.region"() ({
        %run_scoped3A_38 = tpu.sem_alloc : memref<!tpu.dma_semaphore, #tpu.memory_space<semaphore_mem>>
        %dma_start3A = arith.constant 0 : i32
        %dma_start3A_39 = tpu.memref_slice %arg6[%run_scoped3A, %dma_start3A] : memref<1x80xi32, #tpu.memory_space<vmem>> -> memref<1x80xi32, #tpu.memory_space<vmem>>
        %dma_start3A_40 = tpu.memref_squeeze %dma_start3A_39 : memref<1x80xi32, #tpu.memory_space<vmem>> -> memref<80xi32, #tpu.memory_space<vmem>>
        %dma_start3A_41 = arith.constant 0 : i32
        %dma_start3A_42 = tpu.memref_slice %arg3[%add3A_10, %dma_start3A_41] : memref<125x80xi32, #tpu.memory_space<hbm>> -> memref<1x80xi32, #tpu.memory_space<hbm>>
        %dma_start3A_43 = tpu.memref_squeeze %dma_start3A_42 : memref<1x80xi32, #tpu.memory_space<hbm>> -> memref<80xi32, #tpu.memory_space<hbm>>
        %dma_start3A_44 = arith.constant 0 : i32
        %dma_start3A_45 = tpu.memref_slice %arg6[%run_scoped3A, %dma_start3A_44] : memref<1x80xi32, #tpu.memory_space<vmem>> -> memref<1x80xi32, #tpu.memory_space<vmem>>
        %dma_start3A_46 = tpu.memref_squeeze %dma_start3A_45 : memref<1x80xi32, #tpu.memory_space<vmem>> -> memref<80xi32, #tpu.memory_space<vmem>>
        %dma_start3A_47 = arith.constant 0 : i32
        %dma_start3A_48 = tpu.memref_slice %arg3[%add3A_10, %dma_start3A_47] : memref<125x80xi32, #tpu.memory_space<hbm>> -> memref<1x80xi32, #tpu.memory_space<hbm>>
        %dma_start3A_49 = tpu.memref_squeeze %dma_start3A_48 : memref<1x80xi32, #tpu.memory_space<hbm>> -> memref<80xi32, #tpu.memory_space<hbm>>
        tpu.enqueue_dma source(%dma_start3A_49 : memref<80xi32, #tpu.memory_space<hbm>>) target(%dma_start3A_46 : memref<80xi32, #tpu.memory_space<vmem>>) target_semaphore(%run_scoped3A_38 : memref<!tpu.dma_semaphore, #tpu.memory_space<semaphore_mem>>)
        %dma_wait3A = arith.constant 0 : i32
        %dma_wait3A_50 = tpu.memref_slice %arg6[%run_scoped3A, %dma_wait3A] : memref<1x80xi32, #tpu.memory_space<vmem>> -> memref<1x80xi32, #tpu.memory_space<vmem>>
        %dma_wait3A_51 = tpu.memref_squeeze %dma_wait3A_50 : memref<1x80xi32, #tpu.memory_space<vmem>> -> memref<80xi32, #tpu.memory_space<vmem>>
        %dma_wait3A_52 = arith.constant 0 : i32
        %dma_wait3A_53 = tpu.memref_slice %arg3[%add3A_10, %dma_wait3A_52] : memref<125x80xi32, #tpu.memory_space<hbm>> -> memref<1x80xi32, #tpu.memory_space<hbm>>
        %dma_wait3A_54 = tpu.memref_squeeze %dma_wait3A_53 : memref<1x80xi32, #tpu.memory_space<hbm>> -> memref<80xi32, #tpu.memory_space<hbm>>
        %dma_wait3A_55 = arith.constant 0 : i32
        %dma_wait3A_56 = tpu.memref_slice %arg6[%run_scoped3A, %dma_wait3A_55] : memref<1x80xi32, #tpu.memory_space<vmem>> -> memref<1x80xi32, #tpu.memory_space<vmem>>
        %dma_wait3A_57 = tpu.memref_squeeze %dma_wait3A_56 : memref<1x80xi32, #tpu.memory_space<vmem>> -> memref<80xi32, #tpu.memory_space<vmem>>
        %dma_wait3A_58 = arith.constant 0 : i32
        %dma_wait3A_59 = tpu.memref_slice %arg3[%add3A_10, %dma_wait3A_58] : memref<125x80xi32, #tpu.memory_space<hbm>> -> memref<1x80xi32, #tpu.memory_space<hbm>>
        %dma_wait3A_60 = tpu.memref_squeeze %dma_wait3A_59 : memref<1x80xi32, #tpu.memory_space<hbm>> -> memref<80xi32, #tpu.memory_space<hbm>>
        tpu.wait_dma2 semaphore(%run_scoped3A_38 : memref<!tpu.dma_semaphore, #tpu.memory_space<semaphore_mem>>) src(%dma_wait3A_60 : memref<80xi32, #tpu.memory_space<hbm>>) dst(%dma_wait3A_57 : memref<80xi32, #tpu.memory_space<vmem>>)
        tpu.yield
      }) : () -> ()
      %run_scoped3A_37 = arith.constant 0 : i32
      "tpu.region"() ({
        %run_scoped3A_38 = tpu.sem_alloc : memref<!tpu.dma_semaphore, #tpu.memory_space<semaphore_mem>>
        %dma_start3A = arith.constant 0 : i32
        %dma_start3A_39 = tpu.memref_slice %arg6[%run_scoped3A_37, %dma_start3A] : memref<1x80xi32, #tpu.memory_space<vmem>> -> memref<1x80xi32, #tpu.memory_space<vmem>>
        %dma_start3A_40 = tpu.memref_squeeze %dma_start3A_39 : memref<1x80xi32, #tpu.memory_space<vmem>> -> memref<80xi32, #tpu.memory_space<vmem>>
        %dma_start3A_41 = arith.constant 0 : i32
        %dma_start3A_42 = arith.constant 0 : i32
        %dma_start3A_43 = tpu.memref_slice %arg8[%dma_start3A_41, %dma_start3A_42] : memref<128x128xf32, #tpu.memory_space<vmem_shared>> -> memref<128x128xf32, #tpu.memory_space<vmem_shared>>
        tpu.enqueue_indirect_dma source(%arg7 : memref<80x128xf32, #tpu.memory_space<vmem>>) target(%dma_start3A_43 : memref<128x128xf32, #tpu.memory_space<vmem_shared>>) offsets(%dma_start3A_40 : memref<80xi32, #tpu.memory_space<vmem>>) semaphore(%run_scoped3A_38 : memref<!tpu.dma_semaphore, #tpu.memory_space<semaphore_mem>>) {add = true}
        %dma_wait3A = arith.constant 0 : i32
        %dma_wait3A_44 = tpu.memref_slice %arg6[%run_scoped3A_37, %dma_wait3A] : memref<1x80xi32, #tpu.memory_space<vmem>> -> memref<1x80xi32, #tpu.memory_space<vmem>>
        %dma_wait3A_45 = tpu.memref_squeeze %dma_wait3A_44 : memref<1x80xi32, #tpu.memory_space<vmem>> -> memref<80xi32, #tpu.memory_space<vmem>>
        %dma_wait3A_46 = arith.constant 0 : i32
        %dma_wait3A_47 = arith.constant 0 : i32
        %dma_wait3A_48 = tpu.memref_slice %arg8[%dma_wait3A_46, %dma_wait3A_47] : memref<128x128xf32, #tpu.memory_space<vmem_shared>> -> memref<128x128xf32, #tpu.memory_space<vmem_shared>>
        tpu.wait_indirect_dma semaphore(%run_scoped3A_38 : memref<!tpu.dma_semaphore, #tpu.memory_space<semaphore_mem>>) src(%arg7 : memref<80x128xf32, #tpu.memory_space<vmem>>) dst(%dma_wait3A_48 : memref<128x128xf32, #tpu.memory_space<vmem_shared>>)
        tpu.yield
      }) : () -> ()
    } else {
    }
    %add3A_16 = arith.constant 64 : i32
    %add3A_17 = arith.addi %add3A, %add3A_16 : i32
    %lt3A_18 = arith.constant 125 : i32
    %lt3A_19 = arith.cmpi slt, %add3A_17, %lt3A_18 : i32
    %convert_element_type3A_20 = arith.extui %lt3A_19 : i1 to i32
    %cond3A_21 = arith.constant 0 : i32
    %cond3A_22 = arith.cmpi ne, %convert_element_type3A_20, %cond3A_21 : i32
    scf.if %cond3A_22 {
      %mul3A_35 = arith.constant 80 : i32
      %mul3A_36 = arith.muli %add3A_17, %mul3A_35 : i32
      "tpu.region"() ({
        %run_scoped3A_38 = tpu.sem_alloc : memref<!tpu.dma_semaphore, #tpu.memory_space<semaphore_mem>>
        %dma_start3A = arith.constant 0 : i32
        %dma_start3A_39 = tpu.memref_slice %arg2[%mul3A_36, %dma_start3A] : memref<10000x128xf32, #tpu.memory_space<hbm>> -> memref<80x128xf32, #tpu.memory_space<hbm>>
        %dma_start3A_40 = arith.constant 0 : i32
        %dma_start3A_41 = tpu.memref_slice %arg2[%mul3A_36, %dma_start3A_40] : memref<10000x128xf32, #tpu.memory_space<hbm>> -> memref<80x128xf32, #tpu.memory_space<hbm>>
        tpu.enqueue_dma source(%dma_start3A_41 : memref<80x128xf32, #tpu.memory_space<hbm>>) target(%arg7 : memref<80x128xf32, #tpu.memory_space<vmem>>) target_semaphore(%run_scoped3A_38 : memref<!tpu.dma_semaphore, #tpu.memory_space<semaphore_mem>>)
        %dma_wait3A = arith.constant 0 : i32
        %dma_wait3A_42 = tpu.memref_slice %arg2[%mul3A_36, %dma_wait3A] : memref<10000x128xf32, #tpu.memory_space<hbm>> -> memref<80x128xf32, #tpu.memory_space<hbm>>
        %dma_wait3A_43 = arith.constant 0 : i32
        %dma_wait3A_44 = tpu.memref_slice %arg2[%mul3A_36, %dma_wait3A_43] : memref<10000x128xf32, #tpu.memory_space<hbm>> -> memref<80x128xf32, #tpu.memory_space<hbm>>
        tpu.wait_dma2 semaphore(%run_scoped3A_38 : memref<!tpu.dma_semaphore, #tpu.memory_space<semaphore_mem>>) src(%dma_wait3A_44 : memref<80x128xf32, #tpu.memory_space<hbm>>) dst(%arg7 : memref<80x128xf32, #tpu.memory_space<vmem>>)
        tpu.yield
      }) : () -> ()
      %run_scoped3A = arith.constant 0 : i32
      "tpu.region"() ({
        %run_scoped3A_38 = tpu.sem_alloc : memref<!tpu.dma_semaphore, #tpu.memory_space<semaphore_mem>>
        %dma_start3A = arith.constant 0 : i32
        %dma_start3A_39 = tpu.memref_slice %arg6[%run_scoped3A, %dma_start3A] : memref<1x80xi32, #tpu.memory_space<vmem>> -> memref<1x80xi32, #tpu.memory_space<vmem>>
        %dma_start3A_40 = tpu.memref_squeeze %dma_start3A_39 : memref<1x80xi32, #tpu.memory_space<vmem>> -> memref<80xi32, #tpu.memory_space<vmem>>
        %dma_start3A_41 = arith.constant 0 : i32
        %dma_start3A_42 = tpu.memref_slice %arg3[%add3A_17, %dma_start3A_41] : memref<125x80xi32, #tpu.memory_space<hbm>> -> memref<1x80xi32, #tpu.memory_space<hbm>>
        %dma_start3A_43 = tpu.memref_squeeze %dma_start3A_42 : memref<1x80xi32, #tpu.memory_space<hbm>> -> memref<80xi32, #tpu.memory_space<hbm>>
        %dma_start3A_44 = arith.constant 0 : i32
        %dma_start3A_45 = tpu.memref_slice %arg6[%run_scoped3A, %dma_start3A_44] : memref<1x80xi32, #tpu.memory_space<vmem>> -> memref<1x80xi32, #tpu.memory_space<vmem>>
        %dma_start3A_46 = tpu.memref_squeeze %dma_start3A_45 : memref<1x80xi32, #tpu.memory_space<vmem>> -> memref<80xi32, #tpu.memory_space<vmem>>
        %dma_start3A_47 = arith.constant 0 : i32
        %dma_start3A_48 = tpu.memref_slice %arg3[%add3A_17, %dma_start3A_47] : memref<125x80xi32, #tpu.memory_space<hbm>> -> memref<1x80xi32, #tpu.memory_space<hbm>>
        %dma_start3A_49 = tpu.memref_squeeze %dma_start3A_48 : memref<1x80xi32, #tpu.memory_space<hbm>> -> memref<80xi32, #tpu.memory_space<hbm>>
        tpu.enqueue_dma source(%dma_start3A_49 : memref<80xi32, #tpu.memory_space<hbm>>) target(%dma_start3A_46 : memref<80xi32, #tpu.memory_space<vmem>>) target_semaphore(%run_scoped3A_38 : memref<!tpu.dma_semaphore, #tpu.memory_space<semaphore_mem>>)
        %dma_wait3A = arith.constant 0 : i32
        %dma_wait3A_50 = tpu.memref_slice %arg6[%run_scoped3A, %dma_wait3A] : memref<1x80xi32, #tpu.memory_space<vmem>> -> memref<1x80xi32, #tpu.memory_space<vmem>>
        %dma_wait3A_51 = tpu.memref_squeeze %dma_wait3A_50 : memref<1x80xi32, #tpu.memory_space<vmem>> -> memref<80xi32, #tpu.memory_space<vmem>>
        %dma_wait3A_52 = arith.constant 0 : i32
        %dma_wait3A_53 = tpu.memref_slice %arg3[%add3A_17, %dma_wait3A_52] : memref<125x80xi32, #tpu.memory_space<hbm>> -> memref<1x80xi32, #tpu.memory_space<hbm>>
        %dma_wait3A_54 = tpu.memref_squeeze %dma_wait3A_53 : memref<1x80xi32, #tpu.memory_space<hbm>> -> memref<80xi32, #tpu.memory_space<hbm>>
        %dma_wait3A_55 = arith.constant 0 : i32
        %dma_wait3A_56 = tpu.memref_slice %arg6[%run_scoped3A, %dma_wait3A_55] : memref<1x80xi32, #tpu.memory_space<vmem>> -> memref<1x80xi32, #tpu.memory_space<vmem>>
        %dma_wait3A_57 = tpu.memref_squeeze %dma_wait3A_56 : memref<1x80xi32, #tpu.memory_space<vmem>> -> memref<80xi32, #tpu.memory_space<vmem>>
        %dma_wait3A_58 = arith.constant 0 : i32
        %dma_wait3A_59 = tpu.memref_slice %arg3[%add3A_17, %dma_wait3A_58] : memref<125x80xi32, #tpu.memory_space<hbm>> -> memref<1x80xi32, #tpu.memory_space<hbm>>
        %dma_wait3A_60 = tpu.memref_squeeze %dma_wait3A_59 : memref<1x80xi32, #tpu.memory_space<hbm>> -> memref<80xi32, #tpu.memory_space<hbm>>
        tpu.wait_dma2 semaphore(%run_scoped3A_38 : memref<!tpu.dma_semaphore, #tpu.memory_space<semaphore_mem>>) src(%dma_wait3A_60 : memref<80xi32, #tpu.memory_space<hbm>>) dst(%dma_wait3A_57 : memref<80xi32, #tpu.memory_space<vmem>>)
        tpu.yield
      }) : () -> ()
      %run_scoped3A_37 = arith.constant 0 : i32
      "tpu.region"() ({
        %run_scoped3A_38 = tpu.sem_alloc : memref<!tpu.dma_semaphore, #tpu.memory_space<semaphore_mem>>
        %dma_start3A = arith.constant 0 : i32
        %dma_start3A_39 = tpu.memref_slice %arg6[%run_scoped3A_37, %dma_start3A] : memref<1x80xi32, #tpu.memory_space<vmem>> -> memref<1x80xi32, #tpu.memory_space<vmem>>
        %dma_start3A_40 = tpu.memref_squeeze %dma_start3A_39 : memref<1x80xi32, #tpu.memory_space<vmem>> -> memref<80xi32, #tpu.memory_space<vmem>>
        %dma_start3A_41 = arith.constant 0 : i32
        %dma_start3A_42 = arith.constant 0 : i32
        %dma_start3A_43 = tpu.memref_slice %arg8[%dma_start3A_41, %dma_start3A_42] : memref<128x128xf32, #tpu.memory_space<vmem_shared>> -> memref<128x128xf32, #tpu.memory_space<vmem_shared>>
        tpu.enqueue_indirect_dma source(%arg7 : memref<80x128xf32, #tpu.memory_space<vmem>>) target(%dma_start3A_43 : memref<128x128xf32, #tpu.memory_space<vmem_shared>>) offsets(%dma_start3A_40 : memref<80xi32, #tpu.memory_space<vmem>>) semaphore(%run_scoped3A_38 : memref<!tpu.dma_semaphore, #tpu.memory_space<semaphore_mem>>) {add = true}
        %dma_wait3A = arith.constant 0 : i32
        %dma_wait3A_44 = tpu.memref_slice %arg6[%run_scoped3A_37, %dma_wait3A] : memref<1x80xi32, #tpu.memory_space<vmem>> -> memref<1x80xi32, #tpu.memory_space<vmem>>
        %dma_wait3A_45 = tpu.memref_squeeze %dma_wait3A_44 : memref<1x80xi32, #tpu.memory_space<vmem>> -> memref<80xi32, #tpu.memory_space<vmem>>
        %dma_wait3A_46 = arith.constant 0 : i32
        %dma_wait3A_47 = arith.constant 0 : i32
        %dma_wait3A_48 = tpu.memref_slice %arg8[%dma_wait3A_46, %dma_wait3A_47] : memref<128x128xf32, #tpu.memory_space<vmem_shared>> -> memref<128x128xf32, #tpu.memory_space<vmem_shared>>
        tpu.wait_indirect_dma semaphore(%run_scoped3A_38 : memref<!tpu.dma_semaphore, #tpu.memory_space<semaphore_mem>>) src(%arg7 : memref<80x128xf32, #tpu.memory_space<vmem>>) dst(%dma_wait3A_48 : memref<128x128xf32, #tpu.memory_space<vmem_shared>>)
        tpu.yield
      }) : () -> ()
    } else {
    }
    %add3A_23 = arith.constant 96 : i32
    %add3A_24 = arith.addi %add3A, %add3A_23 : i32
    %lt3A_25 = arith.constant 125 : i32
    %lt3A_26 = arith.cmpi slt, %add3A_24, %lt3A_25 : i32
    %convert_element_type3A_27 = arith.extui %lt3A_26 : i1 to i32
    %cond3A_28 = arith.constant 0 : i32
    %cond3A_29 = arith.cmpi ne, %convert_element_type3A_27, %cond3A_28 : i32
    scf.if %cond3A_29 {
      %mul3A_35 = arith.constant 80 : i32
      %mul3A_36 = arith.muli %add3A_24, %mul3A_35 : i32
      "tpu.region"() ({
        %run_scoped3A_38 = tpu.sem_alloc : memref<!tpu.dma_semaphore, #tpu.memory_space<semaphore_mem>>
        %dma_start3A = arith.constant 0 : i32
        %dma_start3A_39 = tpu.memref_slice %arg2[%mul3A_36, %dma_start3A] : memref<10000x128xf32, #tpu.memory_space<hbm>> -> memref<80x128xf32, #tpu.memory_space<hbm>>
        %dma_start3A_40 = arith.constant 0 : i32
        %dma_start3A_41 = tpu.memref_slice %arg2[%mul3A_36, %dma_start3A_40] : memref<10000x128xf32, #tpu.memory_space<hbm>> -> memref<80x128xf32, #tpu.memory_space<hbm>>
        tpu.enqueue_dma source(%dma_start3A_41 : memref<80x128xf32, #tpu.memory_space<hbm>>) target(%arg7 : memref<80x128xf32, #tpu.memory_space<vmem>>) target_semaphore(%run_scoped3A_38 : memref<!tpu.dma_semaphore, #tpu.memory_space<semaphore_mem>>)
        %dma_wait3A = arith.constant 0 : i32
        %dma_wait3A_42 = tpu.memref_slice %arg2[%mul3A_36, %dma_wait3A] : memref<10000x128xf32, #tpu.memory_space<hbm>> -> memref<80x128xf32, #tpu.memory_space<hbm>>
        %dma_wait3A_43 = arith.constant 0 : i32
        %dma_wait3A_44 = tpu.memref_slice %arg2[%mul3A_36, %dma_wait3A_43] : memref<10000x128xf32, #tpu.memory_space<hbm>> -> memref<80x128xf32, #tpu.memory_space<hbm>>
        tpu.wait_dma2 semaphore(%run_scoped3A_38 : memref<!tpu.dma_semaphore, #tpu.memory_space<semaphore_mem>>) src(%dma_wait3A_44 : memref<80x128xf32, #tpu.memory_space<hbm>>) dst(%arg7 : memref<80x128xf32, #tpu.memory_space<vmem>>)
        tpu.yield
      }) : () -> ()
      %run_scoped3A = arith.constant 0 : i32
      "tpu.region"() ({
        %run_scoped3A_38 = tpu.sem_alloc : memref<!tpu.dma_semaphore, #tpu.memory_space<semaphore_mem>>
        %dma_start3A = arith.constant 0 : i32
        %dma_start3A_39 = tpu.memref_slice %arg6[%run_scoped3A, %dma_start3A] : memref<1x80xi32, #tpu.memory_space<vmem>> -> memref<1x80xi32, #tpu.memory_space<vmem>>
        %dma_start3A_40 = tpu.memref_squeeze %dma_start3A_39 : memref<1x80xi32, #tpu.memory_space<vmem>> -> memref<80xi32, #tpu.memory_space<vmem>>
        %dma_start3A_41 = arith.constant 0 : i32
        %dma_start3A_42 = tpu.memref_slice %arg3[%add3A_24, %dma_start3A_41] : memref<125x80xi32, #tpu.memory_space<hbm>> -> memref<1x80xi32, #tpu.memory_space<hbm>>
        %dma_start3A_43 = tpu.memref_squeeze %dma_start3A_42 : memref<1x80xi32, #tpu.memory_space<hbm>> -> memref<80xi32, #tpu.memory_space<hbm>>
        %dma_start3A_44 = arith.constant 0 : i32
        %dma_start3A_45 = tpu.memref_slice %arg6[%run_scoped3A, %dma_start3A_44] : memref<1x80xi32, #tpu.memory_space<vmem>> -> memref<1x80xi32, #tpu.memory_space<vmem>>
        %dma_start3A_46 = tpu.memref_squeeze %dma_start3A_45 : memref<1x80xi32, #tpu.memory_space<vmem>> -> memref<80xi32, #tpu.memory_space<vmem>>
        %dma_start3A_47 = arith.constant 0 : i32
        %dma_start3A_48 = tpu.memref_slice %arg3[%add3A_24, %dma_start3A_47] : memref<125x80xi32, #tpu.memory_space<hbm>> -> memref<1x80xi32, #tpu.memory_space<hbm>>
        %dma_start3A_49 = tpu.memref_squeeze %dma_start3A_48 : memref<1x80xi32, #tpu.memory_space<hbm>> -> memref<80xi32, #tpu.memory_space<hbm>>
        tpu.enqueue_dma source(%dma_start3A_49 : memref<80xi32, #tpu.memory_space<hbm>>) target(%dma_start3A_46 : memref<80xi32, #tpu.memory_space<vmem>>) target_semaphore(%run_scoped3A_38 : memref<!tpu.dma_semaphore, #tpu.memory_space<semaphore_mem>>)
        %dma_wait3A = arith.constant 0 : i32
        %dma_wait3A_50 = tpu.memref_slice %arg6[%run_scoped3A, %dma_wait3A] : memref<1x80xi32, #tpu.memory_space<vmem>> -> memref<1x80xi32, #tpu.memory_space<vmem>>
        %dma_wait3A_51 = tpu.memref_squeeze %dma_wait3A_50 : memref<1x80xi32, #tpu.memory_space<vmem>> -> memref<80xi32, #tpu.memory_space<vmem>>
        %dma_wait3A_52 = arith.constant 0 : i32
        %dma_wait3A_53 = tpu.memref_slice %arg3[%add3A_24, %dma_wait3A_52] : memref<125x80xi32, #tpu.memory_space<hbm>> -> memref<1x80xi32, #tpu.memory_space<hbm>>
        %dma_wait3A_54 = tpu.memref_squeeze %dma_wait3A_53 : memref<1x80xi32, #tpu.memory_space<hbm>> -> memref<80xi32, #tpu.memory_space<hbm>>
        %dma_wait3A_55 = arith.constant 0 : i32
        %dma_wait3A_56 = tpu.memref_slice %arg6[%run_scoped3A, %dma_wait3A_55] : memref<1x80xi32, #tpu.memory_space<vmem>> -> memref<1x80xi32, #tpu.memory_space<vmem>>
        %dma_wait3A_57 = tpu.memref_squeeze %dma_wait3A_56 : memref<1x80xi32, #tpu.memory_space<vmem>> -> memref<80xi32, #tpu.memory_space<vmem>>
        %dma_wait3A_58 = arith.constant 0 : i32
        %dma_wait3A_59 = tpu.memref_slice %arg3[%add3A_24, %dma_wait3A_58] : memref<125x80xi32, #tpu.memory_space<hbm>> -> memref<1x80xi32, #tpu.memory_space<hbm>>
        %dma_wait3A_60 = tpu.memref_squeeze %dma_wait3A_59 : memref<1x80xi32, #tpu.memory_space<hbm>> -> memref<80xi32, #tpu.memory_space<hbm>>
        tpu.wait_dma2 semaphore(%run_scoped3A_38 : memref<!tpu.dma_semaphore, #tpu.memory_space<semaphore_mem>>) src(%dma_wait3A_60 : memref<80xi32, #tpu.memory_space<hbm>>) dst(%dma_wait3A_57 : memref<80xi32, #tpu.memory_space<vmem>>)
        tpu.yield
      }) : () -> ()
      %run_scoped3A_37 = arith.constant 0 : i32
      "tpu.region"() ({
        %run_scoped3A_38 = tpu.sem_alloc : memref<!tpu.dma_semaphore, #tpu.memory_space<semaphore_mem>>
        %dma_start3A = arith.constant 0 : i32
        %dma_start3A_39 = tpu.memref_slice %arg6[%run_scoped3A_37, %dma_start3A] : memref<1x80xi32, #tpu.memory_space<vmem>> -> memref<1x80xi32, #tpu.memory_space<vmem>>
        %dma_start3A_40 = tpu.memref_squeeze %dma_start3A_39 : memref<1x80xi32, #tpu.memory_space<vmem>> -> memref<80xi32, #tpu.memory_space<vmem>>
        %dma_start3A_41 = arith.constant 0 : i32
        %dma_start3A_42 = arith.constant 0 : i32
        %dma_start3A_43 = tpu.memref_slice %arg8[%dma_start3A_41, %dma_start3A_42] : memref<128x128xf32, #tpu.memory_space<vmem_shared>> -> memref<128x128xf32, #tpu.memory_space<vmem_shared>>
        tpu.enqueue_indirect_dma source(%arg7 : memref<80x128xf32, #tpu.memory_space<vmem>>) target(%dma_start3A_43 : memref<128x128xf32, #tpu.memory_space<vmem_shared>>) offsets(%dma_start3A_40 : memref<80xi32, #tpu.memory_space<vmem>>) semaphore(%run_scoped3A_38 : memref<!tpu.dma_semaphore, #tpu.memory_space<semaphore_mem>>) {add = true}
        %dma_wait3A = arith.constant 0 : i32
        %dma_wait3A_44 = tpu.memref_slice %arg6[%run_scoped3A_37, %dma_wait3A] : memref<1x80xi32, #tpu.memory_space<vmem>> -> memref<1x80xi32, #tpu.memory_space<vmem>>
        %dma_wait3A_45 = tpu.memref_squeeze %dma_wait3A_44 : memref<1x80xi32, #tpu.memory_space<vmem>> -> memref<80xi32, #tpu.memory_space<vmem>>
        %dma_wait3A_46 = arith.constant 0 : i32
        %dma_wait3A_47 = arith.constant 0 : i32
        %dma_wait3A_48 = tpu.memref_slice %arg8[%dma_wait3A_46, %dma_wait3A_47] : memref<128x128xf32, #tpu.memory_space<vmem_shared>> -> memref<128x128xf32, #tpu.memory_space<vmem_shared>>
        tpu.wait_indirect_dma semaphore(%run_scoped3A_38 : memref<!tpu.dma_semaphore, #tpu.memory_space<semaphore_mem>>) src(%arg7 : memref<80x128xf32, #tpu.memory_space<vmem>>) dst(%dma_wait3A_48 : memref<128x128xf32, #tpu.memory_space<vmem_shared>>)
        tpu.yield
      }) : () -> ()
    } else {
    }
    %barrier3A_30 = arith.constant 0 : index
    tpu.barrier barrier_id(%barrier3A_30)
    %mul3A_31 = arith.constant 8 : i32
    %mul3A_32 = arith.muli %arg1, %mul3A_31 : i32
    %mul3A_33 = arith.constant 8 : i32
    %mul3A_34 = arith.muli %arg1, %mul3A_33 : i32
    "tpu.region"() ({
      %run_scoped3A = tpu.sem_alloc : memref<!tpu.dma_semaphore, #tpu.memory_space<semaphore_mem>>
      %dma_start3A = arith.constant 0 : i32
      %dma_start3A_35 = arith.constant 0 : i32
      %dma_start3A_36 = tpu.memref_slice %arg5[%arg0, %dma_start3A, %dma_start3A_35] : memref<2x128x128xf32, #tpu.memory_space<hbm>> -> memref<1x128x128xf32, #tpu.memory_space<hbm>>
      %dma_start3A_37 = tpu.memref_squeeze %dma_start3A_36 : memref<1x128x128xf32, #tpu.memory_space<hbm>> -> memref<128x128xf32, #tpu.memory_space<hbm>>
      %dma_start3A_38 = arith.constant 0 : i32
      %dma_start3A_39 = tpu.memref_slice %dma_start3A_37[%mul3A_34, %dma_start3A_38] : memref<128x128xf32, #tpu.memory_space<hbm>> -> memref<8x128xf32, #tpu.memory_space<hbm>>
      %dma_start3A_40 = arith.constant 0 : i32
      %dma_start3A_41 = tpu.memref_slice %arg8[%mul3A_32, %dma_start3A_40] : memref<128x128xf32, #tpu.memory_space<vmem_shared>> -> memref<8x128xf32, #tpu.memory_space<vmem_shared>>
      tpu.enqueue_dma source(%dma_start3A_41 : memref<8x128xf32, #tpu.memory_space<vmem_shared>>) target(%dma_start3A_39 : memref<8x128xf32, #tpu.memory_space<hbm>>) target_semaphore(%run_scoped3A : memref<!tpu.dma_semaphore, #tpu.memory_space<semaphore_mem>>)
      %dma_wait3A = arith.constant 0 : i32
      %dma_wait3A_42 = arith.constant 0 : i32
      %dma_wait3A_43 = tpu.memref_slice %arg5[%arg0, %dma_wait3A, %dma_wait3A_42] : memref<2x128x128xf32, #tpu.memory_space<hbm>> -> memref<1x128x128xf32, #tpu.memory_space<hbm>>
      %dma_wait3A_44 = tpu.memref_squeeze %dma_wait3A_43 : memref<1x128x128xf32, #tpu.memory_space<hbm>> -> memref<128x128xf32, #tpu.memory_space<hbm>>
      %dma_wait3A_45 = arith.constant 0 : i32
      %dma_wait3A_46 = tpu.memref_slice %dma_wait3A_44[%mul3A_34, %dma_wait3A_45] : memref<128x128xf32, #tpu.memory_space<hbm>> -> memref<8x128xf32, #tpu.memory_space<hbm>>
      %dma_wait3A_47 = arith.constant 0 : i32
      %dma_wait3A_48 = tpu.memref_slice %arg8[%mul3A_32, %dma_wait3A_47] : memref<128x128xf32, #tpu.memory_space<vmem_shared>> -> memref<8x128xf32, #tpu.memory_space<vmem_shared>>
      tpu.wait_dma2 semaphore(%run_scoped3A : memref<!tpu.dma_semaphore, #tpu.memory_space<semaphore_mem>>) src(%dma_wait3A_48 : memref<8x128xf32, #tpu.memory_space<vmem_shared>>) dst(%dma_wait3A_46 : memref<8x128xf32, #tpu.memory_space<hbm>>)
      tpu.yield
    }) : () -> ()
    return
  }
}

module attributes {stable_mosaic.version = 14 : i64} {
  func.func @_stats_body(%arg0: i32, %arg1: memref<1000x128xf32, #tpu.memory_space<vmem>>, %arg2: memref<2x128xf32, #tpu.memory_space<vmem>>) attributes {dimension_semantics = [#tpu.dimension_semantics<arbitrary>], iteration_bounds = array<i64: 10>, scalar_prefetch = 0 : i64, scratch_operands = 0 : i64, tpu.core_type = #tpu.core_type<tc>, window_params = [{transform_indices = @transform_0, window_bounds = array<i64: 1000, 128>}, {pipeline_mode = #tpu.pipeline_mode<synchronous>, transform_indices = @transform_1, window_bounds = array<i64: 2, 128>}]} {
    %eq3A = arith.constant 0 : i32
    %eq3A_0 = arith.cmpi eq, %arg0, %eq3A : i32
    %convert_element_type3A = arith.extui %eq3A_0 : i1 to i32
    %cond3A = arith.constant 0 : i32
    %cond3A_1 = arith.cmpi ne, %convert_element_type3A, %cond3A : i32
    scf.if %cond3A_1 {
      %broadcast_in_dim3A_20 = arith.constant 0.000000e+00 : f32
      %broadcast_in_dim3A_21 = vector.broadcast %broadcast_in_dim3A_20 : f32 to vector<2x128xf32>
      %swap3A_22 = arith.constant 0 : index
      %swap3A_23 = arith.constant 0 : index
      %swap3A_24 = vector.load %arg2[%swap3A_22, %swap3A_23] : memref<2x128xf32, #tpu.memory_space<vmem>>, vector<2x128xf32>
      tpu.vector_store %arg2[%swap3A_22, %swap3A_23], %broadcast_in_dim3A_21 {strides = array<i32>} : memref<2x128xf32, #tpu.memory_space<vmem>>, vector<2x128xf32>,
    } else {
    }
    %get3A = arith.constant 0 : index
    %get3A_2 = arith.constant 0 : index
    %get3A_3 = vector.load %arg1[%get3A, %get3A_2] : memref<1000x128xf32, #tpu.memory_space<vmem>>, vector<1000x128xf32>
    %get3A_4 = arith.constant 0 : index
    %get3A_5 = arith.constant 0 : index
    %get3A_6 = vector.load %arg2[%get3A_4, %get3A_5] : memref<2x128xf32, #tpu.memory_space<vmem>>, vector<1x128xf32>
    %reduce_sum3A = arith.constant dense<0.000000e+00> : vector<128xf32>
    %reduce_sum3A_7 = vector.multi_reduction <add>, %get3A_3, %reduce_sum3A [0] : vector<1000x128xf32> to vector<128xf32>
    %broadcast_in_dim3A = vector.shape_cast %reduce_sum3A_7 : vector<128xf32> to vector<1x128xf32>
    %add3A = arith.addf %get3A_6, %broadcast_in_dim3A : vector<1x128xf32>
    %swap3A = arith.constant 0 : index
    %swap3A_8 = arith.constant 0 : index
    %swap3A_9 = vector.load %arg2[%swap3A, %swap3A_8] : memref<2x128xf32, #tpu.memory_space<vmem>>, vector<1x128xf32>
    tpu.vector_store %arg2[%swap3A, %swap3A_8], %add3A {strides = array<i32>} : memref<2x128xf32, #tpu.memory_space<vmem>>, vector<1x128xf32>,
    %get3A_10 = arith.constant 1 : index
    %get3A_11 = arith.constant 0 : index
    %get3A_12 = vector.load %arg2[%get3A_10, %get3A_11] : memref<2x128xf32, #tpu.memory_space<vmem>>, vector<1x128xf32>
    %mul3A = arith.mulf %get3A_3, %get3A_3 : vector<1000x128xf32>
    %reduce_sum3A_13 = arith.constant dense<0.000000e+00> : vector<128xf32>
    %reduce_sum3A_14 = vector.multi_reduction <add>, %mul3A, %reduce_sum3A_13 [0] : vector<1000x128xf32> to vector<128xf32>
    %broadcast_in_dim3A_15 = vector.shape_cast %reduce_sum3A_14 : vector<128xf32> to vector<1x128xf32>
    %add3A_16 = arith.addf %get3A_12, %broadcast_in_dim3A_15 : vector<1x128xf32>
    %swap3A_17 = arith.constant 1 : index
    %swap3A_18 = arith.constant 0 : index
    %swap3A_19 = vector.load %arg2[%swap3A_17, %swap3A_18] : memref<2x128xf32, #tpu.memory_space<vmem>>, vector<1x128xf32>
    tpu.vector_store %arg2[%swap3A_17, %swap3A_18], %add3A_16 {strides = array<i32>} : memref<2x128xf32, #tpu.memory_space<vmem>>, vector<1x128xf32>,
    return
  }
  func.func @transform_0(%arg0: i32) -> (i32, i32) {
    %c0_i32 = arith.constant 0 : i32
    %c0_i32_0 = arith.constant 0 : i32
    return %arg0, %c0_i32 : i32, i32
  }
  func.func @transform_1(%arg0: i32) -> (i32, i32) {
    %c0_i32 = arith.constant 0 : i32
    %c0_i32_0 = arith.constant 0 : i32
    %c0_i32_1 = arith.constant 0 : i32
    return %c0_i32, %c0_i32_0 : i32, i32
  }
}

module attributes {stable_mosaic.version = 14 : i64} {
  func.func @_dinv_body(%arg0: memref<2x10240x128xf32, #tpu.memory_space<vmem>>, %arg1: memref<10240x1xf32, #tpu.memory_space<vmem>>) attributes {dimension_semantics = [], scalar_prefetch = 0 : i64, scratch_operands = 0 : i64, tpu.core_type = #tpu.core_type<tc>} {
    %get3A = arith.constant 0 : index
    %get3A_0 = arith.constant 0 : index
    %get3A_1 = arith.constant 0 : index
    %get3A_2 = vector.load %arg0[%get3A, %get3A_0, %get3A_1] : memref<2x10240x128xf32, #tpu.memory_space<vmem>>, vector<1x10240x128xf32>
    %get3A_3 = vector.shape_cast %get3A_2 : vector<1x10240x128xf32> to vector<10240x128xf32>
    %get3A_4 = arith.constant 1 : index
    %get3A_5 = arith.constant 0 : index
    %get3A_6 = arith.constant 0 : index
    %get3A_7 = vector.load %arg0[%get3A_4, %get3A_5, %get3A_6] : memref<2x10240x128xf32, #tpu.memory_space<vmem>>, vector<1x10240x128xf32>
    %get3A_8 = vector.shape_cast %get3A_7 : vector<1x10240x128xf32> to vector<10240x128xf32>
    %add3A = arith.addf %get3A_3, %get3A_8 : vector<10240x128xf32>
    %slice3A = vector.extract_strided_slice %add3A {offsets = [0, 0], sizes = [10240, 1], strides = [1, 1]} : vector<10240x128xf32> to vector<10240x1xf32>
    %add3A_9 = arith.constant 1.000000e+00 : f32
    %add3A_10 = vector.broadcast %add3A_9 : f32 to vector<10240x1xf32>
    %add3A_11 = arith.addf %slice3A, %add3A_10 : vector<10240x1xf32>
    %rsqrt3A = math.rsqrt %add3A_11 : vector<10240x1xf32>
    %swap3A = arith.constant 0 : index
    %swap3A_12 = arith.constant 0 : index
    %swap3A_13 = vector.load %arg1[%swap3A, %swap3A_12] : memref<10240x1xf32, #tpu.memory_space<vmem>>, vector<10240x1xf32>
    tpu.vector_store %arg1[%swap3A, %swap3A_12], %rsqrt3A {strides = array<i32>} : memref<10240x1xf32, #tpu.memory_space<vmem>>, vector<10240x1xf32>,
    return
  }
}

module attributes {stable_mosaic.version = 14 : i64} {
  func.func @_mm_body(%arg0: i32, %arg1: memref<1000x128xf32, #tpu.memory_space<vmem>>, %arg2: memref<128x128xf32, #tpu.memory_space<vmem>>, %arg3: memref<2x128xf32, #tpu.memory_space<vmem>>, %arg4: memref<1x128xf32, #tpu.memory_space<vmem>>, %arg5: memref<1000x1xf32, #tpu.memory_space<vmem>>, %arg6: memref<1000x128xf32, #tpu.memory_space<vmem>>, %arg7: memref<2x128xf32, #tpu.memory_space<vmem>>) attributes {dimension_semantics = [#tpu.dimension_semantics<arbitrary>], iteration_bounds = array<i64: 10>, scalar_prefetch = 0 : i64, scratch_operands = 0 : i64, tpu.core_type = #tpu.core_type<tc>, window_params = [{transform_indices = @transform_0, window_bounds = array<i64: 1000, 128>}, {pipeline_mode = #tpu.pipeline_mode<synchronous>, transform_indices = @transform_1, window_bounds = array<i64: 128, 128>}, {pipeline_mode = #tpu.pipeline_mode<synchronous>, transform_indices = @transform_2, window_bounds = array<i64: 2, 128>}, {pipeline_mode = #tpu.pipeline_mode<synchronous>, transform_indices = @transform_3, window_bounds = array<i64: 1, 128>}, {transform_indices = @transform_4, window_bounds = array<i64: 1000, 1>}, {transform_indices = @transform_5, window_bounds = array<i64: 1000, 128>}, {pipeline_mode = #tpu.pipeline_mode<synchronous>, transform_indices = @transform_6, window_bounds = array<i64: 2, 128>}]} {
    %get3A = arith.constant 0 : index
    %get3A_0 = arith.constant 0 : index
    %get3A_1 = vector.load %arg3[%get3A, %get3A_0] : memref<2x128xf32, #tpu.memory_space<vmem>>, vector<1x128xf32>
    %div3A = arith.constant 1.000000e+04 : f32
    %div3A_2 = vector.broadcast %div3A : f32 to vector<1x128xf32>
    %div3A_3 = arith.divf %get3A_1, %div3A_2 : vector<1x128xf32>
    %get3A_4 = arith.constant 1 : index
    %get3A_5 = arith.constant 0 : index
    %get3A_6 = vector.load %arg3[%get3A_4, %get3A_5] : memref<2x128xf32, #tpu.memory_space<vmem>>, vector<1x128xf32>
    %div3A_7 = arith.constant 1.000000e+04 : f32
    %div3A_8 = vector.broadcast %div3A_7 : f32 to vector<1x128xf32>
    %div3A_9 = arith.divf %get3A_6, %div3A_8 : vector<1x128xf32>
    %mul3A = arith.mulf %div3A_3, %div3A_3 : vector<1x128xf32>
    %sub3A = arith.subf %div3A_9, %mul3A : vector<1x128xf32>
    %add3A = arith.constant 9.99999974E-6 : f32
    %add3A_10 = vector.broadcast %add3A : f32 to vector<1x128xf32>
    %add3A_11 = arith.addf %sub3A, %add3A_10 : vector<1x128xf32>
    %rsqrt3A = math.rsqrt %add3A_11 : vector<1x128xf32>
    %get3A_12 = arith.constant 0 : index
    %get3A_13 = arith.constant 0 : index
    %get3A_14 = vector.load %arg1[%get3A_12, %get3A_13] : memref<1000x128xf32, #tpu.memory_space<vmem>>, vector<1000x128xf32>
    %sub3A_15 = vector.broadcast %div3A_3 : vector<1x128xf32> to vector<1000x128xf32>
    %sub3A_16 = arith.subf %get3A_14, %sub3A_15 : vector<1000x128xf32>
    %mul3A_17 = vector.broadcast %rsqrt3A : vector<1x128xf32> to vector<1000x128xf32>
    %mul3A_18 = arith.mulf %sub3A_16, %mul3A_17 : vector<1000x128xf32>
    %add3A_19 = arith.constant 9.99999974E-5 : f32
    %add3A_20 = vector.broadcast %add3A_19 : f32 to vector<1000x128xf32>
    %add3A_21 = arith.addf %mul3A_18, %add3A_20 : vector<1000x128xf32>
    %get3A_22 = arith.constant 0 : index
    %get3A_23 = arith.constant 0 : index
    %get3A_24 = vector.load %arg2[%get3A_22, %get3A_23] : memref<128x128xf32, #tpu.memory_space<vmem>>, vector<128x128xf32>
    %dot_general3A = arith.constant dense<0.000000e+00> : vector<1000x128xf32>
    %dot_general3A_25 = tpu.matmul %add3A_21, %get3A_24, %dot_general3A {dimension_numbers = #tpu.dot_dimension_numbers<[1], [0], [0], [1], [0, 0, 1, 1], [], []>, transpose_lhs_hint = false} : vector<1000x128xf32>, vector<128x128xf32>, vector<1000x128xf32> -> vector<1000x128xf32>
    %get3A_26 = arith.constant 0 : index
    %get3A_27 = arith.constant 0 : index
    %get3A_28 = vector.load %arg4[%get3A_26, %get3A_27] : memref<1x128xf32, #tpu.memory_space<vmem>>, vector<1x128xf32>
    %add3A_29 = vector.broadcast %get3A_28 : vector<1x128xf32> to vector<1000x128xf32>
    %add3A_30 = arith.addf %dot_general3A_25, %add3A_29 : vector<1000x128xf32>
    %max3A = arith.constant 0.000000e+00 : f32
    %max3A_31 = vector.broadcast %max3A : f32 to vector<1000x128xf32>
    %max3A_32 = arith.maximumf %add3A_30, %max3A_31 : vector<1000x128xf32>
    %swap3A = arith.constant 0 : index
    %swap3A_33 = arith.constant 0 : index
    %swap3A_34 = vector.load %arg6[%swap3A, %swap3A_33] : memref<1000x128xf32, #tpu.memory_space<vmem>>, vector<1000x128xf32>
    tpu.vector_store %arg6[%swap3A, %swap3A_33], %max3A_32 {strides = array<i32>} : memref<1000x128xf32, #tpu.memory_space<vmem>>, vector<1000x128xf32>,
    %eq3A = arith.constant 0 : i32
    %eq3A_35 = arith.cmpi eq, %arg0, %eq3A : i32
    %convert_element_type3A = arith.extui %eq3A_35 : i1 to i32
    %cond3A = arith.constant 0 : i32
    %cond3A_36 = arith.cmpi ne, %convert_element_type3A, %cond3A : i32
    scf.if %cond3A_36 {
      %broadcast_in_dim3A_56 = arith.constant 0.000000e+00 : f32
      %broadcast_in_dim3A_57 = vector.broadcast %broadcast_in_dim3A_56 : f32 to vector<2x128xf32>
      %swap3A_58 = arith.constant 0 : index
      %swap3A_59 = arith.constant 0 : index
      %swap3A_60 = vector.load %arg7[%swap3A_58, %swap3A_59] : memref<2x128xf32, #tpu.memory_space<vmem>>, vector<2x128xf32>
      tpu.vector_store %arg7[%swap3A_58, %swap3A_59], %broadcast_in_dim3A_57 {strides = array<i32>} : memref<2x128xf32, #tpu.memory_space<vmem>>, vector<2x128xf32>,
    } else {
    }
    %get3A_37 = arith.constant 0 : index
    %get3A_38 = arith.constant 0 : index
    %get3A_39 = vector.load %arg7[%get3A_37, %get3A_38] : memref<2x128xf32, #tpu.memory_space<vmem>>, vector<1x128xf32>
    %reduce_sum3A = arith.constant dense<0.000000e+00> : vector<128xf32>
    %reduce_sum3A_40 = vector.multi_reduction <add>, %max3A_32, %reduce_sum3A [0] : vector<1000x128xf32> to vector<128xf32>
    %broadcast_in_dim3A = vector.shape_cast %reduce_sum3A_40 : vector<128xf32> to vector<1x128xf32>
    %add3A_41 = arith.addf %get3A_39, %broadcast_in_dim3A : vector<1x128xf32>
    %swap3A_42 = arith.constant 0 : index
    %swap3A_43 = arith.constant 0 : index
    %swap3A_44 = vector.load %arg7[%swap3A_42, %swap3A_43] : memref<2x128xf32, #tpu.memory_space<vmem>>, vector<1x128xf32>
    tpu.vector_store %arg7[%swap3A_42, %swap3A_43], %add3A_41 {strides = array<i32>} : memref<2x128xf32, #tpu.memory_space<vmem>>, vector<1x128xf32>,
    %get3A_45 = arith.constant 1 : index
    %get3A_46 = arith.constant 0 : index
    %get3A_47 = vector.load %arg7[%get3A_45, %get3A_46] : memref<2x128xf32, #tpu.memory_space<vmem>>, vector<1x128xf32>
    %mul3A_48 = arith.mulf %max3A_32, %max3A_32 : vector<1000x128xf32>
    %reduce_sum3A_49 = arith.constant dense<0.000000e+00> : vector<128xf32>
    %reduce_sum3A_50 = vector.multi_reduction <add>, %mul3A_48, %reduce_sum3A_49 [0] : vector<1000x128xf32> to vector<128xf32>
    %broadcast_in_dim3A_51 = vector.shape_cast %reduce_sum3A_50 : vector<128xf32> to vector<1x128xf32>
    %add3A_52 = arith.addf %get3A_47, %broadcast_in_dim3A_51 : vector<1x128xf32>
    %swap3A_53 = arith.constant 1 : index
    %swap3A_54 = arith.constant 0 : index
    %swap3A_55 = vector.load %arg7[%swap3A_53, %swap3A_54] : memref<2x128xf32, #tpu.memory_space<vmem>>, vector<1x128xf32>
    tpu.vector_store %arg7[%swap3A_53, %swap3A_54], %add3A_52 {strides = array<i32>} : memref<2x128xf32, #tpu.memory_space<vmem>>, vector<1x128xf32>,
    return
  }
  func.func @transform_0(%arg0: i32) -> (i32, i32) {
    %c0_i32 = arith.constant 0 : i32
    %c0_i32_0 = arith.constant 0 : i32
    return %arg0, %c0_i32 : i32, i32
  }
  func.func @transform_1(%arg0: i32) -> (i32, i32) {
    %c0_i32 = arith.constant 0 : i32
    %c0_i32_0 = arith.constant 0 : i32
    %c0_i32_1 = arith.constant 0 : i32
    return %c0_i32, %c0_i32_0 : i32, i32
  }
  func.func @transform_2(%arg0: i32) -> (i32, i32) {
    %c0_i32 = arith.constant 0 : i32
    %c0_i32_0 = arith.constant 0 : i32
    %c0_i32_1 = arith.constant 0 : i32
    return %c0_i32, %c0_i32_0 : i32, i32
  }
  func.func @transform_3(%arg0: i32) -> (i32, i32) {
    %c0_i32 = arith.constant 0 : i32
    %c0_i32_0 = arith.constant 0 : i32
    %c0_i32_1 = arith.constant 0 : i32
    return %c0_i32, %c0_i32_0 : i32, i32
  }
  func.func @transform_4(%arg0: i32) -> (i32, i32) {
    %c0_i32 = arith.constant 0 : i32
    %c0_i32_0 = arith.constant 0 : i32
    return %arg0, %c0_i32 : i32, i32
  }
  func.func @transform_5(%arg0: i32) -> (i32, i32) {
    %c0_i32 = arith.constant 0 : i32
    %c0_i32_0 = arith.constant 0 : i32
    return %arg0, %c0_i32 : i32, i32
  }
  func.func @transform_6(%arg0: i32) -> (i32, i32) {
    %c0_i32 = arith.constant 0 : i32
    %c0_i32_0 = arith.constant 0 : i32
    %c0_i32_1 = arith.constant 0 : i32
    return %c0_i32, %c0_i32_0 : i32, i32
  }
}

module attributes {stable_mosaic.version = 14 : i64} {
  func.func @_mm_body(%arg0: i32, %arg1: memref<1000x128xf32, #tpu.memory_space<vmem>>, %arg2: memref<128x128xf32, #tpu.memory_space<vmem>>, %arg3: memref<2x128xf32, #tpu.memory_space<vmem>>, %arg4: memref<1x128xf32, #tpu.memory_space<vmem>>, %arg5: memref<1000x1xf32, #tpu.memory_space<vmem>>, %arg6: memref<1000x128xf32, #tpu.memory_space<vmem>>, %arg7: memref<2x128xf32, #tpu.memory_space<vmem>>) attributes {dimension_semantics = [#tpu.dimension_semantics<arbitrary>], iteration_bounds = array<i64: 10>, scalar_prefetch = 0 : i64, scratch_operands = 0 : i64, tpu.core_type = #tpu.core_type<tc>, window_params = [{transform_indices = @transform_0, window_bounds = array<i64: 1000, 128>}, {pipeline_mode = #tpu.pipeline_mode<synchronous>, transform_indices = @transform_1, window_bounds = array<i64: 128, 128>}, {pipeline_mode = #tpu.pipeline_mode<synchronous>, transform_indices = @transform_2, window_bounds = array<i64: 2, 128>}, {pipeline_mode = #tpu.pipeline_mode<synchronous>, transform_indices = @transform_3, window_bounds = array<i64: 1, 128>}, {transform_indices = @transform_4, window_bounds = array<i64: 1000, 1>}, {transform_indices = @transform_5, window_bounds = array<i64: 1000, 128>}, {pipeline_mode = #tpu.pipeline_mode<synchronous>, transform_indices = @transform_6, window_bounds = array<i64: 2, 128>}]} {
    %get3A = arith.constant 0 : index
    %get3A_0 = arith.constant 0 : index
    %get3A_1 = vector.load %arg3[%get3A, %get3A_0] : memref<2x128xf32, #tpu.memory_space<vmem>>, vector<1x128xf32>
    %div3A = arith.constant 1.000000e+04 : f32
    %div3A_2 = vector.broadcast %div3A : f32 to vector<1x128xf32>
    %div3A_3 = arith.divf %get3A_1, %div3A_2 : vector<1x128xf32>
    %get3A_4 = arith.constant 1 : index
    %get3A_5 = arith.constant 0 : index
    %get3A_6 = vector.load %arg3[%get3A_4, %get3A_5] : memref<2x128xf32, #tpu.memory_space<vmem>>, vector<1x128xf32>
    %div3A_7 = arith.constant 1.000000e+04 : f32
    %div3A_8 = vector.broadcast %div3A_7 : f32 to vector<1x128xf32>
    %div3A_9 = arith.divf %get3A_6, %div3A_8 : vector<1x128xf32>
    %mul3A = arith.mulf %div3A_3, %div3A_3 : vector<1x128xf32>
    %sub3A = arith.subf %div3A_9, %mul3A : vector<1x128xf32>
    %add3A = arith.constant 9.99999974E-6 : f32
    %add3A_10 = vector.broadcast %add3A : f32 to vector<1x128xf32>
    %add3A_11 = arith.addf %sub3A, %add3A_10 : vector<1x128xf32>
    %rsqrt3A = math.rsqrt %add3A_11 : vector<1x128xf32>
    %get3A_12 = arith.constant 0 : index
    %get3A_13 = arith.constant 0 : index
    %get3A_14 = vector.load %arg1[%get3A_12, %get3A_13] : memref<1000x128xf32, #tpu.memory_space<vmem>>, vector<1000x128xf32>
    %sub3A_15 = vector.broadcast %div3A_3 : vector<1x128xf32> to vector<1000x128xf32>
    %sub3A_16 = arith.subf %get3A_14, %sub3A_15 : vector<1000x128xf32>
    %mul3A_17 = vector.broadcast %rsqrt3A : vector<1x128xf32> to vector<1000x128xf32>
    %mul3A_18 = arith.mulf %sub3A_16, %mul3A_17 : vector<1000x128xf32>
    %add3A_19 = arith.constant 9.99999974E-5 : f32
    %add3A_20 = vector.broadcast %add3A_19 : f32 to vector<1000x128xf32>
    %add3A_21 = arith.addf %mul3A_18, %add3A_20 : vector<1000x128xf32>
    %get3A_22 = arith.constant 0 : index
    %get3A_23 = arith.constant 0 : index
    %get3A_24 = vector.load %arg2[%get3A_22, %get3A_23] : memref<128x128xf32, #tpu.memory_space<vmem>>, vector<128x128xf32>
    %dot_general3A = arith.constant dense<0.000000e+00> : vector<1000x128xf32>
    %dot_general3A_25 = tpu.matmul %add3A_21, %get3A_24, %dot_general3A {dimension_numbers = #tpu.dot_dimension_numbers<[1], [0], [0], [1], [0, 0, 1, 1], [], []>, transpose_lhs_hint = false} : vector<1000x128xf32>, vector<128x128xf32>, vector<1000x128xf32> -> vector<1000x128xf32>
    %get3A_26 = arith.constant 0 : index
    %get3A_27 = arith.constant 0 : index
    %get3A_28 = vector.load %arg4[%get3A_26, %get3A_27] : memref<1x128xf32, #tpu.memory_space<vmem>>, vector<1x128xf32>
    %add3A_29 = vector.broadcast %get3A_28 : vector<1x128xf32> to vector<1000x128xf32>
    %add3A_30 = arith.addf %dot_general3A_25, %add3A_29 : vector<1000x128xf32>
    %get3A_31 = arith.constant 0 : index
    %get3A_32 = arith.constant 0 : index
    %get3A_33 = vector.load %arg5[%get3A_31, %get3A_32] : memref<1000x1xf32, #tpu.memory_space<vmem>>, vector<1000x1xf32>
    %mul3A_34 = vector.broadcast %get3A_33 : vector<1000x1xf32> to vector<1000x128xf32>
    %mul3A_35 = arith.mulf %add3A_30, %mul3A_34 : vector<1000x128xf32>
    %swap3A = arith.constant 0 : index
    %swap3A_36 = arith.constant 0 : index
    %swap3A_37 = vector.load %arg6[%swap3A, %swap3A_36] : memref<1000x128xf32, #tpu.memory_space<vmem>>, vector<1000x128xf32>
    tpu.vector_store %arg6[%swap3A, %swap3A_36], %mul3A_35 {strides = array<i32>} : memref<1000x128xf32, #tpu.memory_space<vmem>>, vector<1000x128xf32>,
    %eq3A = arith.constant 0 : i32
    %eq3A_38 = arith.cmpi eq, %arg0, %eq3A : i32
    %convert_element_type3A = arith.extui %eq3A_38 : i1 to i32
    %cond3A = arith.constant 0 : i32
    %cond3A_39 = arith.cmpi ne, %convert_element_type3A, %cond3A : i32
    scf.if %cond3A_39 {
      %broadcast_in_dim3A_59 = arith.constant 0.000000e+00 : f32
      %broadcast_in_dim3A_60 = vector.broadcast %broadcast_in_dim3A_59 : f32 to vector<2x128xf32>
      %swap3A_61 = arith.constant 0 : index
      %swap3A_62 = arith.constant 0 : index
      %swap3A_63 = vector.load %arg7[%swap3A_61, %swap3A_62] : memref<2x128xf32, #tpu.memory_space<vmem>>, vector<2x128xf32>
      tpu.vector_store %arg7[%swap3A_61, %swap3A_62], %broadcast_in_dim3A_60 {strides = array<i32>} : memref<2x128xf32, #tpu.memory_space<vmem>>, vector<2x128xf32>,
    } else {
    }
    %get3A_40 = arith.constant 0 : index
    %get3A_41 = arith.constant 0 : index
    %get3A_42 = vector.load %arg7[%get3A_40, %get3A_41] : memref<2x128xf32, #tpu.memory_space<vmem>>, vector<1x128xf32>
    %reduce_sum3A = arith.constant dense<0.000000e+00> : vector<128xf32>
    %reduce_sum3A_43 = vector.multi_reduction <add>, %mul3A_35, %reduce_sum3A [0] : vector<1000x128xf32> to vector<128xf32>
    %broadcast_in_dim3A = vector.shape_cast %reduce_sum3A_43 : vector<128xf32> to vector<1x128xf32>
    %add3A_44 = arith.addf %get3A_42, %broadcast_in_dim3A : vector<1x128xf32>
    %swap3A_45 = arith.constant 0 : index
    %swap3A_46 = arith.constant 0 : index
    %swap3A_47 = vector.load %arg7[%swap3A_45, %swap3A_46] : memref<2x128xf32, #tpu.memory_space<vmem>>, vector<1x128xf32>
    tpu.vector_store %arg7[%swap3A_45, %swap3A_46], %add3A_44 {strides = array<i32>} : memref<2x128xf32, #tpu.memory_space<vmem>>, vector<1x128xf32>,
    %get3A_48 = arith.constant 1 : index
    %get3A_49 = arith.constant 0 : index
    %get3A_50 = vector.load %arg7[%get3A_48, %get3A_49] : memref<2x128xf32, #tpu.memory_space<vmem>>, vector<1x128xf32>
    %mul3A_51 = arith.mulf %mul3A_35, %mul3A_35 : vector<1000x128xf32>
    %reduce_sum3A_52 = arith.constant dense<0.000000e+00> : vector<128xf32>
    %reduce_sum3A_53 = vector.multi_reduction <add>, %mul3A_51, %reduce_sum3A_52 [0] : vector<1000x128xf32> to vector<128xf32>
    %broadcast_in_dim3A_54 = vector.shape_cast %reduce_sum3A_53 : vector<128xf32> to vector<1x128xf32>
    %add3A_55 = arith.addf %get3A_50, %broadcast_in_dim3A_54 : vector<1x128xf32>
    %swap3A_56 = arith.constant 1 : index
    %swap3A_57 = arith.constant 0 : index
    %swap3A_58 = vector.load %arg7[%swap3A_56, %swap3A_57] : memref<2x128xf32, #tpu.memory_space<vmem>>, vector<1x128xf32>
    tpu.vector_store %arg7[%swap3A_56, %swap3A_57], %add3A_55 {strides = array<i32>} : memref<2x128xf32, #tpu.memory_space<vmem>>, vector<1x128xf32>,
    return
  }
  func.func @transform_0(%arg0: i32) -> (i32, i32) {
    %c0_i32 = arith.constant 0 : i32
    %c0_i32_0 = arith.constant 0 : i32
    return %arg0, %c0_i32 : i32, i32
  }
  func.func @transform_1(%arg0: i32) -> (i32, i32) {
    %c0_i32 = arith.constant 0 : i32
    %c0_i32_0 = arith.constant 0 : i32
    %c0_i32_1 = arith.constant 0 : i32
    return %c0_i32, %c0_i32_0 : i32, i32
  }
  func.func @transform_2(%arg0: i32) -> (i32, i32) {
    %c0_i32 = arith.constant 0 : i32
    %c0_i32_0 = arith.constant 0 : i32
    %c0_i32_1 = arith.constant 0 : i32
    return %c0_i32, %c0_i32_0 : i32, i32
  }
  func.func @transform_3(%arg0: i32) -> (i32, i32) {
    %c0_i32 = arith.constant 0 : i32
    %c0_i32_0 = arith.constant 0 : i32
    %c0_i32_1 = arith.constant 0 : i32
    return %c0_i32, %c0_i32_0 : i32, i32
  }
  func.func @transform_4(%arg0: i32) -> (i32, i32) {
    %c0_i32 = arith.constant 0 : i32
    %c0_i32_0 = arith.constant 0 : i32
    return %arg0, %c0_i32 : i32, i32
  }
  func.func @transform_5(%arg0: i32) -> (i32, i32) {
    %c0_i32 = arith.constant 0 : i32
    %c0_i32_0 = arith.constant 0 : i32
    return %arg0, %c0_i32 : i32, i32
  }
  func.func @transform_6(%arg0: i32) -> (i32, i32) {
    %c0_i32 = arith.constant 0 : i32
    %c0_i32_0 = arith.constant 0 : i32
    %c0_i32_1 = arith.constant 0 : i32
    return %c0_i32, %c0_i32_0 : i32, i32
  }
}

module attributes {stable_mosaic.version = 14 : i64} {
  func.func @_post_body(%arg0: i32, %arg1: memref<2x1000x128xf32, #tpu.memory_space<vmem>>, %arg2: memref<1000x128xf32, #tpu.memory_space<vmem>>, %arg3: memref<1000x1xf32, #tpu.memory_space<vmem>>, %arg4: memref<1x128xf32, #tpu.memory_space<vmem>>, %arg5: memref<1000x128xf32, #tpu.memory_space<vmem>>, %arg6: memref<2x128xf32, #tpu.memory_space<vmem>>) attributes {dimension_semantics = [#tpu.dimension_semantics<arbitrary>], iteration_bounds = array<i64: 10>, scalar_prefetch = 0 : i64, scratch_operands = 0 : i64, tpu.core_type = #tpu.core_type<tc>, window_params = [{transform_indices = @transform_0, window_bounds = array<i64: 2, 1000, 128>}, {transform_indices = @transform_1, window_bounds = array<i64: 1000, 128>}, {transform_indices = @transform_2, window_bounds = array<i64: 1000, 1>}, {pipeline_mode = #tpu.pipeline_mode<synchronous>, transform_indices = @transform_3, window_bounds = array<i64: 1, 128>}, {transform_indices = @transform_4, window_bounds = array<i64: 1000, 128>}, {pipeline_mode = #tpu.pipeline_mode<synchronous>, transform_indices = @transform_5, window_bounds = array<i64: 2, 128>}]} {
    %get3A = arith.constant 0 : index
    %get3A_0 = arith.constant 0 : index
    %get3A_1 = arith.constant 0 : index
    %get3A_2 = vector.load %arg1[%get3A, %get3A_0, %get3A_1] : memref<2x1000x128xf32, #tpu.memory_space<vmem>>, vector<1x1000x128xf32>
    %get3A_3 = vector.shape_cast %get3A_2 : vector<1x1000x128xf32> to vector<1000x128xf32>
    %get3A_4 = arith.constant 1 : index
    %get3A_5 = arith.constant 0 : index
    %get3A_6 = arith.constant 0 : index
    %get3A_7 = vector.load %arg1[%get3A_4, %get3A_5, %get3A_6] : memref<2x1000x128xf32, #tpu.memory_space<vmem>>, vector<1x1000x128xf32>
    %get3A_8 = vector.shape_cast %get3A_7 : vector<1x1000x128xf32> to vector<1000x128xf32>
    %add3A = arith.addf %get3A_3, %get3A_8 : vector<1000x128xf32>
    %get3A_9 = arith.constant 0 : index
    %get3A_10 = arith.constant 0 : index
    %get3A_11 = vector.load %arg3[%get3A_9, %get3A_10] : memref<1000x1xf32, #tpu.memory_space<vmem>>, vector<1000x1xf32>
    %get3A_12 = arith.constant 0 : index
    %get3A_13 = arith.constant 0 : index
    %get3A_14 = vector.load %arg2[%get3A_12, %get3A_13] : memref<1000x128xf32, #tpu.memory_space<vmem>>, vector<1000x128xf32>
    %add3A_15 = arith.addf %add3A, %get3A_14 : vector<1000x128xf32>
    %mul3A = vector.broadcast %get3A_11 : vector<1000x1xf32> to vector<1000x128xf32>
    %mul3A_16 = arith.mulf %mul3A, %add3A_15 : vector<1000x128xf32>
    %get3A_17 = arith.constant 0 : index
    %get3A_18 = arith.constant 0 : index
    %get3A_19 = vector.load %arg4[%get3A_17, %get3A_18] : memref<1x128xf32, #tpu.memory_space<vmem>>, vector<1x128xf32>
    %add3A_20 = vector.broadcast %get3A_19 : vector<1x128xf32> to vector<1000x128xf32>
    %add3A_21 = arith.addf %mul3A_16, %add3A_20 : vector<1000x128xf32>
    %max3A = arith.constant 0.000000e+00 : f32
    %max3A_22 = vector.broadcast %max3A : f32 to vector<1000x128xf32>
    %max3A_23 = arith.maximumf %add3A_21, %max3A_22 : vector<1000x128xf32>
    %swap3A = arith.constant 0 : index
    %swap3A_24 = arith.constant 0 : index
    %swap3A_25 = vector.load %arg5[%swap3A, %swap3A_24] : memref<1000x128xf32, #tpu.memory_space<vmem>>, vector<1000x128xf32>
    tpu.vector_store %arg5[%swap3A, %swap3A_24], %max3A_23 {strides = array<i32>} : memref<1000x128xf32, #tpu.memory_space<vmem>>, vector<1000x128xf32>,
    %eq3A = arith.constant 0 : i32
    %eq3A_26 = arith.cmpi eq, %arg0, %eq3A : i32
    %convert_element_type3A = arith.extui %eq3A_26 : i1 to i32
    %cond3A = arith.constant 0 : i32
    %cond3A_27 = arith.cmpi ne, %convert_element_type3A, %cond3A : i32
    scf.if %cond3A_27 {
      %broadcast_in_dim3A_47 = arith.constant 0.000000e+00 : f32
      %broadcast_in_dim3A_48 = vector.broadcast %broadcast_in_dim3A_47 : f32 to vector<2x128xf32>
      %swap3A_49 = arith.constant 0 : index
      %swap3A_50 = arith.constant 0 : index
      %swap3A_51 = vector.load %arg6[%swap3A_49, %swap3A_50] : memref<2x128xf32, #tpu.memory_space<vmem>>, vector<2x128xf32>
      tpu.vector_store %arg6[%swap3A_49, %swap3A_50], %broadcast_in_dim3A_48 {strides = array<i32>} : memref<2x128xf32, #tpu.memory_space<vmem>>, vector<2x128xf32>,
    } else {
    }
    %get3A_28 = arith.constant 0 : index
    %get3A_29 = arith.constant 0 : index
    %get3A_30 = vector.load %arg6[%get3A_28, %get3A_29] : memref<2x128xf32, #tpu.memory_space<vmem>>, vector<1x128xf32>
    %reduce_sum3A = arith.constant dense<0.000000e+00> : vector<128xf32>
    %reduce_sum3A_31 = vector.multi_reduction <add>, %max3A_23, %reduce_sum3A [0] : vector<1000x128xf32> to vector<128xf32>
    %broadcast_in_dim3A = vector.shape_cast %reduce_sum3A_31 : vector<128xf32> to vector<1x128xf32>
    %add3A_32 = arith.addf %get3A_30, %broadcast_in_dim3A : vector<1x128xf32>
    %swap3A_33 = arith.constant 0 : index
    %swap3A_34 = arith.constant 0 : index
    %swap3A_35 = vector.load %arg6[%swap3A_33, %swap3A_34] : memref<2x128xf32, #tpu.memory_space<vmem>>, vector<1x128xf32>
    tpu.vector_store %arg6[%swap3A_33, %swap3A_34], %add3A_32 {strides = array<i32>} : memref<2x128xf32, #tpu.memory_space<vmem>>, vector<1x128xf32>,
    %get3A_36 = arith.constant 1 : index
    %get3A_37 = arith.constant 0 : index
    %get3A_38 = vector.load %arg6[%get3A_36, %get3A_37] : memref<2x128xf32, #tpu.memory_space<vmem>>, vector<1x128xf32>
    %mul3A_39 = arith.mulf %max3A_23, %max3A_23 : vector<1000x128xf32>
    %reduce_sum3A_40 = arith.constant dense<0.000000e+00> : vector<128xf32>
    %reduce_sum3A_41 = vector.multi_reduction <add>, %mul3A_39, %reduce_sum3A_40 [0] : vector<1000x128xf32> to vector<128xf32>
    %broadcast_in_dim3A_42 = vector.shape_cast %reduce_sum3A_41 : vector<128xf32> to vector<1x128xf32>
    %add3A_43 = arith.addf %get3A_38, %broadcast_in_dim3A_42 : vector<1x128xf32>
    %swap3A_44 = arith.constant 1 : index
    %swap3A_45 = arith.constant 0 : index
    %swap3A_46 = vector.load %arg6[%swap3A_44, %swap3A_45] : memref<2x128xf32, #tpu.memory_space<vmem>>, vector<1x128xf32>
    tpu.vector_store %arg6[%swap3A_44, %swap3A_45], %add3A_43 {strides = array<i32>} : memref<2x128xf32, #tpu.memory_space<vmem>>, vector<1x128xf32>,
    return
  }
  func.func @transform_0(%arg0: i32) -> (i32, i32, i32) {
    %c0_i32 = arith.constant 0 : i32
    %c0_i32_0 = arith.constant 0 : i32
    %c0_i32_1 = arith.constant 0 : i32
    return %c0_i32, %arg0, %c0_i32_0 : i32, i32, i32
  }
  func.func @transform_1(%arg0: i32) -> (i32, i32) {
    %c0_i32 = arith.constant 0 : i32
    %c0_i32_0 = arith.constant 0 : i32
    return %arg0, %c0_i32 : i32, i32
  }
  func.func @transform_2(%arg0: i32) -> (i32, i32) {
    %c0_i32 = arith.constant 0 : i32
    %c0_i32_0 = arith.constant 0 : i32
    return %arg0, %c0_i32 : i32, i32
  }
  func.func @transform_3(%arg0: i32) -> (i32, i32) {
    %c0_i32 = arith.constant 0 : i32
    %c0_i32_0 = arith.constant 0 : i32
    %c0_i32_1 = arith.constant 0 : i32
    return %c0_i32, %c0_i32_0 : i32, i32
  }
  func.func @transform_4(%arg0: i32) -> (i32, i32) {
    %c0_i32 = arith.constant 0 : i32
    %c0_i32_0 = arith.constant 0 : i32
    return %arg0, %c0_i32 : i32, i32
  }
  func.func @transform_5(%arg0: i32) -> (i32, i32) {
    %c0_i32 = arith.constant 0 : i32
    %c0_i32_0 = arith.constant 0 : i32
    %c0_i32_1 = arith.constant 0 : i32
    return %c0_i32, %c0_i32_0 : i32, i32
  }
}

module attributes {stable_mosaic.version = 14 : i64} {
  func.func @_nodehead_body(%arg0: i32, %arg1: memref<1000x128xf32, #tpu.memory_space<vmem>>, %arg2: memref<128x128xf32, #tpu.memory_space<vmem>>, %arg3: memref<1x128xf32, #tpu.memory_space<vmem>>, %arg4: memref<128x6xf32, #tpu.memory_space<vmem>>, %arg5: memref<1x6xf32, #tpu.memory_space<vmem>>, %arg6: memref<1000x6xf32, #tpu.memory_space<vmem>>) attributes {dimension_semantics = [#tpu.dimension_semantics<arbitrary>], iteration_bounds = array<i64: 10>, scalar_prefetch = 0 : i64, scratch_operands = 0 : i64, tpu.core_type = #tpu.core_type<tc>, window_params = [{transform_indices = @transform_0, window_bounds = array<i64: 1000, 128>}, {pipeline_mode = #tpu.pipeline_mode<synchronous>, transform_indices = @transform_1, window_bounds = array<i64: 128, 128>}, {pipeline_mode = #tpu.pipeline_mode<synchronous>, transform_indices = @transform_2, window_bounds = array<i64: 1, 128>}, {pipeline_mode = #tpu.pipeline_mode<synchronous>, transform_indices = @transform_3, window_bounds = array<i64: 128, 6>}, {pipeline_mode = #tpu.pipeline_mode<synchronous>, transform_indices = @transform_4, window_bounds = array<i64: 1, 6>}, {transform_indices = @transform_5, window_bounds = array<i64: 1000, 6>}]} {
    %get3A = arith.constant 0 : index
    %get3A_0 = arith.constant 0 : index
    %get3A_1 = vector.load %arg1[%get3A, %get3A_0] : memref<1000x128xf32, #tpu.memory_space<vmem>>, vector<1000x128xf32>
    %get3A_2 = arith.constant 0 : index
    %get3A_3 = arith.constant 0 : index
    %get3A_4 = vector.load %arg2[%get3A_2, %get3A_3] : memref<128x128xf32, #tpu.memory_space<vmem>>, vector<128x128xf32>
    %dot_general3A = arith.constant dense<0.000000e+00> : vector<1000x128xf32>
    %dot_general3A_5 = tpu.matmul %get3A_1, %get3A_4, %dot_general3A {dimension_numbers = #tpu.dot_dimension_numbers<[1], [0], [0], [1], [0, 0, 1, 1], [], []>, transpose_lhs_hint = false} : vector<1000x128xf32>, vector<128x128xf32>, vector<1000x128xf32> -> vector<1000x128xf32>
    %get3A_6 = arith.constant 0 : index
    %get3A_7 = arith.constant 0 : index
    %get3A_8 = vector.load %arg3[%get3A_6, %get3A_7] : memref<1x128xf32, #tpu.memory_space<vmem>>, vector<1x128xf32>
    %add3A = vector.broadcast %get3A_8 : vector<1x128xf32> to vector<1000x128xf32>
    %add3A_9 = arith.addf %dot_general3A_5, %add3A : vector<1000x128xf32>
    %max3A = arith.constant 0.000000e+00 : f32
    %max3A_10 = vector.broadcast %max3A : f32 to vector<1000x128xf32>
    %max3A_11 = arith.maximumf %add3A_9, %max3A_10 : vector<1000x128xf32>
    %get3A_12 = arith.constant 0 : index
    %get3A_13 = arith.constant 0 : index
    %get3A_14 = vector.load %arg4[%get3A_12, %get3A_13] : memref<128x6xf32, #tpu.memory_space<vmem>>, vector<128x6xf32>
    %dot_general3A_15 = arith.constant dense<0.000000e+00> : vector<1000x6xf32>
    %dot_general3A_16 = tpu.matmul %max3A_11, %get3A_14, %dot_general3A_15 {dimension_numbers = #tpu.dot_dimension_numbers<[1], [0], [0], [1], [0, 0, 1, 1], [], []>, transpose_lhs_hint = false} : vector<1000x128xf32>, vector<128x6xf32>, vector<1000x6xf32> -> vector<1000x6xf32>
    %get3A_17 = arith.constant 0 : index
    %get3A_18 = arith.constant 0 : index
    %get3A_19 = vector.load %arg5[%get3A_17, %get3A_18] : memref<1x6xf32, #tpu.memory_space<vmem>>, vector<1x6xf32>
    %add3A_20 = vector.broadcast %get3A_19 : vector<1x6xf32> to vector<1000x6xf32>
    %add3A_21 = arith.addf %dot_general3A_16, %add3A_20 : vector<1000x6xf32>
    %reduce_max3A = arith.constant dense<0xFF800000> : vector<1000xf32>
    %reduce_max3A_22 = vector.multi_reduction <maximumf>, %add3A_21, %reduce_max3A [1] : vector<1000x6xf32> to vector<1000xf32>
    %broadcast_in_dim3A = vector.shape_cast %reduce_max3A_22 : vector<1000xf32> to vector<1000x1xf32>
    %sub3A = vector.broadcast %broadcast_in_dim3A : vector<1000x1xf32> to vector<1000x6xf32>
    %sub3A_23 = arith.subf %add3A_21, %sub3A : vector<1000x6xf32>
    %exp3A = math.exp %sub3A_23 : vector<1000x6xf32>
    %sub3A_24 = vector.broadcast %broadcast_in_dim3A : vector<1000x1xf32> to vector<1000x6xf32>
    %sub3A_25 = arith.subf %add3A_21, %sub3A_24 : vector<1000x6xf32>
    %reduce_sum3A = arith.constant dense<0.000000e+00> : vector<1000xf32>
    %reduce_sum3A_26 = vector.multi_reduction <add>, %exp3A, %reduce_sum3A [1] : vector<1000x6xf32> to vector<1000xf32>
    %broadcast_in_dim3A_27 = vector.shape_cast %reduce_sum3A_26 : vector<1000xf32> to vector<1000x1xf32>
    %log3A = math.log %broadcast_in_dim3A_27 : vector<1000x1xf32>
    %sub3A_28 = vector.broadcast %log3A : vector<1000x1xf32> to vector<1000x6xf32>
    %sub3A_29 = arith.subf %sub3A_25, %sub3A_28 : vector<1000x6xf32>
    %swap3A = arith.constant 0 : index
    %swap3A_30 = arith.constant 0 : index
    %swap3A_31 = vector.load %arg6[%swap3A, %swap3A_30] : memref<1000x6xf32, #tpu.memory_space<vmem>>, vector<1000x6xf32>
    tpu.vector_store %arg6[%swap3A, %swap3A_30], %sub3A_29 {strides = array<i32>} : memref<1000x6xf32, #tpu.memory_space<vmem>>, vector<1000x6xf32>,
    return
  }
  func.func @transform_0(%arg0: i32) -> (i32, i32) {
    %c0_i32 = arith.constant 0 : i32
    %c0_i32_0 = arith.constant 0 : i32
    return %arg0, %c0_i32 : i32, i32
  }
  func.func @transform_1(%arg0: i32) -> (i32, i32) {
    %c0_i32 = arith.constant 0 : i32
    %c0_i32_0 = arith.constant 0 : i32
    %c0_i32_1 = arith.constant 0 : i32
    return %c0_i32, %c0_i32_0 : i32, i32
  }
  func.func @transform_2(%arg0: i32) -> (i32, i32) {
    %c0_i32 = arith.constant 0 : i32
    %c0_i32_0 = arith.constant 0 : i32
    %c0_i32_1 = arith.constant 0 : i32
    return %c0_i32, %c0_i32_0 : i32, i32
  }
  func.func @transform_3(%arg0: i32) -> (i32, i32) {
    %c0_i32 = arith.constant 0 : i32
    %c0_i32_0 = arith.constant 0 : i32
    %c0_i32_1 = arith.constant 0 : i32
    return %c0_i32, %c0_i32_0 : i32, i32
  }
  func.func @transform_4(%arg0: i32) -> (i32, i32) {
    %c0_i32 = arith.constant 0 : i32
    %c0_i32_0 = arith.constant 0 : i32
    %c0_i32_1 = arith.constant 0 : i32
    return %c0_i32, %c0_i32_0 : i32, i32
  }
  func.func @transform_5(%arg0: i32) -> (i32, i32) {
    %c0_i32 = arith.constant 0 : i32
    %c0_i32_0 = arith.constant 0 : i32
    return %arg0, %c0_i32 : i32, i32
  }
}

module attributes {stable_mosaic.version = 14 : i64} {
  func.func @_post_body(%arg0: i32, %arg1: memref<2x1000x128xf32, #tpu.memory_space<vmem>>, %arg2: memref<1000x128xf32, #tpu.memory_space<vmem>>, %arg3: memref<1000x1xf32, #tpu.memory_space<vmem>>, %arg4: memref<1x128xf32, #tpu.memory_space<vmem>>, %arg5: memref<1000x128xf32, #tpu.memory_space<vmem>>, %arg6: memref<2x128xf32, #tpu.memory_space<vmem>>) attributes {dimension_semantics = [#tpu.dimension_semantics<arbitrary>], iteration_bounds = array<i64: 10>, scalar_prefetch = 0 : i64, scratch_operands = 0 : i64, tpu.core_type = #tpu.core_type<tc>, window_params = [{transform_indices = @transform_0, window_bounds = array<i64: 2, 1000, 128>}, {transform_indices = @transform_1, window_bounds = array<i64: 1000, 128>}, {transform_indices = @transform_2, window_bounds = array<i64: 1000, 1>}, {pipeline_mode = #tpu.pipeline_mode<synchronous>, transform_indices = @transform_3, window_bounds = array<i64: 1, 128>}, {transform_indices = @transform_4, window_bounds = array<i64: 1000, 128>}, {pipeline_mode = #tpu.pipeline_mode<synchronous>, transform_indices = @transform_5, window_bounds = array<i64: 2, 128>}]} {
    %get3A = arith.constant 0 : index
    %get3A_0 = arith.constant 0 : index
    %get3A_1 = arith.constant 0 : index
    %get3A_2 = vector.load %arg1[%get3A, %get3A_0, %get3A_1] : memref<2x1000x128xf32, #tpu.memory_space<vmem>>, vector<1x1000x128xf32>
    %get3A_3 = vector.shape_cast %get3A_2 : vector<1x1000x128xf32> to vector<1000x128xf32>
    %get3A_4 = arith.constant 1 : index
    %get3A_5 = arith.constant 0 : index
    %get3A_6 = arith.constant 0 : index
    %get3A_7 = vector.load %arg1[%get3A_4, %get3A_5, %get3A_6] : memref<2x1000x128xf32, #tpu.memory_space<vmem>>, vector<1x1000x128xf32>
    %get3A_8 = vector.shape_cast %get3A_7 : vector<1x1000x128xf32> to vector<1000x128xf32>
    %add3A = arith.addf %get3A_3, %get3A_8 : vector<1000x128xf32>
    %get3A_9 = arith.constant 0 : index
    %get3A_10 = arith.constant 0 : index
    %get3A_11 = vector.load %arg3[%get3A_9, %get3A_10] : memref<1000x1xf32, #tpu.memory_space<vmem>>, vector<1000x1xf32>
    %get3A_12 = arith.constant 0 : index
    %get3A_13 = arith.constant 0 : index
    %get3A_14 = vector.load %arg2[%get3A_12, %get3A_13] : memref<1000x128xf32, #tpu.memory_space<vmem>>, vector<1000x128xf32>
    %add3A_15 = arith.addf %add3A, %get3A_14 : vector<1000x128xf32>
    %mul3A = vector.broadcast %get3A_11 : vector<1000x1xf32> to vector<1000x128xf32>
    %mul3A_16 = arith.mulf %mul3A, %add3A_15 : vector<1000x128xf32>
    %get3A_17 = arith.constant 0 : index
    %get3A_18 = arith.constant 0 : index
    %get3A_19 = vector.load %arg4[%get3A_17, %get3A_18] : memref<1x128xf32, #tpu.memory_space<vmem>>, vector<1x128xf32>
    %add3A_20 = vector.broadcast %get3A_19 : vector<1x128xf32> to vector<1000x128xf32>
    %add3A_21 = arith.addf %mul3A_16, %add3A_20 : vector<1000x128xf32>
    %max3A = arith.constant 0.000000e+00 : f32
    %max3A_22 = vector.broadcast %max3A : f32 to vector<1000x128xf32>
    %max3A_23 = arith.maximumf %add3A_21, %max3A_22 : vector<1000x128xf32>
    %swap3A = arith.constant 0 : index
    %swap3A_24 = arith.constant 0 : index
    %swap3A_25 = vector.load %arg5[%swap3A, %swap3A_24] : memref<1000x128xf32, #tpu.memory_space<vmem>>, vector<1000x128xf32>
    tpu.vector_store %arg5[%swap3A, %swap3A_24], %max3A_23 {strides = array<i32>} : memref<1000x128xf32, #tpu.memory_space<vmem>>, vector<1000x128xf32>,
    %eq3A = arith.constant 0 : i32
    %eq3A_26 = arith.cmpi eq, %arg0, %eq3A : i32
    %convert_element_type3A = arith.extui %eq3A_26 : i1 to i32
    %cond3A = arith.constant 0 : i32
    %cond3A_27 = arith.cmpi ne, %convert_element_type3A, %cond3A : i32
    scf.if %cond3A_27 {
      %broadcast_in_dim3A_47 = arith.constant 0.000000e+00 : f32
      %broadcast_in_dim3A_48 = vector.broadcast %broadcast_in_dim3A_47 : f32 to vector<2x128xf32>
      %swap3A_49 = arith.constant 0 : index
      %swap3A_50 = arith.constant 0 : index
      %swap3A_51 = vector.load %arg6[%swap3A_49, %swap3A_50] : memref<2x128xf32, #tpu.memory_space<vmem>>, vector<2x128xf32>
      tpu.vector_store %arg6[%swap3A_49, %swap3A_50], %broadcast_in_dim3A_48 {strides = array<i32>} : memref<2x128xf32, #tpu.memory_space<vmem>>, vector<2x128xf32>,
    } else {
    }
    %get3A_28 = arith.constant 0 : index
    %get3A_29 = arith.constant 0 : index
    %get3A_30 = vector.load %arg6[%get3A_28, %get3A_29] : memref<2x128xf32, #tpu.memory_space<vmem>>, vector<1x128xf32>
    %reduce_sum3A = arith.constant dense<0.000000e+00> : vector<128xf32>
    %reduce_sum3A_31 = vector.multi_reduction <add>, %max3A_23, %reduce_sum3A [0] : vector<1000x128xf32> to vector<128xf32>
    %broadcast_in_dim3A = vector.shape_cast %reduce_sum3A_31 : vector<128xf32> to vector<1x128xf32>
    %add3A_32 = arith.addf %get3A_30, %broadcast_in_dim3A : vector<1x128xf32>
    %swap3A_33 = arith.constant 0 : index
    %swap3A_34 = arith.constant 0 : index
    %swap3A_35 = vector.load %arg6[%swap3A_33, %swap3A_34] : memref<2x128xf32, #tpu.memory_space<vmem>>, vector<1x128xf32>
    tpu.vector_store %arg6[%swap3A_33, %swap3A_34], %add3A_32 {strides = array<i32>} : memref<2x128xf32, #tpu.memory_space<vmem>>, vector<1x128xf32>,
    %get3A_36 = arith.constant 1 : index
    %get3A_37 = arith.constant 0 : index
    %get3A_38 = vector.load %arg6[%get3A_36, %get3A_37] : memref<2x128xf32, #tpu.memory_space<vmem>>, vector<1x128xf32>
    %mul3A_39 = arith.mulf %max3A_23, %max3A_23 : vector<1000x128xf32>
    %reduce_sum3A_40 = arith.constant dense<0.000000e+00> : vector<128xf32>
    %reduce_sum3A_41 = vector.multi_reduction <add>, %mul3A_39, %reduce_sum3A_40 [0] : vector<1000x128xf32> to vector<128xf32>
    %broadcast_in_dim3A_42 = vector.shape_cast %reduce_sum3A_41 : vector<128xf32> to vector<1x128xf32>
    %add3A_43 = arith.addf %get3A_38, %broadcast_in_dim3A_42 : vector<1x128xf32>
    %swap3A_44 = arith.constant 1 : index
    %swap3A_45 = arith.constant 0 : index
    %swap3A_46 = vector.load %arg6[%swap3A_44, %swap3A_45] : memref<2x128xf32, #tpu.memory_space<vmem>>, vector<1x128xf32>
    tpu.vector_store %arg6[%swap3A_44, %swap3A_45], %add3A_43 {strides = array<i32>} : memref<2x128xf32, #tpu.memory_space<vmem>>, vector<1x128xf32>,
    return
  }
  func.func @transform_0(%arg0: i32) -> (i32, i32, i32) {
    %c0_i32 = arith.constant 0 : i32
    %c0_i32_0 = arith.constant 0 : i32
    %c0_i32_1 = arith.constant 0 : i32
    return %c0_i32, %arg0, %c0_i32_0 : i32, i32, i32
  }
  func.func @transform_1(%arg0: i32) -> (i32, i32) {
    %c0_i32 = arith.constant 0 : i32
    %c0_i32_0 = arith.constant 0 : i32
    return %arg0, %c0_i32 : i32, i32
  }
  func.func @transform_2(%arg0: i32) -> (i32, i32) {
    %c0_i32 = arith.constant 0 : i32
    %c0_i32_0 = arith.constant 0 : i32
    return %arg0, %c0_i32 : i32, i32
  }
  func.func @transform_3(%arg0: i32) -> (i32, i32) {
    %c0_i32 = arith.constant 0 : i32
    %c0_i32_0 = arith.constant 0 : i32
    %c0_i32_1 = arith.constant 0 : i32
    return %c0_i32, %c0_i32_0 : i32, i32
  }
  func.func @transform_4(%arg0: i32) -> (i32, i32) {
    %c0_i32 = arith.constant 0 : i32
    %c0_i32_0 = arith.constant 0 : i32
    return %arg0, %c0_i32 : i32, i32
  }
  func.func @transform_5(%arg0: i32) -> (i32, i32) {
    %c0_i32 = arith.constant 0 : i32
    %c0_i32_0 = arith.constant 0 : i32
    %c0_i32_1 = arith.constant 0 : i32
    return %c0_i32, %c0_i32_0 : i32, i32
  }
}

module attributes {stable_mosaic.version = 14 : i64} {
  func.func @_graphhead_body(%arg0: memref<2x128x128xf32, #tpu.memory_space<vmem>>, %arg1: memref<128x128xf32, #tpu.memory_space<vmem>>, %arg2: memref<1x128xf32, #tpu.memory_space<vmem>>, %arg3: memref<128x10xf32, #tpu.memory_space<vmem>>, %arg4: memref<1x10xf32, #tpu.memory_space<vmem>>, %arg5: memref<128x10xf32, #tpu.memory_space<vmem>>) attributes {dimension_semantics = [], scalar_prefetch = 0 : i64, scratch_operands = 0 : i64, tpu.core_type = #tpu.core_type<tc>} {
    %get3A = arith.constant 0 : index
    %get3A_0 = arith.constant 0 : index
    %get3A_1 = arith.constant 0 : index
    %get3A_2 = vector.load %arg0[%get3A, %get3A_0, %get3A_1] : memref<2x128x128xf32, #tpu.memory_space<vmem>>, vector<1x128x128xf32>
    %get3A_3 = vector.shape_cast %get3A_2 : vector<1x128x128xf32> to vector<128x128xf32>
    %get3A_4 = arith.constant 1 : index
    %get3A_5 = arith.constant 0 : index
    %get3A_6 = arith.constant 0 : index
    %get3A_7 = vector.load %arg0[%get3A_4, %get3A_5, %get3A_6] : memref<2x128x128xf32, #tpu.memory_space<vmem>>, vector<1x128x128xf32>
    %get3A_8 = vector.shape_cast %get3A_7 : vector<1x128x128xf32> to vector<128x128xf32>
    %add3A = arith.addf %get3A_3, %get3A_8 : vector<128x128xf32>
    %reduce_sum3A = arith.constant dense<0.000000e+00> : vector<128xf32>
    %reduce_sum3A_9 = vector.multi_reduction <add>, %add3A, %reduce_sum3A [0] : vector<128x128xf32> to vector<128xf32>
    %broadcast_in_dim3A = vector.shape_cast %reduce_sum3A_9 : vector<128xf32> to vector<1x128xf32>
    %div3A = arith.constant 1.280000e+02 : f32
    %div3A_10 = vector.broadcast %div3A : f32 to vector<1x128xf32>
    %div3A_11 = arith.divf %broadcast_in_dim3A, %div3A_10 : vector<1x128xf32>
    %sub3A = vector.broadcast %div3A_11 : vector<1x128xf32> to vector<128x128xf32>
    %sub3A_12 = arith.subf %add3A, %sub3A : vector<128x128xf32>
    %integer_pow3A = arith.mulf %sub3A_12, %sub3A_12 : vector<128x128xf32>
    %reduce_sum3A_13 = arith.constant dense<0.000000e+00> : vector<128xf32>
    %reduce_sum3A_14 = vector.multi_reduction <add>, %integer_pow3A, %reduce_sum3A_13 [0] : vector<128x128xf32> to vector<128xf32>
    %broadcast_in_dim3A_15 = vector.shape_cast %reduce_sum3A_14 : vector<128xf32> to vector<1x128xf32>
    %div3A_16 = arith.constant 1.280000e+02 : f32
    %div3A_17 = vector.broadcast %div3A_16 : f32 to vector<1x128xf32>
    %div3A_18 = arith.divf %broadcast_in_dim3A_15, %div3A_17 : vector<1x128xf32>
    %sub3A_19 = vector.broadcast %div3A_11 : vector<1x128xf32> to vector<128x128xf32>
    %sub3A_20 = arith.subf %add3A, %sub3A_19 : vector<128x128xf32>
    %add3A_21 = arith.constant 9.99999974E-6 : f32
    %add3A_22 = vector.broadcast %add3A_21 : f32 to vector<1x128xf32>
    %add3A_23 = arith.addf %div3A_18, %add3A_22 : vector<1x128xf32>
    %rsqrt3A = math.rsqrt %add3A_23 : vector<1x128xf32>
    %mul3A = vector.broadcast %rsqrt3A : vector<1x128xf32> to vector<128x128xf32>
    %mul3A_24 = arith.mulf %sub3A_20, %mul3A : vector<128x128xf32>
    %add3A_25 = arith.constant 9.99999974E-5 : f32
    %add3A_26 = vector.broadcast %add3A_25 : f32 to vector<128x128xf32>
    %add3A_27 = arith.addf %mul3A_24, %add3A_26 : vector<128x128xf32>
    %get3A_28 = arith.constant 0 : index
    %get3A_29 = arith.constant 0 : index
    %get3A_30 = vector.load %arg1[%get3A_28, %get3A_29] : memref<128x128xf32, #tpu.memory_space<vmem>>, vector<128x128xf32>
    %dot_general3A = arith.constant dense<0.000000e+00> : vector<128x128xf32>
    %dot_general3A_31 = tpu.matmul %add3A_27, %get3A_30, %dot_general3A {dimension_numbers = #tpu.dot_dimension_numbers<[1], [0], [0], [1], [0, 0, 1, 1], [], []>, transpose_lhs_hint = false} : vector<128x128xf32>, vector<128x128xf32>, vector<128x128xf32> -> vector<128x128xf32>
    %get3A_32 = arith.constant 0 : index
    %get3A_33 = arith.constant 0 : index
    %get3A_34 = vector.load %arg2[%get3A_32, %get3A_33] : memref<1x128xf32, #tpu.memory_space<vmem>>, vector<1x128xf32>
    %add3A_35 = vector.broadcast %get3A_34 : vector<1x128xf32> to vector<128x128xf32>
    %add3A_36 = arith.addf %dot_general3A_31, %add3A_35 : vector<128x128xf32>
    %max3A = arith.constant 0.000000e+00 : f32
    %max3A_37 = vector.broadcast %max3A : f32 to vector<128x128xf32>
    %max3A_38 = arith.maximumf %add3A_36, %max3A_37 : vector<128x128xf32>
    %reduce_sum3A_39 = arith.constant dense<0.000000e+00> : vector<128xf32>
    %reduce_sum3A_40 = vector.multi_reduction <add>, %max3A_38, %reduce_sum3A_39 [0] : vector<128x128xf32> to vector<128xf32>
    %broadcast_in_dim3A_41 = vector.shape_cast %reduce_sum3A_40 : vector<128xf32> to vector<1x128xf32>
    %div3A_42 = arith.constant 1.280000e+02 : f32
    %div3A_43 = vector.broadcast %div3A_42 : f32 to vector<1x128xf32>
    %div3A_44 = arith.divf %broadcast_in_dim3A_41, %div3A_43 : vector<1x128xf32>
    %sub3A_45 = vector.broadcast %div3A_44 : vector<1x128xf32> to vector<128x128xf32>
    %sub3A_46 = arith.subf %max3A_38, %sub3A_45 : vector<128x128xf32>
    %integer_pow3A_47 = arith.mulf %sub3A_46, %sub3A_46 : vector<128x128xf32>
    %reduce_sum3A_48 = arith.constant dense<0.000000e+00> : vector<128xf32>
    %reduce_sum3A_49 = vector.multi_reduction <add>, %integer_pow3A_47, %reduce_sum3A_48 [0] : vector<128x128xf32> to vector<128xf32>
    %broadcast_in_dim3A_50 = vector.shape_cast %reduce_sum3A_49 : vector<128xf32> to vector<1x128xf32>
    %div3A_51 = arith.constant 1.280000e+02 : f32
    %div3A_52 = vector.broadcast %div3A_51 : f32 to vector<1x128xf32>
    %div3A_53 = arith.divf %broadcast_in_dim3A_50, %div3A_52 : vector<1x128xf32>
    %sub3A_54 = vector.broadcast %div3A_44 : vector<1x128xf32> to vector<128x128xf32>
    %sub3A_55 = arith.subf %max3A_38, %sub3A_54 : vector<128x128xf32>
    %add3A_56 = arith.constant 9.99999974E-6 : f32
    %add3A_57 = vector.broadcast %add3A_56 : f32 to vector<1x128xf32>
    %add3A_58 = arith.addf %div3A_53, %add3A_57 : vector<1x128xf32>
    %rsqrt3A_59 = math.rsqrt %add3A_58 : vector<1x128xf32>
    %mul3A_60 = vector.broadcast %rsqrt3A_59 : vector<1x128xf32> to vector<128x128xf32>
    %mul3A_61 = arith.mulf %sub3A_55, %mul3A_60 : vector<128x128xf32>
    %add3A_62 = arith.constant 9.99999974E-5 : f32
    %add3A_63 = vector.broadcast %add3A_62 : f32 to vector<128x128xf32>
    %add3A_64 = arith.addf %mul3A_61, %add3A_63 : vector<128x128xf32>
    %get3A_65 = arith.constant 0 : index
    %get3A_66 = arith.constant 0 : index
    %get3A_67 = vector.load %arg3[%get3A_65, %get3A_66] : memref<128x10xf32, #tpu.memory_space<vmem>>, vector<128x10xf32>
    %dot_general3A_68 = arith.constant dense<0.000000e+00> : vector<128x10xf32>
    %dot_general3A_69 = tpu.matmul %add3A_64, %get3A_67, %dot_general3A_68 {dimension_numbers = #tpu.dot_dimension_numbers<[1], [0], [0], [1], [0, 0, 1, 1], [], []>, transpose_lhs_hint = false} : vector<128x128xf32>, vector<128x10xf32>, vector<128x10xf32> -> vector<128x10xf32>
    %get3A_70 = arith.constant 0 : index
    %get3A_71 = arith.constant 0 : index
    %get3A_72 = vector.load %arg4[%get3A_70, %get3A_71] : memref<1x10xf32, #tpu.memory_space<vmem>>, vector<1x10xf32>
    %add3A_73 = vector.broadcast %get3A_72 : vector<1x10xf32> to vector<128x10xf32>
    %add3A_74 = arith.addf %dot_general3A_69, %add3A_73 : vector<128x10xf32>
    %reduce_max3A = arith.constant dense<0xFF800000> : vector<128xf32>
    %reduce_max3A_75 = vector.multi_reduction <maximumf>, %add3A_74, %reduce_max3A [1] : vector<128x10xf32> to vector<128xf32>
    %broadcast_in_dim3A_76 = vector.shape_cast %reduce_max3A_75 : vector<128xf32> to vector<128x1xf32>
    %sub3A_77 = vector.broadcast %broadcast_in_dim3A_76 : vector<128x1xf32> to vector<128x10xf32>
    %sub3A_78 = arith.subf %add3A_74, %sub3A_77 : vector<128x10xf32>
    %exp3A = math.exp %sub3A_78 : vector<128x10xf32>
    %sub3A_79 = vector.broadcast %broadcast_in_dim3A_76 : vector<128x1xf32> to vector<128x10xf32>
    %sub3A_80 = arith.subf %add3A_74, %sub3A_79 : vector<128x10xf32>
    %reduce_sum3A_81 = arith.constant dense<0.000000e+00> : vector<128xf32>
    %reduce_sum3A_82 = vector.multi_reduction <add>, %exp3A, %reduce_sum3A_81 [1] : vector<128x10xf32> to vector<128xf32>
    %broadcast_in_dim3A_83 = vector.shape_cast %reduce_sum3A_82 : vector<128xf32> to vector<128x1xf32>
    %log3A = math.log %broadcast_in_dim3A_83 : vector<128x1xf32>
    %sub3A_84 = vector.broadcast %log3A : vector<128x1xf32> to vector<128x10xf32>
    %sub3A_85 = arith.subf %sub3A_80, %sub3A_84 : vector<128x10xf32>
    %swap3A = arith.constant 0 : index
    %swap3A_86 = arith.constant 0 : index
    %swap3A_87 = vector.load %arg5[%swap3A, %swap3A_86] : memref<128x10xf32, #tpu.memory_space<vmem>>, vector<128x10xf32>
    tpu.vector_store %arg5[%swap3A, %swap3A_86], %sub3A_85 {strides = array<i32>} : memref<128x10xf32, #tpu.memory_space<vmem>>, vector<128x10xf32>,
    return
  }
}

</mosaic_0001>

<sc_bundles>
// kernel: kernel.18.cloned.1.call-start
scs
__scs_entry_jumppad:
0x0: {  	(pc) =	sbr.rel $0x88, $3  }
0x1: {  	(tag) =	ssettag $0x0;
	lr =	simm.s32 $0x1  }
0x2: {  	[smem:$0x3F8E] =	sst lr;
	_ =	strace $0xD0000000  }
0x3: {  	_ = 	snop  }
0x4: {  	_ = 	snop  }
0x5: {  	_ = 	snop  }
0x6: {  	_ = 	snop  }
0x7: {  	_ = 	snop  }
__scs_overlays_trampoline_lowered:
0x8: {  	[smem:$0x3F9D] =	sst s0  }
0x9: {  	[smem:$0x3F9E] =	sst s1  }
0xa: {  	[smem:$0x3F9F] =	sst s2  }
0xb: {  	[smem:$0x3FA0] =	sst s3  }
0xc: {  	[smem:$0x3FA1] =	sst s4  }
0xd: {  	[smem:$0x3FA2] =	sst s5  }
0xe: {  	[smem:$0x3FA3] =	sst s6  }
0xf: {  	[smem:$0x3FA4] =	sst s7  }
0x10: {  	[smem:$0x3FA5] =	sst s8  }
0x11: {  	[smem:$0x3FA6] =	sst s9;
	s0 =	simm.s32 @!p0 $0x0  }
0x12: {  	s1 =	sld [smem:$0x3F8C];
	s0 =	simm.s32 @p0 $0x1  }
0x13: {  	[smem:$0x3FA7] =	sst s0;
	s0 =	simm.s32 @!p1 $0x0  }
0x14: {  	s2 =	sld [smem:$0x3F8B];
	s0 =	simm.s32 @p1 $0x1  }
0x15: {  	[smem:$0x3FA8] =	sst s0;
	s0 =	simm.s32 @!p2 $0x0  }
0x16: {  	s3 =	sld [smem:$0x3FDB];
	s0 =	simm.s32 @p2 $0x1  }
0x17: {  	s4 =	simm.s32 $0x1BF5;
	[smem:$0x3FAA] =	sst s0  }
0x18: {  	s0 =	sld [smem:$0x3F8D];
	_ =	swait.ge [sflag:s4], $0x0  }
0x19: {  	s7 =	sld [smem:$0x3F8E]  }
0x1a: {  	s8 =	sadd.s32 $0xFFFFE003, lr  }
0x1b: {  	s9 =	sadd.s32 $0xFFFFFEF7, lr;
	s5 =	simm.s32 $0xFFFFFFFF;
	p2 =	slt.u32 s8, $0xFFFFF086  }
0x1c: {  	p1 =	slt.u32 s9, $0xF7A;
	s5 =	simm.s32 @!p2 $0x0  }
0x1d: {  	s5 =	simm.s32 @p1 $0x1;
	p0 =	seq.s32 s7, s2  }
0x1e: {  	s7 =	smul.u32 @!p0 $0xF7A, s2;
	p2 =	seq.s32 @!p0 s5, $0x0  }
0x1f: {  	s9 =	smul.u32 $0xF7A, s1;
	s8 =	simm.s32 @!p0 $0x1BF5;
	p2 =	por !p2, p0  }
0x20: {  	[sflag:s8] =	ssyncset.s32 @!p0 $0xFFFFF086;
	s6 =	sadd.s32 @!p0 s3, s7;
	s7 =	simm.s32 @!p0 $0x108  }
0x21: {  	s3 =	sadd.s32 s3, s9;
	s6 =	sadd.s32 @!p0 $0x88, s6;
	s7 =	simm.s32 @p2 $0x1082  }
0x22: {  	[simem:s7], [sflag:s8] =	dma.local @!p0 [hbm:s6], $0xF7A  }
0x23: {  	s9 =	sor.u32 $0xD0000000, s2;
	s6 =	simm.s32 $0x108;
	_ =	swait.ge @!p0 [sflag:s8], $0x0  }
0x24: {  	s3 =	sadd.s32 $0x88, s3;
	s6 =	simm.s32 @!p1 $0x1082;
	[sflag:s4] =	ssyncset.s32 $0xFFFFF086  }
0x25: {  	[simem:s6], [sflag:s4] =	dma.local [hbm:s3], $0xF7A  }
0x26: {  	[smem:$0x3F8E] =	sst s1;
	(tag) =	ssettag s2;
	_ =	strace s9  }
0x27: {  	s1 =	sld [smem:$0x3F9E]  }
0x28: {  	s2 =	sld [smem:$0x3F9F]  }
0x29: {  	s4 =	sld [smem:$0x3FA1]  }
0x2a: {  	p0 =	seq.s32 s5, $0x0;
	s5 =	sld [smem:$0x3FA2]  }
0x2b: {  	s6 =	sld [smem:$0x3FA3]  }
0x2c: {  	s7 =	sld [smem:$0x3FA4]  }
0x2d: {  	s3 =	simm.s32 $0x108;
	s8 =	sld [smem:$0x3FA5]  }
0x2e: {  	s3 =	simm.s32 @!p0 $0x1082;
	s9 =	sld [smem:$0x3FA6]  }
0x2f: {  	lr =	sadd.s32 s0, s3;
	s0 =	sld [smem:$0x3F9D]  }
0x30: {  	s3 =	sld [smem:$0x3FA0]  }
0x31: {  	[smem:$0x3FA9] =	sst s10  }
0x32: {  	s10 =	sld [smem:$0x3FA7];
	_ =	sdelay $0x3  }
0x33: {  	p0 =	seq.s32 s10, $0x1;
	s10 =	sld [smem:$0x3FA9];
	_ =	sdelay $0x3  }
0x34: {  	[smem:$0x3FA9] =	sst s10  }
0x35: {  	s10 =	sld [smem:$0x3FA8];
	_ =	sdelay $0x3  }
0x36: {  	p1 =	seq.s32 s10, $0x1;
	s10 =	sld [smem:$0x3FA9];
	_ =	sdelay $0x3  }
0x37: {  	[smem:$0x3FA9] =	sst s10  }
0x38: {  	s10 =	sld [smem:$0x3FAA]  }
0x39: {  	_ = 	snop;
	(pc) =	sbr.ind lr, $3  }
0x3a: {  	_ = 	snop  }
0x3b: {  	_ = 	snop  }
0x3c: {  	p2 =	seq.s32 s10, $0x1;
	s10 =	sld [smem:$0x3FA9]  }
0x3d: {  	_ =	shalt  }
0x3e: {  	_ =	shalt  }
0x3f: {  	_ =	shalt  }
0x40: {  	_ =	shalt  }
0x41: {  	_ =	shalt  }
0x42: {  	_ =	shalt  }
0x43: {  	_ =	shalt  }
0x44: {  	_ =	shalt  }
0x45: {  	_ =	shalt  }
0x46: {  	_ =	shalt  }
0x47: {  	_ =	shalt  }
0x48: {  	_ =	shalt  }
0x49: {  	_ =	shalt  }
0x4a: {  	_ =	shalt  }
0x4b: {  	_ =	shalt  }
0x4c: {  	_ =	shalt  }
0x4d: {  	_ =	shalt  }
0x4e: {  	_ =	shalt  }
0x4f: {  	_ =	shalt  }
0x50: {  	_ =	shalt  }
0x51: {  	_ =	shalt  }
0x52: {  	_ =	shalt  }
0x53: {  	_ =	shalt  }
0x54: {  	_ =	shalt  }
0x55: {  	_ =	shalt  }
0x56: {  	_ =	shalt  }
0x57: {  	_ =	shalt  }
0x58: {  	_ =	shalt  }
0x59: {  	_ =	shalt  }
0x5a: {  	_ =	shalt  }
0x5b: {  	_ =	shalt  }
0x5c: {  	_ =	shalt  }
0x5d: {  	_ =	shalt  }
0x5e: {  	_ =	shalt  }
0x5f: {  	_ =	shalt  }
0x60: {  	_ =	shalt  }
0x61: {  	_ =	shalt  }
0x62: {  	_ =	shalt  }
0x63: {  	_ =	shalt  }
0x64: {  	_ =	shalt  }
0x65: {  	_ =	shalt  }
0x66: {  	_ =	shalt  }
0x67: {  	_ =	shalt  }
0x68: {  	_ =	shalt  }
0x69: {  	_ =	shalt  }
0x6a: {  	_ =	shalt  }
0x6b: {  	_ =	shalt  }
0x6c: {  	_ =	shalt  }
0x6d: {  	_ =	shalt  }
0x6e: {  	_ =	shalt  }
0x6f: {  	_ =	shalt  }
0x70: {  	_ =	shalt  }
0x71: {  	_ =	shalt  }
0x72: {  	_ =	shalt  }
0x73: {  	_ =	shalt  }
0x74: {  	_ =	shalt  }
0x75: {  	_ =	shalt  }
0x76: {  	_ =	shalt  }
0x77: {  	_ =	shalt  }
0x78: {  	_ =	shalt  }
0x79: {  	_ =	shalt  }
0x7a: {  	_ =	shalt  }
0x7b: {  	_ =	shalt  }
0x7c: {  	_ =	shalt  }
0x7d: {  	_ =	shalt  }
0x7e: {  	_ =	shalt  }
0x7f: {  	_ =	shalt  }
0x80: {  	_ =	shalt  }
0x81: {  	_ =	shalt  }
0x82: {  	_ =	shalt  }
0x83: {  	_ =	shalt  }
0x84: {  	_ =	shalt  }
0x85: {  	_ =	shalt  }
0x86: {  	_ =	shalt  }
0x87: {  	_ =	shalt  }
.Lfunc_end0:
.L_simem_size_0:
called_computation_lowered:
.L_overlay_start_0:
0x88: {  	s2 =	sld [smem:$0x3FD9]  }
0x89: {  	s3 =	sld [smem:$0x3FFE];
	_ =	sdelay $0x1  }
0x8a: {  	s1 =	srdreg.scid  }
0x8b: {  	s0 =	sand.u32 $0x1, s1  }
0x8c: {  	s14 =	sshll.u32 s0, $0xA;
	s2 =	sadd.s32 s3, s2  }
0x8d: {  	s2 =	sadd.s32 s2, s14  }
0x8e: {  	[smem:$0x3FB5] =	sst s2  }
0x8f: {  	_ = 	snop  }
0x90: {  	s2 =	sld [smem:$0x3FD0];
	_ =	sdelay $0x2  }
0x91: {  	s15 =	simm.s32 $0xA;
	s4 =	simm.s32 $0x10  }
0x92: {  	[smem:s4], [sflag:s15] =	dma.local [hbm:s2], $0x1  }
0x93: {  	_ =	swait.eq [sflag:s15], $0x1  }
0x94: {  	[sflag:s15] =	ssyncset.done $0x0  }
0x95: {  	[sflag:s15] =	ssyncadd.s32 $0xFFFFFFFF  }
0x96: {  	s16 =	sld [smem:$0x11];
	(tm) =	ssettm $0x1  }
0x97: {  	s17 =	sld [smem:$0x3FFB];
	_ =	sdelay $0x3  }
0x98: {  	_ =	strace s17  }
0x99: {  	s3 =	sld [smem:$0x3FFC];
	_ =	sdelay $0x3  }
0x9a: {  	_ =	strace s3  }
0x9b: {  	s3 =	sld [smem:$0x3FFD];
	_ =	sdelay $0x3  }
0x9c: {  	_ =	strace s3  }
0x9d: {  	_ =	strace $0x8FFFFFFF  }
0x9e: {  	s18 =	sld [smem:$0x3FDB];
	_ =	sdelay $0x1  }
0x9f: {  	s19 =	simm.s32 $_scs_section_size  }
0xa0: {  	s5 =	simm.s32 $_size__tile_overlayer_lowered;
	s6 =	simm.s32 $_tile_overlayer_lowered  }
0xa1: {  	s22 =	simm.s32 $0x1BFF;
	s21 =	sshll.u32 s6, $0x1;
	s3 =	sadd.s32 s19, s18  }
0xa2: {  	s7 =	simm.s32 $0x0;
	s20 =	sshll.u32 s5, $0x1;
	s5 =	sadd.s32 s21, s3  }
0xa3: {  	[timem:s7], [sflag:s22] =	dma.local [hbm:s5], s20  }
0xa4: {  	_ =	swait.ge [sflag:s22], s20  }
0xa5: {  	s4 =	ssub.s32 $0x0, s20;
	[sflag:s22] =	ssyncset.done $0x0  }
0xa6: {  	[sflag:s22] =	ssyncadd.s32 s4;
	_ =	sdelay $0x1  }
0xa7: {  	s23 =	simm.s32 $0x1B8B  }
0xa8: {  	_ =	swait.ge [sflag:s23], $0x1  }
0xa9: {  	[sflag:s23] =	ssyncset.done $0x0  }
0xaa: {  	s25 =	simm.s32 $0x1B8E;
	s24 =	sld [smem:$0x3FFE];
	[sflag:s23] =	ssyncadd.s32 $0xFFFFFFFF  }
0xab: {  	s26 =	simm.s32 $execute0_lowered;
	[smem:$0x3FD2] =	sst s25  }
0xac: {  	s5 =	sshll.u32 s26, $0x1;
	_ =	strace $0x80000046;
	[dreg:$0x1] =	wrdreg $0xFFFFFFFF  }
0xad: {  	s28 =	simm.s32 $_size_execute0_lowered;
	s3 =	sadd.s32 s3, s5;
	[dreg:$0x0] =	wrdreg $0x0  }
0xae: {  	s5 =	sshll.u32 s28, $0x1;
	[dreg:$0x2] =	wrdreg s3  }
0xaf: {  	[dreg:$0x3] =	wrdreg s5  }
0xb0: {  	[dreg:$0x4] =	wrdreg $0xC0  }
0xb1: {  	_ =	task [dreg:s7], $0x5FFFF  }
0xb2: {  	[dreg:$0x1] =	wrdreg $0xFFFFFFFF  }
0xb3: {  	[dreg:$0x0] =	wrdreg $0x60  }
0xb4: {  	[dreg:$0x2] =	wrdreg s24  }
0xb5: {  	[dreg:$0x3] =	wrdreg s16  }
0xb6: {  	[dreg:$0x4] =	wrdreg $0x68000  }
0xb7: {  	[dreg:$0x5] =	wrdreg $0x9  }
0xb8: {  	_ =	task.clear_ibuf [dreg:s7], $0x6FFFF;
	_ =	strace $0x90000046  }
0xb9: {  	s29 =	simm.s32 $0x9;
	_ =	strace $0x80000048  }
0xba: {  	_ =	swait.ge [sflag:s29], $0x1  }
0xbb: {  	[sflag:s29] =	ssyncadd.s32 $0xFFFFFFFF  }
0xbc: {  	_ =	strace $0x90000048  }
0xbd: {  	_ =	sfence  }
0xbe: {  	s30 =	sld [smem:$0x0];
	_ =	sdelay $0x2  }
0xbf: {  	s31 =	sshll.u32 s1, $0xD;
	s1 =	sshrl.u32 s1, $0x2  }
0xc0: {  	s3 =	sand.u32 $0x4000, s31;
	s1 =	sadd.s32 s1, s30  }
0xc1: {  	s0 =	sor.u32 s3, s0;
	s1 =	sshll.u32 s1, $0x11  }
0xc2: {  	s0 =	sor.u32 s1, s0  }
0xc3: {  	s0 =	sadd.s32 $0x8F2B, s0  }
0xc4: {  	[sflag:s0] =	ssyncadd.remote.s32 $0x1  }
0xc5: {  	_ =	sfence.sel $0xFFFF  }
0xc6: {  	[dreg:$0x0] =	wrdreg $0xFFFFFFFF;
	(pc) =	sbr.abs _section_cstart, $3  }
0xc7: {  	[dreg:$0x1] =	wrdreg $0xFFFFFFFF  }
0xc8: {  	_ =	task.clear_ibuf [dreg:s7], $0x2FFFF;
	_ =	strace $0x9FFFFFFF  }
0xc9: {  	(tm) =	ssettm $0x7FFFFFFF  }
tec
execute0_lowered:
.L_overlay_start_1:
0x0: {  	(tag) =	ssettag $0x1  }
0x1: {  	s5 =	rddreg [dreg:$0x0]  }
0x2: {  	s0 =	srdreg.scid;
	s2 =	rddreg [dreg:$0x1]  }
0x3: {  	s3 =	rddreg [dreg:$0x2];
	s6 =	sand.u32 $0x1, s0;
	s0 =	stileid.u32  }
0x4: {  	s4 =	simm.s32 $0x0;
	s12 =	simm.s32 $0x7D;
	s13 =	smul.u32 $0x2800, s0  }
0x5: {  	[smem:$0x7FF] =	sst s4;
	s1 =	sshll.u32 s6, $0x4;
	s8 =	smul.u32 $0x28000, s6  }
0x6: {  	s6 =	ssub.s32 $0x2, s6;
	s9 =	smul.u32 $0x50000, s0;
	s31 =	sshll.u32 s0, $0x6  }
0x7: {  	s7 =	sor.u32 s0, s1;
	s1 =	rddreg [dreg:$0x3];
	_ =	strace $0x80000047  }
0x8: {  	s29 =	sshrl.u32 s6, $0x1;
	s7 =	smul.u32 $0x500, s7;
	s10 =	sadd.s32 s13, s5  }
0x9: {  	s8 =	sadd.s32 s8, s5;
	s11 =	ssub.s32 s6, s29;
	s30 =	sshrl.u32 s9, $0x2  }
0xa: {  	s6 =	sor.u32 $0x1C01, s31;
	s9 =	sadd.s32 s30, s3;
	s14 =	sadd.s32 $0x37800, s8  }
0xb: {  	s8 =	smax.u32 s11, $0x1;
	s11 =	simm.s32 $0x2800;
	s7 =	sadd.s32 s7, s5  }
0xc: {  	s5 =	sadd.s32 $0xF800, s10;
	s9 =	sshrl.u32 s9, $0x3;
	s10 =	simm.s32 $0x1  }
0xd: {  	s13 =	sadd.s32 s13, s14;
	s14 =	simm.s32 $0x0;
	s7 =	sadd.s32 $0x5800, s7  }
.LBB2_1:
0xe: {  	[spmem:s9], [sflag:s6] =	dma.local [hbm:s5], $0x2800  }
0xf: {  	_ =	swait.ge [sflag:s10], $0x2800  }
0x10: {  	[sflag:s10] =	ssyncset.done $0x0  }
0x11: {  	[sflag:s10] =	ssyncadd.s32 $0xFFFFD800  }
0x12: {  	[tilespmem:s4], [sflag:$0x1] =	stream.linear.gather [hbm4b:s7+s4], $0x2800, $0x38;
	[tilespmem:$0x1A800] =	vst v63  }
0x13: {  	_ =	swait.ge [sflag:s10], $0x2800  }
0x14: {  	[sflag:s10] =	ssyncset.done $0x0  }
0x15: {  	[sflag:s10] =	ssyncadd.s32 $0xFFFFD800  }
0x16: {  	[tilespmem:s11], [sflag:$0x1] =	stream.linear.gather [hbm4b:s2+s4], $0x3E80, $0x38;
	[tilespmem:$0x1A800] =	vst v63  }
0x17: {  	_ =	swait.ge [sflag:s10], $0x3E80  }
0x18: {  	[sflag:s10] =	ssyncset.done $0x0  }
0x19: {  	[sflag:s10] =	ssyncadd.s32 $0xFFFFC180  }
0x1a: {  	s15 =	simm.s32 $0x0;
	[bflag:$0x0] =	sbarrier.arrive $0xFFFF  }
0x1b: {  	[spmem:s3] =	stream.indirect.scatter.add.f32 [tilespmem:s11], [sflag:$0x1], $0x80, s15, s12, $0xb8;
	[tilespmem:$0x1A800] =	vst v63  }
0x1c: {  	_ =	swait.ge [sflag:s10], $0x3E80  }
0x1d: {  	s15 =	simm.s32 $0x200;
	[sflag:s10] =	ssyncset.done $0x0  }
.LBB2_2:
0x1e: {  	s16 =	sshra.s32 s15, $0x2;
	[sflag:s10] =	ssyncadd.s32 $0xFFFFC180;
	p0 =	sne.s32 s15, $0x9E00  }
0x1f: {  	[spmem:s3] =	stream.indirect.scatter.add.f32 [tilespmem:s11], [sflag:$0x1], $0x80, s16, s12, $0xb8;
	[tilespmem:$0x1A800] =	vst v63  }
.Ltmp0:
0x20: {  	_ = 	snop;
	(pc) =	sbr.rel @p0 .LBB2_2-.Ltmp0, $4  }
0x21: {  	_ = 	snop  }
0x22: {  	s15 =	sadd.s32 $0x200, s15  }
0x23: {  	_ =	swait.ge [sflag:s10], $0x3E80  }
0x24: {  	[sflag:s10] =	ssyncset.done $0x0  }
0x25: {  	s14 =	sadd.s32 $0x1, s14  }
0x26: {  	[sflag:s10] =	ssyncadd.s32 $0xFFFFC180;
	p0 =	sne.s32 s14, s8  }
.Ltmp1:
0x27: {  	[bflag:$0x0] =	sbarrier.arrive $0xFFFF;
	(pc) =	sbr.rel @p0 .LBB2_1-.Ltmp1, $4  }
0x28: {  	[hbm:s13], [sflag:s6] =	dma.local [spmem:s9], $0x2800  }
0x29: {  	_ =	swait.ge [sflag:s10], $0x2800  }
0x2a: {  	[sflag:s10] =	ssyncset.done $0x0  }
0x2b: {  	[sflag:s10] =	ssyncadd.s32 $0xFFFFD800  }
0x2c: {  	_ =	sfence.sel $0x180000  }
0x2d: {  	[bflag:$0x0] =	sbarrier.arrive $0xFFFF  }
0x2e: {  	p0 =	sne.s32 s0, $0x0;
	_ =	strace $0x90000047  }
0x2f: {  	s0 =	sadd.s32 @!p0 $0x100000, s1;
	[bflag:$0x2] =	sbarrier.arrive $0xFFFF  }
0x30: {  	[sflag:s0] =	ssyncadd.tile.s32 @!p0 $0x1;
	_ =	shalt  }
.Lfunc_end2:
_tile_overlayer_lowered:
.L_overlay_start_2:
0x31: {  	(tag) =	ssettag $0x2  }
0x32: {  	s0 =	rddreg [dreg:$0x0];
	s2 =	stileid.u32  }
0x33: {  	s1 =	rddreg [dreg:$0x1];
	p0 =	sne.s32 s2, $0x0  }
0x34: {  	s3 =	rddreg [dreg:$0x2];
	[bflag:$0x3] =	sbarrier.arrive $0xFFFF;
	s2 =	simm.s32 @!p0 $0x1C01  }
0x35: {  	[timem:s3], [sflag:s2] =	dma.local @!p0 [hbm:s0], s1  }
0x36: {  	s0 =	simm.s32 @!p0 $0x1  }
0x37: {  	_ =	swait.ge @!p0 [sflag:s0], s1  }
0x38: {  	s1 =	ssub.s32 @!p0 $0x0, s1;
	[sflag:s0] =	ssyncset.done @!p0 $0x0  }
0x39: {  	[sflag:s0] =	ssyncadd.s32 @!p0 s1  }
0x3a: {  	[bflag:$0x3] =	sbarrier.arrive $0xFFFF  }
0x3b: {  	_ =	shalt  }

// kernel: kernel.21.cloned.1.call-start
scs
__scs_entry_jumppad:
0x0: {  	(pc) =	sbr.rel $0x88, $3  }
0x1: {  	(tag) =	ssettag $0x0;
	lr =	simm.s32 $0x1  }
0x2: {  	[smem:$0x3F8E] =	sst lr;
	_ =	strace $0xD0000000  }
0x3: {  	_ = 	snop  }
0x4: {  	_ = 	snop  }
0x5: {  	_ = 	snop  }
0x6: {  	_ = 	snop  }
0x7: {  	_ = 	snop  }
__scs_overlays_trampoline_lowered:
0x8: {  	[smem:$0x3F9D] =	sst s0  }
0x9: {  	[smem:$0x3F9E] =	sst s1  }
0xa: {  	[smem:$0x3F9F] =	sst s2  }
0xb: {  	[smem:$0x3FA0] =	sst s3  }
0xc: {  	[smem:$0x3FA1] =	sst s4  }
0xd: {  	[smem:$0x3FA2] =	sst s5  }
0xe: {  	[smem:$0x3FA3] =	sst s6  }
0xf: {  	[smem:$0x3FA4] =	sst s7  }
0x10: {  	[smem:$0x3FA5] =	sst s8  }
0x11: {  	[smem:$0x3FA6] =	sst s9;
	s0 =	simm.s32 @!p0 $0x0  }
0x12: {  	s1 =	sld [smem:$0x3F8C];
	s0 =	simm.s32 @p0 $0x1  }
0x13: {  	[smem:$0x3FA7] =	sst s0;
	s0 =	simm.s32 @!p1 $0x0  }
0x14: {  	s2 =	sld [smem:$0x3F8B];
	s0 =	simm.s32 @p1 $0x1  }
0x15: {  	[smem:$0x3FA8] =	sst s0;
	s0 =	simm.s32 @!p2 $0x0  }
0x16: {  	s3 =	sld [smem:$0x3FDB];
	s0 =	simm.s32 @p2 $0x1  }
0x17: {  	s4 =	simm.s32 $0x1BF5;
	[smem:$0x3FAA] =	sst s0  }
0x18: {  	s0 =	sld [smem:$0x3F8D];
	_ =	swait.ge [sflag:s4], $0x0  }
0x19: {  	s7 =	sld [smem:$0x3F8E]  }
0x1a: {  	s8 =	sadd.s32 $0xFFFFE003, lr  }
0x1b: {  	s9 =	sadd.s32 $0xFFFFFEF7, lr;
	s5 =	simm.s32 $0xFFFFFFFF;
	p2 =	slt.u32 s8, $0xFFFFF086  }
0x1c: {  	p1 =	slt.u32 s9, $0xF7A;
	s5 =	simm.s32 @!p2 $0x0  }
0x1d: {  	s5 =	simm.s32 @p1 $0x1;
	p0 =	seq.s32 s7, s2  }
0x1e: {  	s7 =	smul.u32 @!p0 $0xF7A, s2;
	p2 =	seq.s32 @!p0 s5, $0x0  }
0x1f: {  	s9 =	smul.u32 $0xF7A, s1;
	s8 =	simm.s32 @!p0 $0x1BF5;
	p2 =	por !p2, p0  }
0x20: {  	[sflag:s8] =	ssyncset.s32 @!p0 $0xFFFFF086;
	s6 =	sadd.s32 @!p0 s3, s7;
	s7 =	simm.s32 @!p0 $0x108  }
0x21: {  	s3 =	sadd.s32 s3, s9;
	s6 =	sadd.s32 @!p0 $0x88, s6;
	s7 =	simm.s32 @p2 $0x1082  }
0x22: {  	[simem:s7], [sflag:s8] =	dma.local @!p0 [hbm:s6], $0xF7A  }
0x23: {  	s9 =	sor.u32 $0xD0000000, s2;
	s6 =	simm.s32 $0x108;
	_ =	swait.ge @!p0 [sflag:s8], $0x0  }
0x24: {  	s3 =	sadd.s32 $0x88, s3;
	s6 =	simm.s32 @!p1 $0x1082;
	[sflag:s4] =	ssyncset.s32 $0xFFFFF086  }
0x25: {  	[simem:s6], [sflag:s4] =	dma.local [hbm:s3], $0xF7A  }
0x26: {  	[smem:$0x3F8E] =	sst s1;
	(tag) =	ssettag s2;
	_ =	strace s9  }
0x27: {  	s1 =	sld [smem:$0x3F9E]  }
0x28: {  	s2 =	sld [smem:$0x3F9F]  }
0x29: {  	s4 =	sld [smem:$0x3FA1]  }
0x2a: {  	p0 =	seq.s32 s5, $0x0;
	s5 =	sld [smem:$0x3FA2]  }
0x2b: {  	s6 =	sld [smem:$0x3FA3]  }
0x2c: {  	s7 =	sld [smem:$0x3FA4]  }
0x2d: {  	s3 =	simm.s32 $0x108;
	s8 =	sld [smem:$0x3FA5]  }
0x2e: {  	s3 =	simm.s32 @!p0 $0x1082;
	s9 =	sld [smem:$0x3FA6]  }
0x2f: {  	lr =	sadd.s32 s0, s3;
	s0 =	sld [smem:$0x3F9D]  }
0x30: {  	s3 =	sld [smem:$0x3FA0]  }
0x31: {  	[smem:$0x3FA9] =	sst s10  }
0x32: {  	s10 =	sld [smem:$0x3FA7];
	_ =	sdelay $0x3  }
0x33: {  	p0 =	seq.s32 s10, $0x1;
	s10 =	sld [smem:$0x3FA9];
	_ =	sdelay $0x3  }
0x34: {  	[smem:$0x3FA9] =	sst s10  }
0x35: {  	s10 =	sld [smem:$0x3FA8];
	_ =	sdelay $0x3  }
0x36: {  	p1 =	seq.s32 s10, $0x1;
	s10 =	sld [smem:$0x3FA9];
	_ =	sdelay $0x3  }
0x37: {  	[smem:$0x3FA9] =	sst s10  }
0x38: {  	s10 =	sld [smem:$0x3FAA]  }
0x39: {  	_ = 	snop;
	(pc) =	sbr.ind lr, $3  }
0x3a: {  	_ = 	snop  }
0x3b: {  	_ = 	snop  }
0x3c: {  	p2 =	seq.s32 s10, $0x1;
	s10 =	sld [smem:$0x3FA9]  }
0x3d: {  	_ =	shalt  }
0x3e: {  	_ =	shalt  }
0x3f: {  	_ =	shalt  }
0x40: {  	_ =	shalt  }
0x41: {  	_ =	shalt  }
0x42: {  	_ =	shalt  }
0x43: {  	_ =	shalt  }
0x44: {  	_ =	shalt  }
0x45: {  	_ =	shalt  }
0x46: {  	_ =	shalt  }
0x47: {  	_ =	shalt  }
0x48: {  	_ =	shalt  }
0x49: {  	_ =	shalt  }
0x4a: {  	_ =	shalt  }
0x4b: {  	_ =	shalt  }
0x4c: {  	_ =	shalt  }
0x4d: {  	_ =	shalt  }
0x4e: {  	_ =	shalt  }
0x4f: {  	_ =	shalt  }
0x50: {  	_ =	shalt  }
0x51: {  	_ =	shalt  }
0x52: {  	_ =	shalt  }
0x53: {  	_ =	shalt  }
0x54: {  	_ =	shalt  }
0x55: {  	_ =	shalt  }
0x56: {  	_ =	shalt  }
0x57: {  	_ =	shalt  }
0x58: {  	_ =	shalt  }
0x59: {  	_ =	shalt  }
0x5a: {  	_ =	shalt  }
0x5b: {  	_ =	shalt  }
0x5c: {  	_ =	shalt  }
0x5d: {  	_ =	shalt  }
0x5e: {  	_ =	shalt  }
0x5f: {  	_ =	shalt  }
0x60: {  	_ =	shalt  }
0x61: {  	_ =	shalt  }
0x62: {  	_ =	shalt  }
0x63: {  	_ =	shalt  }
0x64: {  	_ =	shalt  }
0x65: {  	_ =	shalt  }
0x66: {  	_ =	shalt  }
0x67: {  	_ =	shalt  }
0x68: {  	_ =	shalt  }
0x69: {  	_ =	shalt  }
0x6a: {  	_ =	shalt  }
0x6b: {  	_ =	shalt  }
0x6c: {  	_ =	shalt  }
0x6d: {  	_ =	shalt  }
0x6e: {  	_ =	shalt  }
0x6f: {  	_ =	shalt  }
0x70: {  	_ =	shalt  }
0x71: {  	_ =	shalt  }
0x72: {  	_ =	shalt  }
0x73: {  	_ =	shalt  }
0x74: {  	_ =	shalt  }
0x75: {  	_ =	shalt  }
0x76: {  	_ =	shalt  }
0x77: {  	_ =	shalt  }
0x78: {  	_ =	shalt  }
0x79: {  	_ =	shalt  }
0x7a: {  	_ =	shalt  }
0x7b: {  	_ =	shalt  }
0x7c: {  	_ =	shalt  }
0x7d: {  	_ =	shalt  }
0x7e: {  	_ =	shalt  }
0x7f: {  	_ =	shalt  }
0x80: {  	_ =	shalt  }
0x81: {  	_ =	shalt  }
0x82: {  	_ =	shalt  }
0x83: {  	_ =	shalt  }
0x84: {  	_ =	shalt  }
0x85: {  	_ =	shalt  }
0x86: {  	_ =	shalt  }
0x87: {  	_ =	shalt  }
.Lfunc_end0:
.L_simem_size_0:
called_computation.1_lowered:
.L_overlay_start_0:
0x88: {  	s2 =	sld [smem:$0x3FD9]  }
0x89: {  	s3 =	sld [smem:$0x3FFE];
	_ =	sdelay $0x1  }
0x8a: {  	s1 =	srdreg.scid  }
0x8b: {  	s0 =	sand.u32 $0x1, s1  }
0x8c: {  	s16 =	sshll.u32 s0, $0xA;
	s2 =	sadd.s32 s3, s2  }
0x8d: {  	s2 =	sadd.s32 s2, s16  }
0x8e: {  	[smem:$0x3FB5] =	sst s2  }
0x8f: {  	_ = 	snop  }
0x90: {  	(tm) =	ssettm $0x1  }
0x91: {  	s17 =	sld [smem:$0x3FFB];
	_ =	sdelay $0x3  }
0x92: {  	_ =	strace s17  }
0x93: {  	s2 =	sld [smem:$0x3FFC];
	_ =	sdelay $0x3  }
0x94: {  	_ =	strace s2  }
0x95: {  	s2 =	sld [smem:$0x3FFD];
	_ =	sdelay $0x3  }
0x96: {  	_ =	strace s2  }
0x97: {  	_ =	strace $0x8FFFFFFF  }
0x98: {  	s18 =	sld [smem:$0x3FDB];
	_ =	sdelay $0x1  }
0x99: {  	s19 =	simm.s32 $_scs_section_size  }
0x9a: {  	s4 =	simm.s32 $_size__tile_overlayer_lowered;
	s5 =	simm.s32 $_tile_overlayer_lowered  }
0x9b: {  	s22 =	simm.s32 $0x1BFF;
	s21 =	sshll.u32 s5, $0x1;
	s2 =	sadd.s32 s19, s18  }
0x9c: {  	s6 =	simm.s32 $0x0;
	s20 =	sshll.u32 s4, $0x1;
	s4 =	sadd.s32 s21, s2  }
0x9d: {  	[timem:s6], [sflag:s22] =	dma.local [hbm:s4], s20  }
0x9e: {  	_ =	swait.ge [sflag:s22], s20  }
0x9f: {  	s3 =	ssub.s32 $0x0, s20;
	[sflag:s22] =	ssyncset.done $0x0  }
0xa0: {  	[sflag:s22] =	ssyncadd.s32 s3;
	_ =	sdelay $0x1  }
0xa1: {  	s23 =	simm.s32 $0x1B8B  }
0xa2: {  	_ =	swait.ge [sflag:s23], $0x1  }
0xa3: {  	[sflag:s23] =	ssyncset.done $0x0  }
0xa4: {  	s25 =	simm.s32 $0x1B8E;
	s24 =	sld [smem:$0x3FFE];
	[sflag:s23] =	ssyncadd.s32 $0xFFFFFFFF  }
0xa5: {  	s26 =	simm.s32 $execute0_lowered;
	[smem:$0x3FD2] =	sst s25  }
0xa6: {  	s4 =	sshll.u32 s26, $0x1;
	_ =	strace $0x80000049;
	[dreg:$0x1] =	wrdreg $0xFFFFFFFF  }
0xa7: {  	s28 =	simm.s32 $_size_execute0_lowered;
	s2 =	sadd.s32 s2, s4;
	[dreg:$0x0] =	wrdreg $0x0  }
0xa8: {  	s4 =	sshll.u32 s28, $0x1;
	[dreg:$0x2] =	wrdreg s2  }
0xa9: {  	[dreg:$0x3] =	wrdreg s4  }
0xaa: {  	[dreg:$0x4] =	wrdreg $0xC0  }
0xab: {  	_ =	task [dreg:s6], $0x5FFFF  }
0xac: {  	[dreg:$0x1] =	wrdreg $0xFFFFFFFF  }
0xad: {  	[dreg:$0x0] =	wrdreg $0x60  }
0xae: {  	[dreg:$0x2] =	wrdreg s24  }
0xaf: {  	[dreg:$0x3] =	wrdreg $0x90000  }
0xb0: {  	[dreg:$0x4] =	wrdreg $0x9  }
0xb1: {  	_ =	task.clear_ibuf [dreg:s6], $0x5FFFF;
	_ =	strace $0x90000049  }
0xb2: {  	s29 =	simm.s32 $0x9;
	_ =	strace $0x8000004B  }
0xb3: {  	_ =	swait.ge [sflag:s29], $0x1  }
0xb4: {  	[sflag:s29] =	ssyncadd.s32 $0xFFFFFFFF  }
0xb5: {  	_ =	strace $0x9000004B  }
0xb6: {  	_ =	sfence  }
0xb7: {  	s30 =	sld [smem:$0x0];
	_ =	sdelay $0x2  }
0xb8: {  	s31 =	sshll.u32 s1, $0xD;
	s1 =	sshrl.u32 s1, $0x2  }
0xb9: {  	s3 =	sand.u32 $0x4000, s31;
	s1 =	sadd.s32 s1, s30  }
0xba: {  	s0 =	sor.u32 s3, s0;
	s1 =	sshll.u32 s1, $0x11  }
0xbb: {  	s0 =	sor.u32 s1, s0  }
0xbc: {  	s0 =	sadd.s32 $0x8F2B, s0  }
0xbd: {  	[sflag:s0] =	ssyncadd.remote.s32 $0x1  }
0xbe: {  	_ =	sfence.sel $0xFFFF  }
0xbf: {  	[dreg:$0x0] =	wrdreg $0xFFFFFFFF;
	(pc) =	sbr.abs _section_cstart, $3  }
0xc0: {  	[dreg:$0x1] =	wrdreg $0xFFFFFFFF  }
0xc1: {  	_ =	task.clear_ibuf [dreg:s6], $0x2FFFF;
	_ =	strace $0x9FFFFFFF  }
0xc2: {  	(tm) =	ssettm $0x7FFFFFFF  }
0xc3: {  	_ =	shalt  }
tec
execute0_lowered:
.L_overlay_start_1:
0x0: {  	(tag) =	ssettag $0x1  }
0x1: {  	s6 =	rddreg [dreg:$0x0]  }
0x2: {  	s0 =	srdreg.scid;
	s2 =	rddreg [dreg:$0x1]  }
0x3: {  	s3 =	simm.s32 $0x0;
	s5 =	sand.u32 $0x1, s0;
	s0 =	stileid.u32  }
0x4: {  	s14 =	simm.s32 $0x5000;
	s15 =	simm.s32 $0x1;
	s16 =	smul.u32 $0x2800, s0  }
0x5: {  	[smem:$0x7FF] =	sst s3;
	s1 =	sshll.u32 s5, $0x4;
	s8 =	smul.u32 $0x28000, s5  }
0x6: {  	s5 =	ssub.s32 $0x2, s5;
	s28 =	smul.u32 $0x50000, s0;
	s31 =	sshll.u32 s0, $0x6  }
0x7: {  	s4 =	sor.u32 s0, s1;
	s1 =	rddreg [dreg:$0x2];
	_ =	strace $0x8000004A  }
0x8: {  	s29 =	sshrl.u32 s5, $0x1;
	s7 =	smul.u32 $0x500, s4;
	s4 =	sadd.s32 $0x37800, s6  }
0x9: {  	s10 =	sadd.s32 s16, s6;
	s11 =	sadd.s32 s8, s6;
	s30 =	sshrl.u32 s28, $0x2  }
0xa: {  	s12 =	ssub.s32 s5, s29;
	s13 =	sadd.s32 s30, s2;
	s5 =	sadd.s32 $0xF800, s10  }
0xb: {  	s17 =	sadd.s32 $0x91800, s11;
	s11 =	simm.s32 $0x2;
	s9 =	sadd.s32 s7, s6  }
0xc: {  	s6 =	sor.u32 $0x1C02, s31;
	s10 =	sshrl.u32 s13, $0x3;
	s13 =	simm.s32 $0x7D  }
0xd: {  	s16 =	sadd.s32 s16, s17;
	s17 =	simm.s32 $0x0;
	s7 =	sadd.s32 $0x87800, s9  }
0xe: {  	s8 =	sadd.s32 $0x5800, s9;
	s9 =	smax.u32 s12, $0x1;
	s12 =	simm.s32 $0x2800  }
.LBB2_1:
0xf: {  	[spmem:s10], [sflag:s6] =	dma.local [hbm:s5], $0x2800  }
0x10: {  	_ =	swait.ge [sflag:s11], $0x2800  }
0x11: {  	[sflag:s11] =	ssyncset.done $0x0  }
0x12: {  	[sflag:s11] =	ssyncadd.s32 $0xFFFFD800  }
0x13: {  	[tilespmem:s3], [sflag:$0x2] =	stream.linear.gather [hbm4b:s7+s3], $0x2800, $0x38;
	[tilespmem:$0x1D000] =	vst v63  }
0x14: {  	_ =	swait.ge [sflag:s11], $0x2800  }
0x15: {  	[sflag:s11] =	ssyncset.done $0x0  }
0x16: {  	[sflag:s11] =	ssyncadd.s32 $0xFFFFD800  }
0x17: {  	[tilespmem:s12], [sflag:$0x2] =	stream.linear.gather [hbm4b:s8+s3], $0x2800, $0x38;
	[tilespmem:$0x1D000] =	vst v63  }
0x18: {  	_ =	swait.ge [sflag:s11], $0x2800  }
0x19: {  	[sflag:s11] =	ssyncset.done $0x0  }
0x1a: {  	[sflag:s11] =	ssyncadd.s32 $0xFFFFD800  }
0x1b: {  	s18 =	simm.s32 $0x0;
	[bflag:$0x0] =	sbarrier.arrive $0xFFFF  }
0x1c: {  	[tilespmem:s14], [sflag:$0x1] =	stream.indirect.gather [hbm4b:s4+s13], $0x80, s18, s13, $0xb8;
	[tilespmem:$0x1D000] =	vst v63  }
0x1d: {  	_ =	swait.ge [sflag:s15], $0x3E80  }
0x1e: {  	[sflag:s15] =	ssyncset.done $0x0  }
0x1f: {  	s31 =	simm.s32 $0x2800;
	[sflag:s15] =	ssyncadd.s32 $0xFFFFC180  }
0x20: {  	[spmem:s2] =	stream.indirect.scatter.add.f32 [tilespmem:s14], [sflag:$0x2], $0x80, s31, s13, $0xb8;
	[tilespmem:$0x1D000] =	vst v63  }
0x21: {  	_ =	swait.ge [sflag:s11], $0x3E80  }
0x22: {  	s19 =	simm.s32 $0x400;
	s18 =	simm.s32 $0x200;
	[sflag:s11] =	ssyncset.done $0x0  }
.LBB2_2:
0x23: {  	s20 =	sshra.s32 s18, $0x2  }
0x24: {  	[sflag:s11] =	ssyncadd.s32 $0xFFFFC180;
	s18 =	smov.u32 s19;
	s21 =	sadd.s32 $0x200, s19  }
0x25: {  	[tilespmem:s14], [sflag:$0x1] =	stream.indirect.gather [hbm4b:s4+s13], $0x80, s20, s13, $0xb8;
	[tilespmem:$0x1D000] =	vst v63  }
0x26: {  	p0 =	sne.s32 s19, $0x9E00;
	_ =	swait.ge [sflag:s15], $0x3E80  }
.Ltmp0:
0x27: {  	[sflag:s15] =	ssyncset.done $0x0;
	(pc) =	sbr.rel @p0 .LBB2_2-.Ltmp0, $4  }
0x28: {  	s19 =	sadd.s32 $0x2800, s20;
	[sflag:s15] =	ssyncadd.s32 $0xFFFFC180  }
0x29: {  	[spmem:s2] =	stream.indirect.scatter.add.f32 [tilespmem:s14], [sflag:$0x2], $0x80, s19, s13, $0xb8;
	[tilespmem:$0x1D000] =	vst v63  }
0x2a: {  	_ =	swait.ge [sflag:s11], $0x3E80  }
0x2b: {  	s19 =	smov.u32 s21;
	[sflag:s11] =	ssyncset.done $0x0  }
0x2c: {  	s18 =	sshra.s32 s18, $0x2;
	[sflag:s11] =	ssyncadd.s32 $0xFFFFC180  }
0x2d: {  	[tilespmem:s14], [sflag:$0x1] =	stream.indirect.gather [hbm4b:s4+s13], $0x80, s18, s13, $0xb8;
	[tilespmem:$0x1D000] =	vst v63  }
0x2e: {  	_ =	swait.ge [sflag:s15], $0x3E80  }
0x2f: {  	[sflag:s15] =	ssyncset.done $0x0  }
0x30: {  	s18 =	sadd.s32 $0x2800, s18;
	[sflag:s15] =	ssyncadd.s32 $0xFFFFC180  }
0x31: {  	[spmem:s2] =	stream.indirect.scatter.add.f32 [tilespmem:s14], [sflag:$0x2], $0x80, s18, s13, $0xb8;
	[tilespmem:$0x1D000] =	vst v63  }
0x32: {  	_ =	swait.ge [sflag:s11], $0x3E80  }
0x33: {  	s17 =	sadd.s32 $0x1, s17;
	[sflag:s11] =	ssyncset.done $0x0  }
0x34: {  	p0 =	sne.s32 s17, s9;
	[sflag:s11] =	ssyncadd.s32 $0xFFFFC180  }
.Ltmp1:
0x35: {  	[bflag:$0x0] =	sbarrier.arrive $0xFFFF;
	(pc) =	sbr.rel @p0 .LBB2_1-.Ltmp1, $4  }
0x36: {  	[hbm:s16], [sflag:s6] =	dma.local [spmem:s10], $0x2800  }
0x37: {  	_ =	swait.ge [sflag:s11], $0x2800  }
0x38: {  	[sflag:s11] =	ssyncset.done $0x0  }
0x39: {  	[sflag:s11] =	ssyncadd.s32 $0xFFFFD800  }
0x3a: {  	_ =	sfence.sel $0x180000  }
0x3b: {  	[bflag:$0x0] =	sbarrier.arrive $0xFFFF  }
0x3c: {  	p0 =	sne.s32 s0, $0x0;
	_ =	strace $0x9000004A  }
0x3d: {  	s0 =	sadd.s32 @!p0 $0x100000, s1;
	[bflag:$0x2] =	sbarrier.arrive $0xFFFF  }
0x3e: {  	[sflag:s0] =	ssyncadd.tile.s32 @!p0 $0x1;
	_ =	shalt  }
.Lfunc_end2:
_tile_overlayer_lowered:
.L_overlay_start_2:
0x3f: {  	(tag) =	ssettag $0x2  }
0x40: {  	s0 =	rddreg [dreg:$0x0];
	s2 =	stileid.u32  }
0x41: {  	s1 =	rddreg [dreg:$0x1];
	p0 =	sne.s32 s2, $0x0  }
0x42: {  	s3 =	rddreg [dreg:$0x2];
	[bflag:$0x3] =	sbarrier.arrive $0xFFFF;
	s2 =	simm.s32 @!p0 $0x1C02  }
0x43: {  	[timem:s3], [sflag:s2] =	dma.local @!p0 [hbm:s0], s1  }
0x44: {  	s0 =	simm.s32 @!p0 $0x2  }
0x45: {  	_ =	swait.ge @!p0 [sflag:s0], s1  }
0x46: {  	s1 =	ssub.s32 @!p0 $0x0, s1;
	[sflag:s0] =	ssyncset.done @!p0 $0x0  }
0x47: {  	[sflag:s0] =	ssyncadd.s32 @!p0 s1  }
0x48: {  	[bflag:$0x3] =	sbarrier.arrive $0xFFFF  }
0x49: {  	_ =	shalt  }

// kernel: kernel.24.cloned.1.call-start
scs
__scs_entry_jumppad:
0x0: {  	(pc) =	sbr.rel $0x88, $3  }
0x1: {  	(tag) =	ssettag $0x0;
	lr =	simm.s32 $0x1  }
0x2: {  	[smem:$0x3F8E] =	sst lr;
	_ =	strace $0xD0000000  }
0x3: {  	_ = 	snop  }
0x4: {  	_ = 	snop  }
0x5: {  	_ = 	snop  }
0x6: {  	_ = 	snop  }
0x7: {  	_ = 	snop  }
__scs_overlays_trampoline_lowered:
0x8: {  	[smem:$0x3F9D] =	sst s0  }
0x9: {  	[smem:$0x3F9E] =	sst s1  }
0xa: {  	[smem:$0x3F9F] =	sst s2  }
0xb: {  	[smem:$0x3FA0] =	sst s3  }
0xc: {  	[smem:$0x3FA1] =	sst s4  }
0xd: {  	[smem:$0x3FA2] =	sst s5  }
0xe: {  	[smem:$0x3FA3] =	sst s6  }
0xf: {  	[smem:$0x3FA4] =	sst s7  }
0x10: {  	[smem:$0x3FA5] =	sst s8  }
0x11: {  	[smem:$0x3FA6] =	sst s9;
	s0 =	simm.s32 @!p0 $0x0  }
0x12: {  	s1 =	sld [smem:$0x3F8C];
	s0 =	simm.s32 @p0 $0x1  }
0x13: {  	[smem:$0x3FA7] =	sst s0;
	s0 =	simm.s32 @!p1 $0x0  }
0x14: {  	s2 =	sld [smem:$0x3F8B];
	s0 =	simm.s32 @p1 $0x1  }
0x15: {  	[smem:$0x3FA8] =	sst s0;
	s0 =	simm.s32 @!p2 $0x0  }
0x16: {  	s3 =	sld [smem:$0x3FDB];
	s0 =	simm.s32 @p2 $0x1  }
0x17: {  	s4 =	simm.s32 $0x1BF5;
	[smem:$0x3FAA] =	sst s0  }
0x18: {  	s0 =	sld [smem:$0x3F8D];
	_ =	swait.ge [sflag:s4], $0x0  }
0x19: {  	s7 =	sld [smem:$0x3F8E]  }
0x1a: {  	s8 =	sadd.s32 $0xFFFFE003, lr  }
0x1b: {  	s9 =	sadd.s32 $0xFFFFFEF7, lr;
	s5 =	simm.s32 $0xFFFFFFFF;
	p2 =	slt.u32 s8, $0xFFFFF086  }
0x1c: {  	p1 =	slt.u32 s9, $0xF7A;
	s5 =	simm.s32 @!p2 $0x0  }
0x1d: {  	s5 =	simm.s32 @p1 $0x1;
	p0 =	seq.s32 s7, s2  }
0x1e: {  	s7 =	smul.u32 @!p0 $0xF7A, s2;
	p2 =	seq.s32 @!p0 s5, $0x0  }
0x1f: {  	s9 =	smul.u32 $0xF7A, s1;
	s8 =	simm.s32 @!p0 $0x1BF5;
	p2 =	por !p2, p0  }
0x20: {  	[sflag:s8] =	ssyncset.s32 @!p0 $0xFFFFF086;
	s6 =	sadd.s32 @!p0 s3, s7;
	s7 =	simm.s32 @!p0 $0x108  }
0x21: {  	s3 =	sadd.s32 s3, s9;
	s6 =	sadd.s32 @!p0 $0x88, s6;
	s7 =	simm.s32 @p2 $0x1082  }
0x22: {  	[simem:s7], [sflag:s8] =	dma.local @!p0 [hbm:s6], $0xF7A  }
0x23: {  	s9 =	sor.u32 $0xD0000000, s2;
	s6 =	simm.s32 $0x108;
	_ =	swait.ge @!p0 [sflag:s8], $0x0  }
0x24: {  	s3 =	sadd.s32 $0x88, s3;
	s6 =	simm.s32 @!p1 $0x1082;
	[sflag:s4] =	ssyncset.s32 $0xFFFFF086  }
0x25: {  	[simem:s6], [sflag:s4] =	dma.local [hbm:s3], $0xF7A  }
0x26: {  	[smem:$0x3F8E] =	sst s1;
	(tag) =	ssettag s2;
	_ =	strace s9  }
0x27: {  	s1 =	sld [smem:$0x3F9E]  }
0x28: {  	s2 =	sld [smem:$0x3F9F]  }
0x29: {  	s4 =	sld [smem:$0x3FA1]  }
0x2a: {  	p0 =	seq.s32 s5, $0x0;
	s5 =	sld [smem:$0x3FA2]  }
0x2b: {  	s6 =	sld [smem:$0x3FA3]  }
0x2c: {  	s7 =	sld [smem:$0x3FA4]  }
0x2d: {  	s3 =	simm.s32 $0x108;
	s8 =	sld [smem:$0x3FA5]  }
0x2e: {  	s3 =	simm.s32 @!p0 $0x1082;
	s9 =	sld [smem:$0x3FA6]  }
0x2f: {  	lr =	sadd.s32 s0, s3;
	s0 =	sld [smem:$0x3F9D]  }
0x30: {  	s3 =	sld [smem:$0x3FA0]  }
0x31: {  	[smem:$0x3FA9] =	sst s10  }
0x32: {  	s10 =	sld [smem:$0x3FA7];
	_ =	sdelay $0x3  }
0x33: {  	p0 =	seq.s32 s10, $0x1;
	s10 =	sld [smem:$0x3FA9];
	_ =	sdelay $0x3  }
0x34: {  	[smem:$0x3FA9] =	sst s10  }
0x35: {  	s10 =	sld [smem:$0x3FA8];
	_ =	sdelay $0x3  }
0x36: {  	p1 =	seq.s32 s10, $0x1;
	s10 =	sld [smem:$0x3FA9];
	_ =	sdelay $0x3  }
0x37: {  	[smem:$0x3FA9] =	sst s10  }
0x38: {  	s10 =	sld [smem:$0x3FAA]  }
0x39: {  	_ = 	snop;
	(pc) =	sbr.ind lr, $3  }
0x3a: {  	_ = 	snop  }
0x3b: {  	_ = 	snop  }
0x3c: {  	p2 =	seq.s32 s10, $0x1;
	s10 =	sld [smem:$0x3FA9]  }
0x3d: {  	_ =	shalt  }
0x3e: {  	_ =	shalt  }
0x3f: {  	_ =	shalt  }
0x40: {  	_ =	shalt  }
0x41: {  	_ =	shalt  }
0x42: {  	_ =	shalt  }
0x43: {  	_ =	shalt  }
0x44: {  	_ =	shalt  }
0x45: {  	_ =	shalt  }
0x46: {  	_ =	shalt  }
0x47: {  	_ =	shalt  }
0x48: {  	_ =	shalt  }
0x49: {  	_ =	shalt  }
0x4a: {  	_ =	shalt  }
0x4b: {  	_ =	shalt  }
0x4c: {  	_ =	shalt  }
0x4d: {  	_ =	shalt  }
0x4e: {  	_ =	shalt  }
0x4f: {  	_ =	shalt  }
0x50: {  	_ =	shalt  }
0x51: {  	_ =	shalt  }
0x52: {  	_ =	shalt  }
0x53: {  	_ =	shalt  }
0x54: {  	_ =	shalt  }
0x55: {  	_ =	shalt  }
0x56: {  	_ =	shalt  }
0x57: {  	_ =	shalt  }
0x58: {  	_ =	shalt  }
0x59: {  	_ =	shalt  }
0x5a: {  	_ =	shalt  }
0x5b: {  	_ =	shalt  }
0x5c: {  	_ =	shalt  }
0x5d: {  	_ =	shalt  }
0x5e: {  	_ =	shalt  }
0x5f: {  	_ =	shalt  }
0x60: {  	_ =	shalt  }
0x61: {  	_ =	shalt  }
0x62: {  	_ =	shalt  }
0x63: {  	_ =	shalt  }
0x64: {  	_ =	shalt  }
0x65: {  	_ =	shalt  }
0x66: {  	_ =	shalt  }
0x67: {  	_ =	shalt  }
0x68: {  	_ =	shalt  }
0x69: {  	_ =	shalt  }
0x6a: {  	_ =	shalt  }
0x6b: {  	_ =	shalt  }
0x6c: {  	_ =	shalt  }
0x6d: {  	_ =	shalt  }
0x6e: {  	_ =	shalt  }
0x6f: {  	_ =	shalt  }
0x70: {  	_ =	shalt  }
0x71: {  	_ =	shalt  }
0x72: {  	_ =	shalt  }
0x73: {  	_ =	shalt  }
0x74: {  	_ =	shalt  }
0x75: {  	_ =	shalt  }
0x76: {  	_ =	shalt  }
0x77: {  	_ =	shalt  }
0x78: {  	_ =	shalt  }
0x79: {  	_ =	shalt  }
0x7a: {  	_ =	shalt  }
0x7b: {  	_ =	shalt  }
0x7c: {  	_ =	shalt  }
0x7d: {  	_ =	shalt  }
0x7e: {  	_ =	shalt  }
0x7f: {  	_ =	shalt  }
0x80: {  	_ =	shalt  }
0x81: {  	_ =	shalt  }
0x82: {  	_ =	shalt  }
0x83: {  	_ =	shalt  }
0x84: {  	_ =	shalt  }
0x85: {  	_ =	shalt  }
0x86: {  	_ =	shalt  }
0x87: {  	_ =	shalt  }
.Lfunc_end0:
.L_simem_size_0:
called_computation.2_lowered:
.L_overlay_start_0:
0x88: {  	s2 =	sld [smem:$0x3FD9]  }
0x89: {  	s3 =	sld [smem:$0x3FFE];
	_ =	sdelay $0x1  }
0x8a: {  	s1 =	srdreg.scid  }
0x8b: {  	s0 =	sand.u32 $0x1, s1  }
0x8c: {  	s16 =	sshll.u32 s0, $0xA;
	s2 =	sadd.s32 s3, s2  }
0x8d: {  	s2 =	sadd.s32 s2, s16  }
0x8e: {  	[smem:$0x3FB5] =	sst s2  }
0x8f: {  	_ = 	snop  }
0x90: {  	(tm) =	ssettm $0x1  }
0x91: {  	s17 =	sld [smem:$0x3FFB];
	_ =	sdelay $0x3  }
0x92: {  	_ =	strace s17  }
0x93: {  	s2 =	sld [smem:$0x3FFC];
	_ =	sdelay $0x3  }
0x94: {  	_ =	strace s2  }
0x95: {  	s2 =	sld [smem:$0x3FFD];
	_ =	sdelay $0x3  }
0x96: {  	_ =	strace s2  }
0x97: {  	_ =	strace $0x8FFFFFFF  }
0x98: {  	s18 =	sld [smem:$0x3FDB];
	_ =	sdelay $0x1  }
0x99: {  	s19 =	simm.s32 $_scs_section_size  }
0x9a: {  	s4 =	simm.s32 $_size__tile_overlayer_lowered;
	s5 =	simm.s32 $_tile_overlayer_lowered  }
0x9b: {  	s22 =	simm.s32 $0x1BFF;
	s21 =	sshll.u32 s5, $0x1;
	s2 =	sadd.s32 s19, s18  }
0x9c: {  	s6 =	simm.s32 $0x0;
	s20 =	sshll.u32 s4, $0x1;
	s4 =	sadd.s32 s21, s2  }
0x9d: {  	[timem:s6], [sflag:s22] =	dma.local [hbm:s4], s20  }
0x9e: {  	_ =	swait.ge [sflag:s22], s20  }
0x9f: {  	s3 =	ssub.s32 $0x0, s20;
	[sflag:s22] =	ssyncset.done $0x0  }
0xa0: {  	[sflag:s22] =	ssyncadd.s32 s3;
	_ =	sdelay $0x1  }
0xa1: {  	s23 =	simm.s32 $0x1B8B  }
0xa2: {  	_ =	swait.ge [sflag:s23], $0x1  }
0xa3: {  	[sflag:s23] =	ssyncset.done $0x0  }
0xa4: {  	s25 =	simm.s32 $0x1B8E;
	s24 =	sld [smem:$0x3FFE];
	[sflag:s23] =	ssyncadd.s32 $0xFFFFFFFF  }
0xa5: {  	s26 =	simm.s32 $execute0_lowered;
	[smem:$0x3FD2] =	sst s25  }
0xa6: {  	s4 =	sshll.u32 s26, $0x1;
	_ =	strace $0x8000004C;
	[dreg:$0x1] =	wrdreg $0xFFFFFFFF  }
0xa7: {  	s28 =	simm.s32 $_size_execute0_lowered;
	s2 =	sadd.s32 s2, s4;
	[dreg:$0x0] =	wrdreg $0x0  }
0xa8: {  	s4 =	sshll.u32 s28, $0x1;
	[dreg:$0x2] =	wrdreg s2  }
0xa9: {  	[dreg:$0x3] =	wrdreg s4  }
0xaa: {  	[dreg:$0x4] =	wrdreg $0xC0  }
0xab: {  	_ =	task [dreg:s6], $0x5FFFF  }
0xac: {  	[dreg:$0x1] =	wrdreg $0xFFFFFFFF  }
0xad: {  	[dreg:$0x0] =	wrdreg $0x60  }
0xae: {  	[dreg:$0x2] =	wrdreg s24  }
0xaf: {  	[dreg:$0x3] =	wrdreg $0x90000  }
0xb0: {  	[dreg:$0x4] =	wrdreg $0x9  }
0xb1: {  	_ =	task.clear_ibuf [dreg:s6], $0x5FFFF;
	_ =	strace $0x9000004C  }
0xb2: {  	s29 =	simm.s32 $0x9;
	_ =	strace $0x8000004E  }
0xb3: {  	_ =	swait.ge [sflag:s29], $0x1  }
0xb4: {  	[sflag:s29] =	ssyncadd.s32 $0xFFFFFFFF  }
0xb5: {  	_ =	strace $0x9000004E  }
0xb6: {  	_ =	sfence  }
0xb7: {  	s30 =	sld [smem:$0x0];
	_ =	sdelay $0x2  }
0xb8: {  	s31 =	sshll.u32 s1, $0xD;
	s1 =	sshrl.u32 s1, $0x2  }
0xb9: {  	s3 =	sand.u32 $0x4000, s31;
	s1 =	sadd.s32 s1, s30  }
0xba: {  	s0 =	sor.u32 s3, s0;
	s1 =	sshll.u32 s1, $0x11  }
0xbb: {  	s0 =	sor.u32 s1, s0  }
0xbc: {  	s0 =	sadd.s32 $0x8F2B, s0  }
0xbd: {  	[sflag:s0] =	ssyncadd.remote.s32 $0x1  }
0xbe: {  	_ =	sfence.sel $0xFFFF  }
0xbf: {  	[dreg:$0x0] =	wrdreg $0xFFFFFFFF;
	(pc) =	sbr.abs _section_cstart, $3  }
0xc0: {  	[dreg:$0x1] =	wrdreg $0xFFFFFFFF  }
0xc1: {  	_ =	task.clear_ibuf [dreg:s6], $0x2FFFF;
	_ =	strace $0x9FFFFFFF  }
0xc2: {  	(tm) =	ssettm $0x7FFFFFFF  }
0xc3: {  	_ =	shalt  }
tec
execute0_lowered:
.L_overlay_start_1:
0x0: {  	(tag) =	ssettag $0x1  }
0x1: {  	s6 =	rddreg [dreg:$0x0]  }
0x2: {  	s0 =	srdreg.scid;
	s2 =	rddreg [dreg:$0x1]  }
0x3: {  	s3 =	simm.s32 $0x0;
	s5 =	sand.u32 $0x1, s0;
	s0 =	stileid.u32  }
0x4: {  	s14 =	simm.s32 $0x5000;
	s15 =	simm.s32 $0x1;
	s16 =	smul.u32 $0x2800, s0  }
0x5: {  	[smem:$0x7FF] =	sst s3;
	s1 =	sshll.u32 s5, $0x4;
	s8 =	smul.u32 $0x28000, s5  }
0x6: {  	s5 =	ssub.s32 $0x2, s5;
	s28 =	smul.u32 $0x50000, s0;
	s31 =	sshll.u32 s0, $0x6  }
0x7: {  	s4 =	sor.u32 s0, s1;
	s1 =	rddreg [dreg:$0x2];
	_ =	strace $0x8000004D  }
0x8: {  	s29 =	sshrl.u32 s5, $0x1;
	s7 =	smul.u32 $0x500, s4;
	s4 =	sadd.s32 $0x37800, s6  }
0x9: {  	s10 =	sadd.s32 s16, s6;
	s11 =	sadd.s32 s8, s6;
	s30 =	sshrl.u32 s28, $0x2  }
0xa: {  	s12 =	ssub.s32 s5, s29;
	s13 =	sadd.s32 s30, s2;
	s5 =	sadd.s32 $0xF800, s10  }
0xb: {  	s17 =	sadd.s32 $0x91800, s11;
	s11 =	simm.s32 $0x2;
	s9 =	sadd.s32 s7, s6  }
0xc: {  	s6 =	sor.u32 $0x1C02, s31;
	s10 =	sshrl.u32 s13, $0x3;
	s13 =	simm.s32 $0x7D  }
0xd: {  	s16 =	sadd.s32 s16, s17;
	s17 =	simm.s32 $0x0;
	s7 =	sadd.s32 $0x87800, s9  }
0xe: {  	s8 =	sadd.s32 $0x5800, s9;
	s9 =	smax.u32 s12, $0x1;
	s12 =	simm.s32 $0x2800  }
.LBB2_1:
0xf: {  	[spmem:s10], [sflag:s6] =	dma.local [hbm:s5], $0x2800  }
0x10: {  	_ =	swait.ge [sflag:s11], $0x2800  }
0x11: {  	[sflag:s11] =	ssyncset.done $0x0  }
0x12: {  	[sflag:s11] =	ssyncadd.s32 $0xFFFFD800  }
0x13: {  	[tilespmem:s3], [sflag:$0x2] =	stream.linear.gather [hbm4b:s7+s3], $0x2800, $0x38;
	[tilespmem:$0x1D000] =	vst v63  }
0x14: {  	_ =	swait.ge [sflag:s11], $0x2800  }
0x15: {  	[sflag:s11] =	ssyncset.done $0x0  }
0x16: {  	[sflag:s11] =	ssyncadd.s32 $0xFFFFD800  }
0x17: {  	[tilespmem:s12], [sflag:$0x2] =	stream.linear.gather [hbm4b:s8+s3], $0x2800, $0x38;
	[tilespmem:$0x1D000] =	vst v63  }
0x18: {  	_ =	swait.ge [sflag:s11], $0x2800  }
0x19: {  	[sflag:s11] =	ssyncset.done $0x0  }
0x1a: {  	[sflag:s11] =	ssyncadd.s32 $0xFFFFD800  }
0x1b: {  	s18 =	simm.s32 $0x0;
	[bflag:$0x0] =	sbarrier.arrive $0xFFFF  }
0x1c: {  	[tilespmem:s14], [sflag:$0x1] =	stream.indirect.gather [hbm4b:s4+s13], $0x80, s18, s13, $0xb8;
	[tilespmem:$0x1D000] =	vst v63  }
0x1d: {  	_ =	swait.ge [sflag:s15], $0x3E80  }
0x1e: {  	[sflag:s15] =	ssyncset.done $0x0  }
0x1f: {  	s31 =	simm.s32 $0x2800;
	[sflag:s15] =	ssyncadd.s32 $0xFFFFC180  }
0x20: {  	[spmem:s2] =	stream.indirect.scatter.add.f32 [tilespmem:s14], [sflag:$0x2], $0x80, s31, s13, $0xb8;
	[tilespmem:$0x1D000] =	vst v63  }
0x21: {  	_ =	swait.ge [sflag:s11], $0x3E80  }
0x22: {  	s19 =	simm.s32 $0x400;
	s18 =	simm.s32 $0x200;
	[sflag:s11] =	ssyncset.done $0x0  }
.LBB2_2:
0x23: {  	s20 =	sshra.s32 s18, $0x2  }
0x24: {  	[sflag:s11] =	ssyncadd.s32 $0xFFFFC180;
	s18 =	smov.u32 s19;
	s21 =	sadd.s32 $0x200, s19  }
0x25: {  	[tilespmem:s14], [sflag:$0x1] =	stream.indirect.gather [hbm4b:s4+s13], $0x80, s20, s13, $0xb8;
	[tilespmem:$0x1D000] =	vst v63  }
0x26: {  	p0 =	sne.s32 s19, $0x9E00;
	_ =	swait.ge [sflag:s15], $0x3E80  }
.Ltmp0:
0x27: {  	[sflag:s15] =	ssyncset.done $0x0;
	(pc) =	sbr.rel @p0 .LBB2_2-.Ltmp0, $4  }
0x28: {  	s19 =	sadd.s32 $0x2800, s20;
	[sflag:s15] =	ssyncadd.s32 $0xFFFFC180  }
0x29: {  	[spmem:s2] =	stream.indirect.scatter.add.f32 [tilespmem:s14], [sflag:$0x2], $0x80, s19, s13, $0xb8;
	[tilespmem:$0x1D000] =	vst v63  }
0x2a: {  	_ =	swait.ge [sflag:s11], $0x3E80  }
0x2b: {  	s19 =	smov.u32 s21;
	[sflag:s11] =	ssyncset.done $0x0  }
0x2c: {  	s18 =	sshra.s32 s18, $0x2;
	[sflag:s11] =	ssyncadd.s32 $0xFFFFC180  }
0x2d: {  	[tilespmem:s14], [sflag:$0x1] =	stream.indirect.gather [hbm4b:s4+s13], $0x80, s18, s13, $0xb8;
	[tilespmem:$0x1D000] =	vst v63  }
0x2e: {  	_ =	swait.ge [sflag:s15], $0x3E80  }
0x2f: {  	[sflag:s15] =	ssyncset.done $0x0  }
0x30: {  	s18 =	sadd.s32 $0x2800, s18;
	[sflag:s15] =	ssyncadd.s32 $0xFFFFC180  }
0x31: {  	[spmem:s2] =	stream.indirect.scatter.add.f32 [tilespmem:s14], [sflag:$0x2], $0x80, s18, s13, $0xb8;
	[tilespmem:$0x1D000] =	vst v63  }
0x32: {  	_ =	swait.ge [sflag:s11], $0x3E80  }
0x33: {  	s17 =	sadd.s32 $0x1, s17;
	[sflag:s11] =	ssyncset.done $0x0  }
0x34: {  	p0 =	sne.s32 s17, s9;
	[sflag:s11] =	ssyncadd.s32 $0xFFFFC180  }
.Ltmp1:
0x35: {  	[bflag:$0x0] =	sbarrier.arrive $0xFFFF;
	(pc) =	sbr.rel @p0 .LBB2_1-.Ltmp1, $4  }
0x36: {  	[hbm:s16], [sflag:s6] =	dma.local [spmem:s10], $0x2800  }
0x37: {  	_ =	swait.ge [sflag:s11], $0x2800  }
0x38: {  	[sflag:s11] =	ssyncset.done $0x0  }
0x39: {  	[sflag:s11] =	ssyncadd.s32 $0xFFFFD800  }
0x3a: {  	_ =	sfence.sel $0x180000  }
0x3b: {  	[bflag:$0x0] =	sbarrier.arrive $0xFFFF  }
0x3c: {  	p0 =	sne.s32 s0, $0x0;
	_ =	strace $0x9000004D  }
0x3d: {  	s0 =	sadd.s32 @!p0 $0x100000, s1;
	[bflag:$0x2] =	sbarrier.arrive $0xFFFF  }
0x3e: {  	[sflag:s0] =	ssyncadd.tile.s32 @!p0 $0x1;
	_ =	shalt  }
.Lfunc_end2:
_tile_overlayer_lowered:
.L_overlay_start_2:
0x3f: {  	(tag) =	ssettag $0x2  }
0x40: {  	s0 =	rddreg [dreg:$0x0];
	s2 =	stileid.u32  }
0x41: {  	s1 =	rddreg [dreg:$0x1];
	p0 =	sne.s32 s2, $0x0  }
0x42: {  	s3 =	rddreg [dreg:$0x2];
	[bflag:$0x3] =	sbarrier.arrive $0xFFFF;
	s2 =	simm.s32 @!p0 $0x1C02  }
0x43: {  	[timem:s3], [sflag:s2] =	dma.local @!p0 [hbm:s0], s1  }
0x44: {  	s0 =	simm.s32 @!p0 $0x2  }
0x45: {  	_ =	swait.ge @!p0 [sflag:s0], s1  }
0x46: {  	s1 =	ssub.s32 @!p0 $0x0, s1;
	[sflag:s0] =	ssyncset.done @!p0 $0x0  }
0x47: {  	[sflag:s0] =	ssyncadd.s32 @!p0 s1  }
0x48: {  	[bflag:$0x3] =	sbarrier.arrive $0xFFFF  }
0x49: {  	_ =	shalt  }

// kernel: kernel.27.cloned.1.call-start
scs
__scs_entry_jumppad:
0x0: {  	(pc) =	sbr.rel $0x88, $3  }
0x1: {  	(tag) =	ssettag $0x0;
	lr =	simm.s32 $0x1  }
0x2: {  	[smem:$0x3F8E] =	sst lr;
	_ =	strace $0xD0000000  }
0x3: {  	_ = 	snop  }
0x4: {  	_ = 	snop  }
0x5: {  	_ = 	snop  }
0x6: {  	_ = 	snop  }
0x7: {  	_ = 	snop  }
__scs_overlays_trampoline_lowered:
0x8: {  	[smem:$0x3F9D] =	sst s0  }
0x9: {  	[smem:$0x3F9E] =	sst s1  }
0xa: {  	[smem:$0x3F9F] =	sst s2  }
0xb: {  	[smem:$0x3FA0] =	sst s3  }
0xc: {  	[smem:$0x3FA1] =	sst s4  }
0xd: {  	[smem:$0x3FA2] =	sst s5  }
0xe: {  	[smem:$0x3FA3] =	sst s6  }
0xf: {  	[smem:$0x3FA4] =	sst s7  }
0x10: {  	[smem:$0x3FA5] =	sst s8  }
0x11: {  	[smem:$0x3FA6] =	sst s9;
	s0 =	simm.s32 @!p0 $0x0  }
0x12: {  	s1 =	sld [smem:$0x3F8C];
	s0 =	simm.s32 @p0 $0x1  }
0x13: {  	[smem:$0x3FA7] =	sst s0;
	s0 =	simm.s32 @!p1 $0x0  }
0x14: {  	s2 =	sld [smem:$0x3F8B];
	s0 =	simm.s32 @p1 $0x1  }
0x15: {  	[smem:$0x3FA8] =	sst s0;
	s0 =	simm.s32 @!p2 $0x0  }
0x16: {  	s3 =	sld [smem:$0x3FDB];
	s0 =	simm.s32 @p2 $0x1  }
0x17: {  	s4 =	simm.s32 $0x1BF5;
	[smem:$0x3FAA] =	sst s0  }
0x18: {  	s0 =	sld [smem:$0x3F8D];
	_ =	swait.ge [sflag:s4], $0x0  }
0x19: {  	s7 =	sld [smem:$0x3F8E]  }
0x1a: {  	s8 =	sadd.s32 $0xFFFFE003, lr  }
0x1b: {  	s9 =	sadd.s32 $0xFFFFFEF7, lr;
	s5 =	simm.s32 $0xFFFFFFFF;
	p2 =	slt.u32 s8, $0xFFFFF086  }
0x1c: {  	p1 =	slt.u32 s9, $0xF7A;
	s5 =	simm.s32 @!p2 $0x0  }
0x1d: {  	s5 =	simm.s32 @p1 $0x1;
	p0 =	seq.s32 s7, s2  }
0x1e: {  	s7 =	smul.u32 @!p0 $0xF7A, s2;
	p2 =	seq.s32 @!p0 s5, $0x0  }
0x1f: {  	s9 =	smul.u32 $0xF7A, s1;
	s8 =	simm.s32 @!p0 $0x1BF5;
	p2 =	por !p2, p0  }
0x20: {  	[sflag:s8] =	ssyncset.s32 @!p0 $0xFFFFF086;
	s6 =	sadd.s32 @!p0 s3, s7;
	s7 =	simm.s32 @!p0 $0x108  }
0x21: {  	s3 =	sadd.s32 s3, s9;
	s6 =	sadd.s32 @!p0 $0x88, s6;
	s7 =	simm.s32 @p2 $0x1082  }
0x22: {  	[simem:s7], [sflag:s8] =	dma.local @!p0 [hbm:s6], $0xF7A  }
0x23: {  	s9 =	sor.u32 $0xD0000000, s2;
	s6 =	simm.s32 $0x108;
	_ =	swait.ge @!p0 [sflag:s8], $0x0  }
0x24: {  	s3 =	sadd.s32 $0x88, s3;
	s6 =	simm.s32 @!p1 $0x1082;
	[sflag:s4] =	ssyncset.s32 $0xFFFFF086  }
0x25: {  	[simem:s6], [sflag:s4] =	dma.local [hbm:s3], $0xF7A  }
0x26: {  	[smem:$0x3F8E] =	sst s1;
	(tag) =	ssettag s2;
	_ =	strace s9  }
0x27: {  	s1 =	sld [smem:$0x3F9E]  }
0x28: {  	s2 =	sld [smem:$0x3F9F]  }
0x29: {  	s4 =	sld [smem:$0x3FA1]  }
0x2a: {  	p0 =	seq.s32 s5, $0x0;
	s5 =	sld [smem:$0x3FA2]  }
0x2b: {  	s6 =	sld [smem:$0x3FA3]  }
0x2c: {  	s7 =	sld [smem:$0x3FA4]  }
0x2d: {  	s3 =	simm.s32 $0x108;
	s8 =	sld [smem:$0x3FA5]  }
0x2e: {  	s3 =	simm.s32 @!p0 $0x1082;
	s9 =	sld [smem:$0x3FA6]  }
0x2f: {  	lr =	sadd.s32 s0, s3;
	s0 =	sld [smem:$0x3F9D]  }
0x30: {  	s3 =	sld [smem:$0x3FA0]  }
0x31: {  	[smem:$0x3FA9] =	sst s10  }
0x32: {  	s10 =	sld [smem:$0x3FA7];
	_ =	sdelay $0x3  }
0x33: {  	p0 =	seq.s32 s10, $0x1;
	s10 =	sld [smem:$0x3FA9];
	_ =	sdelay $0x3  }
0x34: {  	[smem:$0x3FA9] =	sst s10  }
0x35: {  	s10 =	sld [smem:$0x3FA8];
	_ =	sdelay $0x3  }
0x36: {  	p1 =	seq.s32 s10, $0x1;
	s10 =	sld [smem:$0x3FA9];
	_ =	sdelay $0x3  }
0x37: {  	[smem:$0x3FA9] =	sst s10  }
0x38: {  	s10 =	sld [smem:$0x3FAA]  }
0x39: {  	_ = 	snop;
	(pc) =	sbr.ind lr, $3  }
0x3a: {  	_ = 	snop  }
0x3b: {  	_ = 	snop  }
0x3c: {  	p2 =	seq.s32 s10, $0x1;
	s10 =	sld [smem:$0x3FA9]  }
0x3d: {  	_ =	shalt  }
0x3e: {  	_ =	shalt  }
0x3f: {  	_ =	shalt  }
0x40: {  	_ =	shalt  }
0x41: {  	_ =	shalt  }
0x42: {  	_ =	shalt  }
0x43: {  	_ =	shalt  }
0x44: {  	_ =	shalt  }
0x45: {  	_ =	shalt  }
0x46: {  	_ =	shalt  }
0x47: {  	_ =	shalt  }
0x48: {  	_ =	shalt  }
0x49: {  	_ =	shalt  }
0x4a: {  	_ =	shalt  }
0x4b: {  	_ =	shalt  }
0x4c: {  	_ =	shalt  }
0x4d: {  	_ =	shalt  }
0x4e: {  	_ =	shalt  }
0x4f: {  	_ =	shalt  }
0x50: {  	_ =	shalt  }
0x51: {  	_ =	shalt  }
0x52: {  	_ =	shalt  }
0x53: {  	_ =	shalt  }
0x54: {  	_ =	shalt  }
0x55: {  	_ =	shalt  }
0x56: {  	_ =	shalt  }
0x57: {  	_ =	shalt  }
0x58: {  	_ =	shalt  }
0x59: {  	_ =	shalt  }
0x5a: {  	_ =	shalt  }
0x5b: {  	_ =	shalt  }
0x5c: {  	_ =	shalt  }
0x5d: {  	_ =	shalt  }
0x5e: {  	_ =	shalt  }
0x5f: {  	_ =	shalt  }
0x60: {  	_ =	shalt  }
0x61: {  	_ =	shalt  }
0x62: {  	_ =	shalt  }
0x63: {  	_ =	shalt  }
0x64: {  	_ =	shalt  }
0x65: {  	_ =	shalt  }
0x66: {  	_ =	shalt  }
0x67: {  	_ =	shalt  }
0x68: {  	_ =	shalt  }
0x69: {  	_ =	shalt  }
0x6a: {  	_ =	shalt  }
0x6b: {  	_ =	shalt  }
0x6c: {  	_ =	shalt  }
0x6d: {  	_ =	shalt  }
0x6e: {  	_ =	shalt  }
0x6f: {  	_ =	shalt  }
0x70: {  	_ =	shalt  }
0x71: {  	_ =	shalt  }
0x72: {  	_ =	shalt  }
0x73: {  	_ =	shalt  }
0x74: {  	_ =	shalt  }
0x75: {  	_ =	shalt  }
0x76: {  	_ =	shalt  }
0x77: {  	_ =	shalt  }
0x78: {  	_ =	shalt  }
0x79: {  	_ =	shalt  }
0x7a: {  	_ =	shalt  }
0x7b: {  	_ =	shalt  }
0x7c: {  	_ =	shalt  }
0x7d: {  	_ =	shalt  }
0x7e: {  	_ =	shalt  }
0x7f: {  	_ =	shalt  }
0x80: {  	_ =	shalt  }
0x81: {  	_ =	shalt  }
0x82: {  	_ =	shalt  }
0x83: {  	_ =	shalt  }
0x84: {  	_ =	shalt  }
0x85: {  	_ =	shalt  }
0x86: {  	_ =	shalt  }
0x87: {  	_ =	shalt  }
.Lfunc_end0:
.L_simem_size_0:
called_computation.3_lowered:
.L_overlay_start_0:
0x88: {  	s2 =	sld [smem:$0x3FD9]  }
0x89: {  	s3 =	sld [smem:$0x3FFE];
	_ =	sdelay $0x1  }
0x8a: {  	s1 =	srdreg.scid  }
0x8b: {  	s0 =	sand.u32 $0x1, s1  }
0x8c: {  	s16 =	sshll.u32 s0, $0xA;
	s2 =	sadd.s32 s3, s2  }
0x8d: {  	s2 =	sadd.s32 s2, s16  }
0x8e: {  	[smem:$0x3FB5] =	sst s2  }
0x8f: {  	_ = 	snop  }
0x90: {  	(tm) =	ssettm $0x1  }
0x91: {  	s17 =	sld [smem:$0x3FFB];
	_ =	sdelay $0x3  }
0x92: {  	_ =	strace s17  }
0x93: {  	s2 =	sld [smem:$0x3FFC];
	_ =	sdelay $0x3  }
0x94: {  	_ =	strace s2  }
0x95: {  	s2 =	sld [smem:$0x3FFD];
	_ =	sdelay $0x3  }
0x96: {  	_ =	strace s2  }
0x97: {  	_ =	strace $0x8FFFFFFF  }
0x98: {  	s18 =	sld [smem:$0x3FDB];
	_ =	sdelay $0x1  }
0x99: {  	s19 =	simm.s32 $_scs_section_size  }
0x9a: {  	s4 =	simm.s32 $_size__tile_overlayer_lowered;
	s5 =	simm.s32 $_tile_overlayer_lowered  }
0x9b: {  	s22 =	simm.s32 $0x1BFF;
	s21 =	sshll.u32 s5, $0x1;
	s2 =	sadd.s32 s19, s18  }
0x9c: {  	s6 =	simm.s32 $0x0;
	s20 =	sshll.u32 s4, $0x1;
	s4 =	sadd.s32 s21, s2  }
0x9d: {  	[timem:s6], [sflag:s22] =	dma.local [hbm:s4], s20  }
0x9e: {  	_ =	swait.ge [sflag:s22], s20  }
0x9f: {  	s3 =	ssub.s32 $0x0, s20;
	[sflag:s22] =	ssyncset.done $0x0  }
0xa0: {  	[sflag:s22] =	ssyncadd.s32 s3;
	_ =	sdelay $0x1  }
0xa1: {  	s23 =	simm.s32 $0x1B8B  }
0xa2: {  	_ =	swait.ge [sflag:s23], $0x1  }
0xa3: {  	[sflag:s23] =	ssyncset.done $0x0  }
0xa4: {  	s25 =	simm.s32 $0x1B8E;
	s24 =	sld [smem:$0x3FFE];
	[sflag:s23] =	ssyncadd.s32 $0xFFFFFFFF  }
0xa5: {  	s26 =	simm.s32 $execute0_lowered;
	[smem:$0x3FD2] =	sst s25  }
0xa6: {  	s4 =	sshll.u32 s26, $0x1;
	_ =	strace $0x8000004F;
	[dreg:$0x1] =	wrdreg $0xFFFFFFFF  }
0xa7: {  	s28 =	simm.s32 $_size_execute0_lowered;
	s2 =	sadd.s32 s2, s4;
	[dreg:$0x0] =	wrdreg $0x0  }
0xa8: {  	s4 =	sshll.u32 s28, $0x1;
	[dreg:$0x2] =	wrdreg s2  }
0xa9: {  	[dreg:$0x3] =	wrdreg s4  }
0xaa: {  	[dreg:$0x4] =	wrdreg $0xC0  }
0xab: {  	_ =	task [dreg:s6], $0x5FFFF  }
0xac: {  	[dreg:$0x1] =	wrdreg $0xFFFFFFFF  }
0xad: {  	[dreg:$0x0] =	wrdreg $0x60  }
0xae: {  	[dreg:$0x2] =	wrdreg s24  }
0xaf: {  	[dreg:$0x3] =	wrdreg $0x90000  }
0xb0: {  	[dreg:$0x4] =	wrdreg $0x9  }
0xb1: {  	_ =	task.clear_ibuf [dreg:s6], $0x5FFFF;
	_ =	strace $0x9000004F  }
0xb2: {  	s29 =	simm.s32 $0x9;
	_ =	strace $0x80000051  }
0xb3: {  	_ =	swait.ge [sflag:s29], $0x1  }
0xb4: {  	[sflag:s29] =	ssyncadd.s32 $0xFFFFFFFF  }
0xb5: {  	_ =	strace $0x90000051  }
0xb6: {  	_ =	sfence  }
0xb7: {  	s30 =	sld [smem:$0x0];
	_ =	sdelay $0x2  }
0xb8: {  	s31 =	sshll.u32 s1, $0xD;
	s1 =	sshrl.u32 s1, $0x2  }
0xb9: {  	s3 =	sand.u32 $0x4000, s31;
	s1 =	sadd.s32 s1, s30  }
0xba: {  	s0 =	sor.u32 s3, s0;
	s1 =	sshll.u32 s1, $0x11  }
0xbb: {  	s0 =	sor.u32 s1, s0  }
0xbc: {  	s0 =	sadd.s32 $0x8F2B, s0  }
0xbd: {  	[sflag:s0] =	ssyncadd.remote.s32 $0x1  }
0xbe: {  	_ =	sfence.sel $0xFFFF  }
0xbf: {  	[dreg:$0x0] =	wrdreg $0xFFFFFFFF;
	(pc) =	sbr.abs _section_cstart, $3  }
0xc0: {  	[dreg:$0x1] =	wrdreg $0xFFFFFFFF  }
0xc1: {  	_ =	task.clear_ibuf [dreg:s6], $0x2FFFF;
	_ =	strace $0x9FFFFFFF  }
0xc2: {  	(tm) =	ssettm $0x7FFFFFFF  }
0xc3: {  	_ =	shalt  }
tec
execute0_lowered:
.L_overlay_start_1:
0x0: {  	(tag) =	ssettag $0x1  }
0x1: {  	s6 =	rddreg [dreg:$0x0]  }
0x2: {  	s0 =	srdreg.scid;
	s2 =	rddreg [dreg:$0x1]  }
0x3: {  	s3 =	simm.s32 $0x0;
	s5 =	sand.u32 $0x1, s0;
	s0 =	stileid.u32  }
0x4: {  	s14 =	simm.s32 $0x5000;
	s15 =	simm.s32 $0x1;
	s16 =	smul.u32 $0x2800, s0  }
0x5: {  	[smem:$0x7FF] =	sst s3;
	s1 =	sshll.u32 s5, $0x4;
	s8 =	smul.u32 $0x28000, s5  }
0x6: {  	s5 =	ssub.s32 $0x2, s5;
	s28 =	smul.u32 $0x50000, s0;
	s31 =	sshll.u32 s0, $0x6  }
0x7: {  	s4 =	sor.u32 s0, s1;
	s1 =	rddreg [dreg:$0x2];
	_ =	strace $0x80000050  }
0x8: {  	s29 =	sshrl.u32 s5, $0x1;
	s7 =	smul.u32 $0x500, s4;
	s4 =	sadd.s32 $0x37800, s6  }
0x9: {  	s10 =	sadd.s32 s16, s6;
	s11 =	sadd.s32 s8, s6;
	s30 =	sshrl.u32 s28, $0x2  }
0xa: {  	s12 =	ssub.s32 s5, s29;
	s13 =	sadd.s32 s30, s2;
	s5 =	sadd.s32 $0xF800, s10  }
0xb: {  	s17 =	sadd.s32 $0x91800, s11;
	s11 =	simm.s32 $0x2;
	s9 =	sadd.s32 s7, s6  }
0xc: {  	s6 =	sor.u32 $0x1C02, s31;
	s10 =	sshrl.u32 s13, $0x3;
	s13 =	simm.s32 $0x7D  }
0xd: {  	s16 =	sadd.s32 s16, s17;
	s17 =	simm.s32 $0x0;
	s7 =	sadd.s32 $0x87800, s9  }
0xe: {  	s8 =	sadd.s32 $0x5800, s9;
	s9 =	smax.u32 s12, $0x1;
	s12 =	simm.s32 $0x2800  }
.LBB2_1:
0xf: {  	[spmem:s10], [sflag:s6] =	dma.local [hbm:s5], $0x2800  }
0x10: {  	_ =	swait.ge [sflag:s11], $0x2800  }
0x11: {  	[sflag:s11] =	ssyncset.done $0x0  }
0x12: {  	[sflag:s11] =	ssyncadd.s32 $0xFFFFD800  }
0x13: {  	[tilespmem:s3], [sflag:$0x2] =	stream.linear.gather [hbm4b:s7+s3], $0x2800, $0x38;
	[tilespmem:$0x1D000] =	vst v63  }
0x14: {  	_ =	swait.ge [sflag:s11], $0x2800  }
0x15: {  	[sflag:s11] =	ssyncset.done $0x0  }
0x16: {  	[sflag:s11] =	ssyncadd.s32 $0xFFFFD800  }
0x17: {  	[tilespmem:s12], [sflag:$0x2] =	stream.linear.gather [hbm4b:s8+s3], $0x2800, $0x38;
	[tilespmem:$0x1D000] =	vst v63  }
0x18: {  	_ =	swait.ge [sflag:s11], $0x2800  }
0x19: {  	[sflag:s11] =	ssyncset.done $0x0  }
0x1a: {  	[sflag:s11] =	ssyncadd.s32 $0xFFFFD800  }
0x1b: {  	s18 =	simm.s32 $0x0;
	[bflag:$0x0] =	sbarrier.arrive $0xFFFF  }
0x1c: {  	[tilespmem:s14], [sflag:$0x1] =	stream.indirect.gather [hbm4b:s4+s13], $0x80, s18, s13, $0xb8;
	[tilespmem:$0x1D000] =	vst v63  }
0x1d: {  	_ =	swait.ge [sflag:s15], $0x3E80  }
0x1e: {  	[sflag:s15] =	ssyncset.done $0x0  }
0x1f: {  	s31 =	simm.s32 $0x2800;
	[sflag:s15] =	ssyncadd.s32 $0xFFFFC180  }
0x20: {  	[spmem:s2] =	stream.indirect.scatter.add.f32 [tilespmem:s14], [sflag:$0x2], $0x80, s31, s13, $0xb8;
	[tilespmem:$0x1D000] =	vst v63  }
0x21: {  	_ =	swait.ge [sflag:s11], $0x3E80  }
0x22: {  	s19 =	simm.s32 $0x400;
	s18 =	simm.s32 $0x200;
	[sflag:s11] =	ssyncset.done $0x0  }
.LBB2_2:
0x23: {  	s20 =	sshra.s32 s18, $0x2  }
0x24: {  	[sflag:s11] =	ssyncadd.s32 $0xFFFFC180;
	s18 =	smov.u32 s19;
	s21 =	sadd.s32 $0x200, s19  }
0x25: {  	[tilespmem:s14], [sflag:$0x1] =	stream.indirect.gather [hbm4b:s4+s13], $0x80, s20, s13, $0xb8;
	[tilespmem:$0x1D000] =	vst v63  }
0x26: {  	p0 =	sne.s32 s19, $0x9E00;
	_ =	swait.ge [sflag:s15], $0x3E80  }
.Ltmp0:
0x27: {  	[sflag:s15] =	ssyncset.done $0x0;
	(pc) =	sbr.rel @p0 .LBB2_2-.Ltmp0, $4  }
0x28: {  	s19 =	sadd.s32 $0x2800, s20;
	[sflag:s15] =	ssyncadd.s32 $0xFFFFC180  }
0x29: {  	[spmem:s2] =	stream.indirect.scatter.add.f32 [tilespmem:s14], [sflag:$0x2], $0x80, s19, s13, $0xb8;
	[tilespmem:$0x1D000] =	vst v63  }
0x2a: {  	_ =	swait.ge [sflag:s11], $0x3E80  }
0x2b: {  	s19 =	smov.u32 s21;
	[sflag:s11] =	ssyncset.done $0x0  }
0x2c: {  	s18 =	sshra.s32 s18, $0x2;
	[sflag:s11] =	ssyncadd.s32 $0xFFFFC180  }
0x2d: {  	[tilespmem:s14], [sflag:$0x1] =	stream.indirect.gather [hbm4b:s4+s13], $0x80, s18, s13, $0xb8;
	[tilespmem:$0x1D000] =	vst v63  }
0x2e: {  	_ =	swait.ge [sflag:s15], $0x3E80  }
0x2f: {  	[sflag:s15] =	ssyncset.done $0x0  }
0x30: {  	s18 =	sadd.s32 $0x2800, s18;
	[sflag:s15] =	ssyncadd.s32 $0xFFFFC180  }
0x31: {  	[spmem:s2] =	stream.indirect.scatter.add.f32 [tilespmem:s14], [sflag:$0x2], $0x80, s18, s13, $0xb8;
	[tilespmem:$0x1D000] =	vst v63  }
0x32: {  	_ =	swait.ge [sflag:s11], $0x3E80  }
0x33: {  	s17 =	sadd.s32 $0x1, s17;
	[sflag:s11] =	ssyncset.done $0x0  }
0x34: {  	p0 =	sne.s32 s17, s9;
	[sflag:s11] =	ssyncadd.s32 $0xFFFFC180  }
.Ltmp1:
0x35: {  	[bflag:$0x0] =	sbarrier.arrive $0xFFFF;
	(pc) =	sbr.rel @p0 .LBB2_1-.Ltmp1, $4  }
0x36: {  	[hbm:s16], [sflag:s6] =	dma.local [spmem:s10], $0x2800  }
0x37: {  	_ =	swait.ge [sflag:s11], $0x2800  }
0x38: {  	[sflag:s11] =	ssyncset.done $0x0  }
0x39: {  	[sflag:s11] =	ssyncadd.s32 $0xFFFFD800  }
0x3a: {  	_ =	sfence.sel $0x180000  }
0x3b: {  	[bflag:$0x0] =	sbarrier.arrive $0xFFFF  }
0x3c: {  	p0 =	sne.s32 s0, $0x0;
	_ =	strace $0x90000050  }
0x3d: {  	s0 =	sadd.s32 @!p0 $0x100000, s1;
	[bflag:$0x2] =	sbarrier.arrive $0xFFFF  }
0x3e: {  	[sflag:s0] =	ssyncadd.tile.s32 @!p0 $0x1;
	_ =	shalt  }
.Lfunc_end2:
_tile_overlayer_lowered:
.L_overlay_start_2:
0x3f: {  	(tag) =	ssettag $0x2  }
0x40: {  	s0 =	rddreg [dreg:$0x0];
	s2 =	stileid.u32  }
0x41: {  	s1 =	rddreg [dreg:$0x1];
	p0 =	sne.s32 s2, $0x0  }
0x42: {  	s3 =	rddreg [dreg:$0x2];
	[bflag:$0x3] =	sbarrier.arrive $0xFFFF;
	s2 =	simm.s32 @!p0 $0x1C02  }
0x43: {  	[timem:s3], [sflag:s2] =	dma.local @!p0 [hbm:s0], s1  }
0x44: {  	s0 =	simm.s32 @!p0 $0x2  }
0x45: {  	_ =	swait.ge @!p0 [sflag:s0], s1  }
0x46: {  	s1 =	ssub.s32 @!p0 $0x0, s1;
	[sflag:s0] =	ssyncset.done @!p0 $0x0  }
0x47: {  	[sflag:s0] =	ssyncadd.s32 @!p0 s1  }
0x48: {  	[bflag:$0x3] =	sbarrier.arrive $0xFFFF  }
0x49: {  	_ =	shalt  }

// kernel: kernel.30.cloned.1.call-start
scs
__scs_entry_jumppad:
0x0: {  	(pc) =	sbr.rel $0x88, $3  }
0x1: {  	(tag) =	ssettag $0x0;
	lr =	simm.s32 $0x1  }
0x2: {  	[smem:$0x3F8E] =	sst lr;
	_ =	strace $0xD0000000  }
0x3: {  	_ = 	snop  }
0x4: {  	_ = 	snop  }
0x5: {  	_ = 	snop  }
0x6: {  	_ = 	snop  }
0x7: {  	_ = 	snop  }
__scs_overlays_trampoline_lowered:
0x8: {  	[smem:$0x3F9D] =	sst s0  }
0x9: {  	[smem:$0x3F9E] =	sst s1  }
0xa: {  	[smem:$0x3F9F] =	sst s2  }
0xb: {  	[smem:$0x3FA0] =	sst s3  }
0xc: {  	[smem:$0x3FA1] =	sst s4  }
0xd: {  	[smem:$0x3FA2] =	sst s5  }
0xe: {  	[smem:$0x3FA3] =	sst s6  }
0xf: {  	[smem:$0x3FA4] =	sst s7  }
0x10: {  	[smem:$0x3FA5] =	sst s8  }
0x11: {  	[smem:$0x3FA6] =	sst s9;
	s0 =	simm.s32 @!p0 $0x0  }
0x12: {  	s1 =	sld [smem:$0x3F8C];
	s0 =	simm.s32 @p0 $0x1  }
0x13: {  	[smem:$0x3FA7] =	sst s0;
	s0 =	simm.s32 @!p1 $0x0  }
0x14: {  	s2 =	sld [smem:$0x3F8B];
	s0 =	simm.s32 @p1 $0x1  }
0x15: {  	[smem:$0x3FA8] =	sst s0;
	s0 =	simm.s32 @!p2 $0x0  }
0x16: {  	s3 =	sld [smem:$0x3FDB];
	s0 =	simm.s32 @p2 $0x1  }
0x17: {  	s4 =	simm.s32 $0x1BF5;
	[smem:$0x3FAA] =	sst s0  }
0x18: {  	s0 =	sld [smem:$0x3F8D];
	_ =	swait.ge [sflag:s4], $0x0  }
0x19: {  	s7 =	sld [smem:$0x3F8E]  }
0x1a: {  	s8 =	sadd.s32 $0xFFFFE003, lr  }
0x1b: {  	s9 =	sadd.s32 $0xFFFFFEF7, lr;
	s5 =	simm.s32 $0xFFFFFFFF;
	p2 =	slt.u32 s8, $0xFFFFF086  }
0x1c: {  	p1 =	slt.u32 s9, $0xF7A;
	s5 =	simm.s32 @!p2 $0x0  }
0x1d: {  	s5 =	simm.s32 @p1 $0x1;
	p0 =	seq.s32 s7, s2  }
0x1e: {  	s7 =	smul.u32 @!p0 $0xF7A, s2;
	p2 =	seq.s32 @!p0 s5, $0x0  }
0x1f: {  	s9 =	smul.u32 $0xF7A, s1;
	s8 =	simm.s32 @!p0 $0x1BF5;
	p2 =	por !p2, p0  }
0x20: {  	[sflag:s8] =	ssyncset.s32 @!p0 $0xFFFFF086;
	s6 =	sadd.s32 @!p0 s3, s7;
	s7 =	simm.s32 @!p0 $0x108  }
0x21: {  	s3 =	sadd.s32 s3, s9;
	s6 =	sadd.s32 @!p0 $0x88, s6;
	s7 =	simm.s32 @p2 $0x1082  }
0x22: {  	[simem:s7], [sflag:s8] =	dma.local @!p0 [hbm:s6], $0xF7A  }
0x23: {  	s9 =	sor.u32 $0xD0000000, s2;
	s6 =	simm.s32 $0x108;
	_ =	swait.ge @!p0 [sflag:s8], $0x0  }
0x24: {  	s3 =	sadd.s32 $0x88, s3;
	s6 =	simm.s32 @!p1 $0x1082;
	[sflag:s4] =	ssyncset.s32 $0xFFFFF086  }
0x25: {  	[simem:s6], [sflag:s4] =	dma.local [hbm:s3], $0xF7A  }
0x26: {  	[smem:$0x3F8E] =	sst s1;
	(tag) =	ssettag s2;
	_ =	strace s9  }
0x27: {  	s1 =	sld [smem:$0x3F9E]  }
0x28: {  	s2 =	sld [smem:$0x3F9F]  }
0x29: {  	s4 =	sld [smem:$0x3FA1]  }
0x2a: {  	p0 =	seq.s32 s5, $0x0;
	s5 =	sld [smem:$0x3FA2]  }
0x2b: {  	s6 =	sld [smem:$0x3FA3]  }
0x2c: {  	s7 =	sld [smem:$0x3FA4]  }
0x2d: {  	s3 =	simm.s32 $0x108;
	s8 =	sld [smem:$0x3FA5]  }
0x2e: {  	s3 =	simm.s32 @!p0 $0x1082;
	s9 =	sld [smem:$0x3FA6]  }
0x2f: {  	lr =	sadd.s32 s0, s3;
	s0 =	sld [smem:$0x3F9D]  }
0x30: {  	s3 =	sld [smem:$0x3FA0]  }
0x31: {  	[smem:$0x3FA9] =	sst s10  }
0x32: {  	s10 =	sld [smem:$0x3FA7];
	_ =	sdelay $0x3  }
0x33: {  	p0 =	seq.s32 s10, $0x1;
	s10 =	sld [smem:$0x3FA9];
	_ =	sdelay $0x3  }
0x34: {  	[smem:$0x3FA9] =	sst s10  }
0x35: {  	s10 =	sld [smem:$0x3FA8];
	_ =	sdelay $0x3  }
0x36: {  	p1 =	seq.s32 s10, $0x1;
	s10 =	sld [smem:$0x3FA9];
	_ =	sdelay $0x3  }
0x37: {  	[smem:$0x3FA9] =	sst s10  }
0x38: {  	s10 =	sld [smem:$0x3FAA]  }
0x39: {  	_ = 	snop;
	(pc) =	sbr.ind lr, $3  }
0x3a: {  	_ = 	snop  }
0x3b: {  	_ = 	snop  }
0x3c: {  	p2 =	seq.s32 s10, $0x1;
	s10 =	sld [smem:$0x3FA9]  }
0x3d: {  	_ =	shalt  }
0x3e: {  	_ =	shalt  }
0x3f: {  	_ =	shalt  }
0x40: {  	_ =	shalt  }
0x41: {  	_ =	shalt  }
0x42: {  	_ =	shalt  }
0x43: {  	_ =	shalt  }
0x44: {  	_ =	shalt  }
0x45: {  	_ =	shalt  }
0x46: {  	_ =	shalt  }
0x47: {  	_ =	shalt  }
0x48: {  	_ =	shalt  }
0x49: {  	_ =	shalt  }
0x4a: {  	_ =	shalt  }
0x4b: {  	_ =	shalt  }
0x4c: {  	_ =	shalt  }
0x4d: {  	_ =	shalt  }
0x4e: {  	_ =	shalt  }
0x4f: {  	_ =	shalt  }
0x50: {  	_ =	shalt  }
0x51: {  	_ =	shalt  }
0x52: {  	_ =	shalt  }
0x53: {  	_ =	shalt  }
0x54: {  	_ =	shalt  }
0x55: {  	_ =	shalt  }
0x56: {  	_ =	shalt  }
0x57: {  	_ =	shalt  }
0x58: {  	_ =	shalt  }
0x59: {  	_ =	shalt  }
0x5a: {  	_ =	shalt  }
0x5b: {  	_ =	shalt  }
0x5c: {  	_ =	shalt  }
0x5d: {  	_ =	shalt  }
0x5e: {  	_ =	shalt  }
0x5f: {  	_ =	shalt  }
0x60: {  	_ =	shalt  }
0x61: {  	_ =	shalt  }
0x62: {  	_ =	shalt  }
0x63: {  	_ =	shalt  }
0x64: {  	_ =	shalt  }
0x65: {  	_ =	shalt  }
0x66: {  	_ =	shalt  }
0x67: {  	_ =	shalt  }
0x68: {  	_ =	shalt  }
0x69: {  	_ =	shalt  }
0x6a: {  	_ =	shalt  }
0x6b: {  	_ =	shalt  }
0x6c: {  	_ =	shalt  }
0x6d: {  	_ =	shalt  }
0x6e: {  	_ =	shalt  }
0x6f: {  	_ =	shalt  }
0x70: {  	_ =	shalt  }
0x71: {  	_ =	shalt  }
0x72: {  	_ =	shalt  }
0x73: {  	_ =	shalt  }
0x74: {  	_ =	shalt  }
0x75: {  	_ =	shalt  }
0x76: {  	_ =	shalt  }
0x77: {  	_ =	shalt  }
0x78: {  	_ =	shalt  }
0x79: {  	_ =	shalt  }
0x7a: {  	_ =	shalt  }
0x7b: {  	_ =	shalt  }
0x7c: {  	_ =	shalt  }
0x7d: {  	_ =	shalt  }
0x7e: {  	_ =	shalt  }
0x7f: {  	_ =	shalt  }
0x80: {  	_ =	shalt  }
0x81: {  	_ =	shalt  }
0x82: {  	_ =	shalt  }
0x83: {  	_ =	shalt  }
0x84: {  	_ =	shalt  }
0x85: {  	_ =	shalt  }
0x86: {  	_ =	shalt  }
0x87: {  	_ =	shalt  }
.Lfunc_end0:
.L_simem_size_0:
called_computation.4_lowered:
.L_overlay_start_0:
0x88: {  	s2 =	sld [smem:$0x3FD9]  }
0x89: {  	s3 =	sld [smem:$0x3FFE];
	_ =	sdelay $0x1  }
0x8a: {  	s1 =	srdreg.scid  }
0x8b: {  	s0 =	sand.u32 $0x1, s1  }
0x8c: {  	s16 =	sshll.u32 s0, $0xA;
	s2 =	sadd.s32 s3, s2  }
0x8d: {  	s2 =	sadd.s32 s2, s16  }
0x8e: {  	[smem:$0x3FB5] =	sst s2  }
0x8f: {  	_ = 	snop  }
0x90: {  	(tm) =	ssettm $0x1  }
0x91: {  	s17 =	sld [smem:$0x3FFB];
	_ =	sdelay $0x3  }
0x92: {  	_ =	strace s17  }
0x93: {  	s2 =	sld [smem:$0x3FFC];
	_ =	sdelay $0x3  }
0x94: {  	_ =	strace s2  }
0x95: {  	s2 =	sld [smem:$0x3FFD];
	_ =	sdelay $0x3  }
0x96: {  	_ =	strace s2  }
0x97: {  	_ =	strace $0x8FFFFFFF  }
0x98: {  	s18 =	sld [smem:$0x3FDB];
	_ =	sdelay $0x1  }
0x99: {  	s19 =	simm.s32 $_scs_section_size  }
0x9a: {  	s4 =	simm.s32 $_size__tile_overlayer_lowered;
	s5 =	simm.s32 $_tile_overlayer_lowered  }
0x9b: {  	s22 =	simm.s32 $0x1BFF;
	s21 =	sshll.u32 s5, $0x1;
	s2 =	sadd.s32 s19, s18  }
0x9c: {  	s6 =	simm.s32 $0x0;
	s20 =	sshll.u32 s4, $0x1;
	s4 =	sadd.s32 s21, s2  }
0x9d: {  	[timem:s6], [sflag:s22] =	dma.local [hbm:s4], s20  }
0x9e: {  	_ =	swait.ge [sflag:s22], s20  }
0x9f: {  	s3 =	ssub.s32 $0x0, s20;
	[sflag:s22] =	ssyncset.done $0x0  }
0xa0: {  	[sflag:s22] =	ssyncadd.s32 s3;
	_ =	sdelay $0x1  }
0xa1: {  	s23 =	simm.s32 $0x1B8B  }
0xa2: {  	_ =	swait.ge [sflag:s23], $0x1  }
0xa3: {  	[sflag:s23] =	ssyncset.done $0x0  }
0xa4: {  	s25 =	simm.s32 $0x1B8E;
	s24 =	sld [smem:$0x3FFE];
	[sflag:s23] =	ssyncadd.s32 $0xFFFFFFFF  }
0xa5: {  	s26 =	simm.s32 $execute0_lowered;
	[smem:$0x3FD2] =	sst s25  }
0xa6: {  	s4 =	sshll.u32 s26, $0x1;
	_ =	strace $0x80000052;
	[dreg:$0x1] =	wrdreg $0xFFFFFFFF  }
0xa7: {  	s28 =	simm.s32 $_size_execute0_lowered;
	s2 =	sadd.s32 s2, s4;
	[dreg:$0x0] =	wrdreg $0x0  }
0xa8: {  	s4 =	sshll.u32 s28, $0x1;
	[dreg:$0x2] =	wrdreg s2  }
0xa9: {  	[dreg:$0x3] =	wrdreg s4  }
0xaa: {  	[dreg:$0x4] =	wrdreg $0xC0  }
0xab: {  	_ =	task [dreg:s6], $0x5FFFF  }
0xac: {  	[dreg:$0x1] =	wrdreg $0xFFFFFFFF  }
0xad: {  	[dreg:$0x0] =	wrdreg $0x60  }
0xae: {  	[dreg:$0x2] =	wrdreg s24  }
0xaf: {  	[dreg:$0x3] =	wrdreg $0x28800  }
0xb0: {  	[dreg:$0x4] =	wrdreg $0x9  }
0xb1: {  	_ =	task.clear_ibuf [dreg:s6], $0x5FFFF;
	_ =	strace $0x90000052  }
0xb2: {  	s29 =	simm.s32 $0x9;
	_ =	strace $0x80000054  }
0xb3: {  	_ =	swait.ge [sflag:s29], $0x1  }
0xb4: {  	[sflag:s29] =	ssyncadd.s32 $0xFFFFFFFF  }
0xb5: {  	_ =	strace $0x90000054  }
0xb6: {  	_ =	sfence  }
0xb7: {  	s30 =	sld [smem:$0x0];
	_ =	sdelay $0x2  }
0xb8: {  	s31 =	sshll.u32 s1, $0xD;
	s1 =	sshrl.u32 s1, $0x2  }
0xb9: {  	s3 =	sand.u32 $0x4000, s31;
	s1 =	sadd.s32 s1, s30  }
0xba: {  	s0 =	sor.u32 s3, s0;
	s1 =	sshll.u32 s1, $0x11  }
0xbb: {  	s0 =	sor.u32 s1, s0  }
0xbc: {  	s0 =	sadd.s32 $0x8F2B, s0  }
0xbd: {  	[sflag:s0] =	ssyncadd.remote.s32 $0x1  }
0xbe: {  	_ =	sfence.sel $0xFFFF  }
0xbf: {  	[dreg:$0x0] =	wrdreg $0xFFFFFFFF;
	(pc) =	sbr.abs _section_cstart, $3  }
0xc0: {  	[dreg:$0x1] =	wrdreg $0xFFFFFFFF  }
0xc1: {  	_ =	task.clear_ibuf [dreg:s6], $0x2FFFF;
	_ =	strace $0x9FFFFFFF  }
0xc2: {  	(tm) =	ssettm $0x7FFFFFFF  }
0xc3: {  	_ =	shalt  }
tec
execute0_lowered:
.L_overlay_start_1:
0x0: {  	(tag) =	ssettag $0x1  }
0x1: {  	s22 =	rddreg [dreg:$0x0]  }
0x2: {  	s2 =	rddreg [dreg:$0x1]  }
0x3: {  	s0 =	rddreg [dreg:$0x2];
	s3 =	simm.s32 $0x0;
	s4 =	srdreg.scid  }
0x4: {  	s1 =	stileid.u32;
	[smem:$0x7FF] =	sst s3;
	s24 =	sand.u32 $0x1, s4  }
0x5: {  	s23 =	sshll.u32 s1, $0x7;
	s20 =	sshll.u32 s1, $0xA;
	s21 =	sshll.u32 s1, $0x6  }
0x6: {  	_ =	strace $0x80000053;
	s4 =	sshll.u32 s24, $0x4;
	s5 =	sadd.s32 s23, s22  }
0x7: {  	s6 =	sadd.s32 s20, s2;
	s17 =	sor.u32 s1, s4;
	s4 =	sadd.s32 $0x2CA00, s5  }
0x8: {  	s5 =	sor.u32 $0x1C01, s21;
	s7 =	sshrl.u32 s6, $0x3;
	s6 =	simm.s32 $0x1  }
0x9: {  	[spmem:s7], [sflag:s5] =	dma.local [hbm:s4], $0x80  }
0xa: {  	s16 =	sadd.s32 $0x5800, s22;
	_ =	swait.ge [sflag:s6], $0x80  }
0xb: {  	s8 =	smul.u32 $0x500, s17;
	s9 =	sshll.u32 s17, $0x7;
	[sflag:s6] =	ssyncset.done $0x0  }
0xc: {  	s20 =	sand.u32 $0x380, s23;
	s10 =	sand.u32 $0xC00, s9;
	[sflag:s6] =	ssyncadd.s32 $0xFFFFFF80  }
0xd: {  	s9 =	simm.s32 $0x80;
	s8 =	sadd.s32 s16, s8;
	[bflag:$0x0] =	sbarrier.arrive $0xFFFF  }
0xe: {  	[tilespmem:s9], [sflag:$0x1] =	stream.linear.gather [hbm4b:s8+s3], $0x2800, $0x38;
	[tilespmem:$0x2C80] =	vst v63  }
0xf: {  	s10 =	sor.u32 s20, s10;
	_ =	swait.ge [sflag:s6], $0x2800  }
0x10: {  	s21 =	sadd.s32 $0x5EA00, s22;
	s10 =	sshrl.u32 s10, $0x3;
	[sflag:s6] =	ssyncset.done $0x0  }
0x11: {  	s10 =	sadd.s32 s21, s10;
	[sflag:s6] =	ssyncadd.s32 $0xFFFFD800  }
0x12: {  	[tilespmem:s3], [sflag:$0x1] =	stream.linear.gather [hbm4b:s10+s3], $0x80, $0x38;
	[tilespmem:$0x2C80] =	vst v63  }
0x13: {  	_ =	swait.ge [sflag:s6], $0x80  }
0x14: {  	[sflag:s6] =	ssyncset.done $0x0  }
0x15: {  	s11 =	simm.s32 $0x50;
	s12 =	sor.u32 $0x20, s17;
	[sflag:s6] =	ssyncadd.s32 $0xFFFFFF80  }
0x16: {  	[spmem:s2] =	stream.indirect.scatter.add.f32 [tilespmem:s9], [sflag:$0x1], $0x80, s3, s11, $0xb8;
	[tilespmem:$0x2C80] =	vst v63  }
0x17: {  	s13 =	smul.u32 $0x500, s12;
	_ =	swait.ge [sflag:s6], $0x2800  }
0x18: {  	s14 =	sshll.u32 s12, $0x7;
	[sflag:s6] =	ssyncset.done $0x0  }
0x19: {  	s25 =	sand.u32 $0x1C00, s14;
	s12 =	sadd.s32 s16, s13;
	[sflag:s6] =	ssyncadd.s32 $0xFFFFD800  }
0x1a: {  	[tilespmem:s9], [sflag:$0x1] =	stream.linear.gather [hbm4b:s12+s3], $0x2800, $0x38;
	[tilespmem:$0x2C80] =	vst v63  }
0x1b: {  	s13 =	sor.u32 s20, s25;
	_ =	swait.ge [sflag:s6], $0x2800  }
0x1c: {  	s13 =	sshrl.u32 s13, $0x3;
	[sflag:s6] =	ssyncset.done $0x0  }
0x1d: {  	s13 =	sadd.s32 s21, s13;
	[sflag:s6] =	ssyncadd.s32 $0xFFFFD800  }
0x1e: {  	[tilespmem:s3], [sflag:$0x1] =	stream.linear.gather [hbm4b:s13+s3], $0x80, $0x38;
	[tilespmem:$0x2C80] =	vst v63  }
0x1f: {  	_ =	swait.ge [sflag:s6], $0x80  }
0x20: {  	[sflag:s6] =	ssyncset.done $0x0  }
0x21: {  	s26 =	sor.u32 $0x40, s17;
	[sflag:s6] =	ssyncadd.s32 $0xFFFFFF80  }
0x22: {  	[spmem:s2] =	stream.indirect.scatter.add.f32 [tilespmem:s9], [sflag:$0x1], $0x80, s3, s11, $0xb8;
	[tilespmem:$0x2C80] =	vst v63  }
0x23: {  	s15 =	smul.u32 $0x500, s26;
	_ =	swait.ge [sflag:s6], $0x2800  }
0x24: {  	s18 =	sshll.u32 s26, $0x7;
	[sflag:s6] =	ssyncset.done $0x0  }
0x25: {  	s28 =	sand.u32 $0x2C00, s18;
	s14 =	sadd.s32 s16, s15;
	[sflag:s6] =	ssyncadd.s32 $0xFFFFD800  }
0x26: {  	[tilespmem:s9], [sflag:$0x1] =	stream.linear.gather [hbm4b:s14+s3], $0x2800, $0x38;
	[tilespmem:$0x2C80] =	vst v63  }
0x27: {  	s15 =	sor.u32 s20, s28;
	_ =	swait.ge [sflag:s6], $0x2800  }
0x28: {  	s15 =	sshrl.u32 s15, $0x3;
	[sflag:s6] =	ssyncset.done $0x0  }
0x29: {  	s15 =	sadd.s32 s21, s15;
	[sflag:s6] =	ssyncadd.s32 $0xFFFFD800  }
0x2a: {  	[tilespmem:s3], [sflag:$0x1] =	stream.linear.gather [hbm4b:s15+s3], $0x80, $0x38;
	[tilespmem:$0x2C80] =	vst v63  }
0x2b: {  	_ =	swait.ge [sflag:s6], $0x80  }
0x2c: {  	s29 =	sor.u32 $0x60, s17;
	[sflag:s6] =	ssyncset.done $0x0  }
0x2d: {  	p0 =	sgt.u32 s17, $0x1C;
	s19 =	smul.u32 $0x500, s29;
	[sflag:s6] =	ssyncadd.s32 $0xFFFFFF80  }
0x2e: {  	[spmem:s2] =	stream.indirect.scatter.add.f32 [tilespmem:s9], [sflag:$0x1], $0x80, s3, s11, $0xb8;
	[tilespmem:$0x2C80] =	vst v63  }
0x2f: {  	s17 =	simm.s32 @!p0 $0x1;
	s18 =	sshll.u32 s29, $0x7;
	_ =	swait.ge [sflag:s6], $0x2800  }
0x30: {  	s16 =	sadd.s32 s16, s19;
	s25 =	sand.u32 $0x3C00, s18;
	[sflag:s6] =	ssyncset.done $0x0  }
0x31: {  	s18 =	simm.s32 @!p0 $0x0;
	s19 =	simm.s32 @!p0 $0x80;
	[sflag:s6] =	ssyncadd.s32 $0xFFFFD800  }
0x32: {  	[tilespmem:s19], [sflag:$0x1] =	stream.linear.gather @!p0 [hbm4b:s16+s18], $0x2800, $0x38;
	[tilespmem:$0x2C80] =	vst v63  }
0x33: {  	s20 =	sor.u32 s20, s25;
	_ =	swait.ge @!p0 [sflag:s17], $0x2800  }
0x34: {  	s30 =	ssub.s32 $0x2, s24;
	s20 =	sshrl.u32 s20, $0x3;
	[sflag:s17] =	ssyncset.done @!p0 $0x0  }
0x35: {  	s24 =	sshll.u32 s24, $0xB;
	s20 =	sadd.s32 s21, s20;
	[sflag:s17] =	ssyncadd.s32 @!p0 $0xFFFFD800  }
0x36: {  	[tilespmem:s18], [sflag:$0x1] =	stream.linear.gather @!p0 [hbm4b:s20+s18], $0x80, $0x38;
	[tilespmem:$0x2C80] =	vst v63  }
0x37: {  	s22 =	sadd.s32 s24, s22;
	s26 =	sshrl.u32 s30, $0x1;
	_ =	swait.ge @!p0 [sflag:s17], $0x80  }
0x38: {  	s22 =	sadd.s32 $0x2D200, s22;
	s31 =	ssub.s32 s30, s26;
	[sflag:s17] =	ssyncset.done @!p0 $0x0  }
0x39: {  	s24 =	smax.u32 s31, $0x1;
	s21 =	simm.s32 @!p0 $0x50;
	[sflag:s17] =	ssyncadd.s32 @!p0 $0xFFFFFF80  }
0x3a: {  	[spmem:s2] =	stream.indirect.scatter.add.f32 @!p0 [tilespmem:s19], [sflag:$0x1], $0x80, s18, s21, $0xb8;
	[tilespmem:$0x2C80] =	vst v63  }
0x3b: {  	s22 =	sadd.s32 s23, s22;
	s23 =	sadd.s32 $0xFFFFFFFF, s24;
	_ =	swait.ge @!p0 [sflag:s17], $0x2800  }
0x3c: {  	p1 =	sne.s32 s23, $0x0;
	[sflag:s17] =	ssyncset.done @!p0 $0x0  }
.Ltmp0:
0x3d: {  	[sflag:s17] =	ssyncadd.s32 @!p0 $0xFFFFD800;
	(pc) =	sbr.rel @!p1 .LBB2_2-.Ltmp0, $4  }
0x3e: {  	[bflag:$0x0] =	sbarrier.arrive $0xFFFF  }
0x3f: {  	[hbm:s22], [sflag:s5] =	dma.local [spmem:s7], $0x80  }
0x40: {  	_ =	swait.ge [sflag:s6], $0x80  }
0x41: {  	[sflag:s6] =	ssyncset.done $0x0  }
.LBB2_1:
0x42: {  	s23 =	sadd.s32 $0xFFFFFFFF, s23;
	[sflag:s6] =	ssyncadd.s32 $0xFFFFFF80  }
0x43: {  	[spmem:s7], [sflag:s5] =	dma.local [hbm:s4], $0x80  }
0x44: {  	p1 =	sne.s32 s23, $0x0;
	_ =	swait.ge [sflag:s6], $0x80  }
0x45: {  	[sflag:s6] =	ssyncset.done $0x0  }
0x46: {  	[sflag:s6] =	ssyncadd.s32 $0xFFFFFF80  }
0x47: {  	[bflag:$0x0] =	sbarrier.arrive $0xFFFF  }
0x48: {  	[tilespmem:s9], [sflag:$0x1] =	stream.linear.gather [hbm4b:s8+s3], $0x2800, $0x38;
	[tilespmem:$0x2C80] =	vst v63  }
0x49: {  	_ =	swait.ge [sflag:s6], $0x2800  }
0x4a: {  	[sflag:s6] =	ssyncset.done $0x0  }
0x4b: {  	[sflag:s6] =	ssyncadd.s32 $0xFFFFD800  }
0x4c: {  	[tilespmem:s3], [sflag:$0x1] =	stream.linear.gather [hbm4b:s10+s3], $0x80, $0x38;
	[tilespmem:$0x2C80] =	vst v63  }
0x4d: {  	_ =	swait.ge [sflag:s6], $0x80  }
0x4e: {  	[sflag:s6] =	ssyncset.done $0x0  }
0x4f: {  	[sflag:s6] =	ssyncadd.s32 $0xFFFFFF80  }
0x50: {  	[spmem:s2] =	stream.indirect.scatter.add.f32 [tilespmem:s9], [sflag:$0x1], $0x80, s3, s11, $0xb8;
	[tilespmem:$0x2C80] =	vst v63  }
0x51: {  	_ =	swait.ge [sflag:s6], $0x2800  }
0x52: {  	[sflag:s6] =	ssyncset.done $0x0  }
0x53: {  	[sflag:s6] =	ssyncadd.s32 $0xFFFFD800  }
0x54: {  	[tilespmem:s9], [sflag:$0x1] =	stream.linear.gather [hbm4b:s12+s3], $0x2800, $0x38;
	[tilespmem:$0x2C80] =	vst v63  }
0x55: {  	_ =	swait.ge [sflag:s6], $0x2800  }
0x56: {  	[sflag:s6] =	ssyncset.done $0x0  }
0x57: {  	[sflag:s6] =	ssyncadd.s32 $0xFFFFD800  }
0x58: {  	[tilespmem:s3], [sflag:$0x1] =	stream.linear.gather [hbm4b:s13+s3], $0x80, $0x38;
	[tilespmem:$0x2C80] =	vst v63  }
0x59: {  	_ =	swait.ge [sflag:s6], $0x80  }
0x5a: {  	[sflag:s6] =	ssyncset.done $0x0  }
0x5b: {  	[sflag:s6] =	ssyncadd.s32 $0xFFFFFF80  }
0x5c: {  	[spmem:s2] =	stream.indirect.scatter.add.f32 [tilespmem:s9], [sflag:$0x1], $0x80, s3, s11, $0xb8;
	[tilespmem:$0x2C80] =	vst v63  }
0x5d: {  	_ =	swait.ge [sflag:s6], $0x2800  }
0x5e: {  	[sflag:s6] =	ssyncset.done $0x0  }
0x5f: {  	[sflag:s6] =	ssyncadd.s32 $0xFFFFD800  }
0x60: {  	[tilespmem:s9], [sflag:$0x1] =	stream.linear.gather [hbm4b:s14+s3], $0x2800, $0x38;
	[tilespmem:$0x2C80] =	vst v63  }
0x61: {  	_ =	swait.ge [sflag:s6], $0x2800  }
0x62: {  	[sflag:s6] =	ssyncset.done $0x0  }
0x63: {  	[sflag:s6] =	ssyncadd.s32 $0xFFFFD800  }
0x64: {  	[tilespmem:s3], [sflag:$0x1] =	stream.linear.gather [hbm4b:s15+s3], $0x80, $0x38;
	[tilespmem:$0x2C80] =	vst v63  }
0x65: {  	_ =	swait.ge [sflag:s6], $0x80  }
0x66: {  	[sflag:s6] =	ssyncset.done $0x0  }
0x67: {  	[sflag:s6] =	ssyncadd.s32 $0xFFFFFF80  }
0x68: {  	[spmem:s2] =	stream.indirect.scatter.add.f32 [tilespmem:s9], [sflag:$0x1], $0x80, s3, s11, $0xb8;
	[tilespmem:$0x2C80] =	vst v63  }
0x69: {  	_ =	swait.ge [sflag:s6], $0x2800  }
0x6a: {  	[sflag:s6] =	ssyncset.done $0x0  }
0x6b: {  	[sflag:s6] =	ssyncadd.s32 $0xFFFFD800  }
0x6c: {  	[tilespmem:s19], [sflag:$0x1] =	stream.linear.gather @!p0 [hbm4b:s16+s18], $0x2800, $0x38;
	[tilespmem:$0x2C80] =	vst v63  }
0x6d: {  	_ =	swait.ge @!p0 [sflag:s17], $0x2800  }
0x6e: {  	[sflag:s17] =	ssyncset.done @!p0 $0x0  }
0x6f: {  	[sflag:s17] =	ssyncadd.s32 @!p0 $0xFFFFD800  }
0x70: {  	[tilespmem:s18], [sflag:$0x1] =	stream.linear.gather @!p0 [hbm4b:s20+s18], $0x80, $0x38;
	[tilespmem:$0x2C80] =	vst v63  }
0x71: {  	_ =	swait.ge @!p0 [sflag:s17], $0x80  }
0x72: {  	[sflag:s17] =	ssyncset.done @!p0 $0x0  }
0x73: {  	[sflag:s17] =	ssyncadd.s32 @!p0 $0xFFFFFF80  }
0x74: {  	[spmem:s2] =	stream.indirect.scatter.add.f32 @!p0 [tilespmem:s19], [sflag:$0x1], $0x80, s18, s21, $0xb8;
	[tilespmem:$0x2C80] =	vst v63  }
0x75: {  	_ =	swait.ge @!p0 [sflag:s17], $0x2800  }
0x76: {  	[sflag:s17] =	ssyncset.done @!p0 $0x0  }
.Ltmp1:
0x77: {  	[sflag:s17] =	ssyncadd.s32 @!p0 $0xFFFFD800;
	(pc) =	sbr.rel @p1 .LBB2_1-.Ltmp1, $4  }
0x78: {  	[bflag:$0x0] =	sbarrier.arrive $0xFFFF  }
0x79: {  	[hbm:s22], [sflag:s5] =	dma.local [spmem:s7], $0x80  }
0x7a: {  	_ =	swait.ge [sflag:s6], $0x80  }
0x7b: {  	[sflag:s6] =	ssyncset.done $0x0  }
.LBB2_2:
0x7c: {  	[sflag:s6] =	ssyncadd.s32 $0xFFFFFF80  }
0x7d: {  	_ =	sfence.sel $0x180000  }
0x7e: {  	[bflag:$0x0] =	sbarrier.arrive $0xFFFF  }
0x7f: {  	p0 =	sne.s32 s1, $0x0;
	_ =	strace $0x90000053  }
0x80: {  	s0 =	sadd.s32 @!p0 $0x100000, s0;
	[bflag:$0x2] =	sbarrier.arrive $0xFFFF  }
0x81: {  	[sflag:s0] =	ssyncadd.tile.s32 @!p0 $0x1;
	_ =	shalt  }
.Lfunc_end2:
_tile_overlayer_lowered:
.L_overlay_start_2:
0x82: {  	(tag) =	ssettag $0x2  }
0x83: {  	s0 =	rddreg [dreg:$0x0];
	s2 =	stileid.u32  }
0x84: {  	s1 =	rddreg [dreg:$0x1];
	p0 =	sne.s32 s2, $0x0  }
0x85: {  	s3 =	rddreg [dreg:$0x2];
	[bflag:$0x3] =	sbarrier.arrive $0xFFFF;
	s2 =	simm.s32 @!p0 $0x1C01  }
0x86: {  	[timem:s3], [sflag:s2] =	dma.local @!p0 [hbm:s0], s1  }
0x87: {  	s0 =	simm.s32 @!p0 $0x1  }
0x88: {  	_ =	swait.ge @!p0 [sflag:s0], s1  }
0x89: {  	s1 =	ssub.s32 @!p0 $0x0, s1;
	[sflag:s0] =	ssyncset.done @!p0 $0x0  }
0x8a: {  	[sflag:s0] =	ssyncadd.s32 @!p0 s1  }
0x8b: {  	[bflag:$0x3] =	sbarrier.arrive $0xFFFF  }
0x8c: {  	_ =	shalt  }

</sc_bundles>
